<compile_context>
chip_gen: v7x
topology: tpu7x:2x2x1
jax: 0.10.2.dev20260603
libtpu: 0.0.44.dev20260713+nightly
codegen_flags: <defaults>
</compile_context>

<pallas_src>
import functools

import jax
import jax.numpy as jnp
from jax import lax
from jax.experimental import pallas as pl
from jax.experimental.pallas import tpu as pltpu
from jax.experimental.pallas import tpu_sc as plsc

V = 1000000
E = 64
H = 64
B = 4096
S = 20
BS = B * S

NC = 2
NS = 16
NW = NC * NS
CHUNK = 128
CH = BS // (NW * CHUNK)

NB = 512


CB = 512
NCHW = 63
WSTRIDE = 31232
LCAP = 4352
CCAP = 192
IDXP = BS // 4


@functools.lru_cache(maxsize=None)
def _make_gather():
    mesh = plsc.VectorSubcoreMesh(core_axis_name="c", subcore_axis_name="s")
    L = 16

    @functools.partial(
        pl.kernel,
        mesh=mesh,
        out_type=jax.ShapeDtypeStruct((BS * E,), jnp.float32),
        scratch_types=[
            pltpu.VMEM((IDXP,), jnp.int32),
            pltpu.VMEM((LCAP,), jnp.int32),
            pltpu.VMEM((LCAP,), jnp.int32),
            pltpu.VMEM((CCAP,), jnp.int32),
            pltpu.VMEM((CCAP,), jnp.int32),
            pltpu.VMEM((2, E, CB), jnp.float32),
            pltpu.VMEM((E, E), jnp.float32),
            pltpu.VMEM((16, E), jnp.float32),
            pltpu.SemaphoreType.DMA,
            pltpu.SemaphoreType.DMA,
        ],
        compiler_params=pltpu.CompilerParams(needs_layout_passes=False),
    )
    def gather(emb_hbm, idx_hbm, x_hbm, idxp_v, mem_v, mem_f, sub_c, sub_f,
               slab_v, tail_v, stage_v, gsem, wsem):
        w = lax.axis_index("s") * NC + lax.axis_index("c")
        lo = w * WSTRIDE
        iota = lax.iota(jnp.int32, L)

        VLAST = 999424

        def slab_start(c):
            rb = pl.multiple_of(jnp.minimum(c * CB + lo, VLAST), 128)
            for q in range(4):
                pltpu.async_copy(
                    emb_hbm.at[pl.ds(q * 16, 16), pl.ds(rb, CB)],
                    slab_v.at[c % 2, pl.ds(q * 16, 16)], gsem)

        slab_start(0)

        hi = jnp.minimum(lo + NCHW * CB, V)

        def piece(p, n):
            pltpu.sync_copy(idx_hbm.at[pl.ds(p * IDXP, IDXP)], idxp_v)

            def scan(g, n):
                vv = idxp_v[pl.ds(g * L, L)]
                fv = p * IDXP + g * L + iota
                m = (vv >= lo) & (vv < hi)
                plsc.store_compressed(mem_v.at[pl.ds(n, L)], vv, mask=m)
                plsc.store_compressed(mem_f.at[pl.ds(n, L)], fv, mask=m)
                return n + jnp.sum(m.astype(jnp.int32))

            return lax.fori_loop(0, IDXP // L, scan, n)

        n = lax.fori_loop(0, 4, piece, 0)

        e_rows = [lax.iota(jnp.int32, L) + k * L for k in range(E // L)]

        def chunk(c, _):
            for q in range(4):
                pltpu.make_async_copy(
                    emb_hbm.at[pl.ds(0, 16), pl.ds(0, CB)],
                    slab_v.at[0, pl.ds(0, 16)], gsem).wait()

            @pl.when(c + 1 < NCHW)
            def _():
                slab_start(c + 1)

            rb = jnp.minimum(lo + c * CB, VLAST)

            def rescan(g, nc):
                vv = mem_v[pl.ds(g * L, L)]
                fv = mem_f[pl.ds(g * L, L)]
                m = (vv >= rb) & (vv < rb + CB) & (g * L + iota < n)
                plsc.store_compressed(sub_c.at[pl.ds(nc, L)], vv - rb, mask=m)
                plsc.store_compressed(sub_f.at[pl.ds(nc, L)], fv, mask=m)
                return nc + jnp.sum(m.astype(jnp.int32))

            nc = lax.fori_loop(0, (n + L - 1) // L, rescan, 0)
            nc = jnp.minimum(nc, CCAP)

            def member(i, _):
                csp = plsc.load_gather(sub_c, [jnp.full((L,), i, jnp.int32)])
                fsp = plsc.load_gather(sub_f, [jnp.full((L,), i, jnp.int32)])
                f = jnp.max(fsp)
                ring = i % 16

                @pl.when(i >= 16)
                def _():
                    pltpu.make_async_copy(
                        stage_v.at[0], x_hbm.at[pl.ds(0, E)], wsem).wait()

                for k in range(E // L):
                    stage_v[ring, pl.ds(k * L, L)] = plsc.load_gather(
                        slab_v.at[c % 2], [e_rows[k], csp])
                pltpu.async_copy(
                    stage_v.at[ring], x_hbm.at[pl.ds(f * E, E)], wsem)
                return 0

            lax.fori_loop(0, nc, member, 0)

            def drain(i, _):
                pltpu.make_async_copy(
                    stage_v.at[0], x_hbm.at[pl.ds(0, E)], wsem).wait()
                return 0

            lax.fori_loop(0, jnp.minimum(nc, 16), drain, 0)
            return 0

        lax.fori_loop(0, NCHW, chunk, 0)

        TB = V - VLAST - CB
        pltpu.async_copy(
            emb_hbm.at[:, pl.ds(V - TB, TB)], tail_v.at[:, pl.ds(0, TB)],
            gsem).wait()

        def rescan_t(g, nc):
            vv = mem_v[pl.ds(g * L, L)]
            fv = mem_f[pl.ds(g * L, L)]
            m = (vv >= V - TB) & (g * L + iota < n)
            plsc.store_compressed(sub_c.at[pl.ds(nc, L)], vv - (V - TB),
                                  mask=m)
            plsc.store_compressed(sub_f.at[pl.ds(nc, L)], fv, mask=m)
            return nc + jnp.sum(m.astype(jnp.int32))

        nct = lax.fori_loop(0, (n + L - 1) // L, rescan_t, 0)
        nct = jnp.minimum(nct, CCAP)

        def member_t(i, _):
            csp = plsc.load_gather(sub_c, [jnp.full((L,), i, jnp.int32)])
            fsp = plsc.load_gather(sub_f, [jnp.full((L,), i, jnp.int32)])
            f = jnp.max(fsp)
            ring = i % 2
            for k in range(E // L):
                stage_v[ring, pl.ds(k * L, L)] = plsc.load_gather(
                    tail_v, [e_rows[k], csp])
            pltpu.sync_copy(stage_v.at[ring], x_hbm.at[pl.ds(f * E, E)])
            return 0

        lax.fori_loop(0, nct, member_t, 0)

    return gather


def _gru_body(x_ref, wx, wh, bx, bh, out_ref, hid_ref):
    dot = functools.partial(jnp.dot, preferred_element_type=jnp.float32)
    hp = jnp.zeros((NB // 2, 2 * H), jnp.float32)
    G = 2 * H
    for t in range(S):
        xt = x_ref[t]
        gx = dot(xt, wx[...]) + bx[...]
        gh = dot(hp, wh[...]) + bh[...]
        r = jax.nn.sigmoid(gx[:, 0:G] + gh[:, 0:G])
        z = jax.nn.sigmoid(gx[:, G:2 * G] + gh[:, G:2 * G])
        n = jnp.tanh(gx[:, 2 * G:3 * G] + r * gh[:, 2 * G:3 * G])
        hp = n + z * (hp - n)
        hpT = hp.T
        out_ref[pl.ds(t * H, H), :] = jnp.concatenate(
            [hpT[0:H], hpT[H:2 * H]], axis=1)
    hpT = hp.T
    hid_ref[...] = jnp.concatenate([hpT[0:H], hpT[H:2 * H]], axis=1)


@functools.lru_cache(maxsize=None)
def _make_gru():
    wspec = pl.BlockSpec((2 * E, 6 * H), lambda b: (0, 0))
    bspec = pl.BlockSpec((1, 6 * H), lambda b: (0, 0))
    return pl.pallas_call(
        _gru_body,
        grid=(B // NB,),
        in_specs=[
            pl.BlockSpec((S, NB // 2, 2 * E), lambda b: (0, b, 0)),
            wspec, wspec, bspec, bspec,
        ],
        out_specs=[
            pl.BlockSpec((S * H, NB), lambda b: (0, b)),
            pl.BlockSpec((H, NB), lambda b: (0, b)),
        ],
        out_shape=[
            jax.ShapeDtypeStruct((S * H, B), jnp.float32),
            jax.ShapeDtypeStruct((H, B), jnp.float32),
        ],
        compiler_params=pltpu.CompilerParams(
            dimension_semantics=("arbitrary",)),
    )


def kernel(input, emb, W_ih, W_hh, b_ih, b_hh):
    inp_p = (input.astype(jnp.int32).T
             .reshape(S, B // NB, 2, NB // 2)
             .transpose(0, 1, 3, 2))
    idx = inp_p.reshape(BS)
    emb_t = emb.T
    x = _make_gather()(emb_t, idx)
    x3 = x.reshape(S, B // 2, 2 * E)

    eye2 = jnp.eye(2, dtype=jnp.float32)
    Wx = jnp.concatenate(
        [jnp.kron(eye2, W_ih[g * H:(g + 1) * H].T) for g in range(3)], axis=1)
    Wh = jnp.concatenate(
        [jnp.kron(eye2, W_hh[g * H:(g + 1) * H].T) for g in range(3)], axis=1)
    br = jnp.tile(b_ih[0:H] + b_hh[0:H], 2)
    bz = jnp.tile(b_ih[H:2 * H] + b_hh[H:2 * H], 2)
    bi_n = jnp.tile(b_ih[2 * H:3 * H], 2)
    bh_n = jnp.tile(b_hh[2 * H:3 * H], 2)
    bx = jnp.concatenate([br, bz, bi_n]).reshape(1, 6 * H)
    bh = jnp.concatenate(
        [jnp.zeros(4 * H, jnp.float32), bh_n]).reshape(1, 6 * H)

    out_t, hid_t = _make_gru()(x3, Wx, Wh, bx, bh)
    output = jnp.transpose(out_t.reshape(S, H, B), (2, 0, 1))
    hidden = jnp.transpose(hid_t, (1, 0))[None]
    return output, hidden

# --- scband reference (transcript-rebuilt; emitter-appended) ---
"""Pipeline reference for scband-encoder-rnn-25271587569673 (READ-ONLY COPY).

The authoritative reference and input builder live on the scoring server;
editing this copy changes nothing except your own understanding.
"""

import jax, jax.numpy as jnp
import numpy as np

V = 1000000
E = 64
H = 64
B = 4096
S = 20


def setup_inputs(seed: int = 0) -> dict:
    key = jax.random.key(seed)
    k0, k1, k2, k3, k4, k5 = jax.random.split(key, 6)
    inp = jax.random.randint(k0, (B, S), 0, V)
    emb = jax.random.normal(k1, (V, E), dtype=jnp.float32) * 0.02
    W_ih = jax.random.normal(k2, (3 * H, E), dtype=jnp.float32) * 0.05
    W_hh = jax.random.normal(k3, (3 * H, H), dtype=jnp.float32) * 0.05
    b_ih = jax.random.normal(k4, (3 * H,), dtype=jnp.float32) * 0.05
    b_hh = jax.random.normal(k5, (3 * H,), dtype=jnp.float32) * 0.05
    return {"input": inp, "emb": emb, "W_ih": W_ih, "W_hh": W_hh, "b_ih": b_ih, "b_hh": b_hh}


def reference(input, emb, W_ih, W_hh, b_ih, b_hh):
    # embedding lookup (dropout p=0.0 / eval mode -> identity)
    x = jnp.take(emb, input, axis=0)  # [B, S, E]

    def step(h, xt):
        gi = xt @ W_ih.T + b_ih
        gh = h @ W_hh.T + b_hh
        i_r, i_z, i_n = jnp.split(gi, 3, axis=-1)
        h_r, h_z, h_n = jnp.split(gh, 3, axis=-1)
        r = jax.nn.sigmoid(i_r + h_r)
        z = jax.nn.sigmoid(i_z + h_z)
        n = jnp.tanh(i_n + r * h_n)
        h_new = (1.0 - z) * n + z * h
        return h_new, h_new

    h0 = jnp.zeros((B, H), dtype=x.dtype)
    xs = jnp.swapaxes(x, 0, 1)  # [S, B, E]
    hT, outs = jax.lax.scan(step, h0, xs)
    output = jnp.swapaxes(outs, 0, 1)  # [B, S, H]
    hidden = hT[None]  # [1, B, H]
    return (output, hidden)

if __name__ == "__main__":
    import jax
    _d = setup_inputs()
    print(jax.jit(kernel)(*tuple(_d.values())))

</pallas_src>

<mosaic_0001>
#map = affine_map<(d0, d1) -> (0, 0)>
#map1 = affine_map<(d0, d1) -> (0)>
module attributes {stable_mosaic.version = 14 : i64} {
  func.func @gather(%arg0: i32, %arg1: i32, %arg2: memref<64x1000000xf32, #tpu.memory_space<hbm>>, %arg3: memref<81920xi32, #tpu.memory_space<hbm>>, %arg4: memref<5242880xf32, #tpu.memory_space<hbm>>, %arg5: memref<20480xi32, #tpu.memory_space<vmem>>, %arg6: memref<4352xi32, #tpu.memory_space<vmem>>, %arg7: memref<4352xi32, #tpu.memory_space<vmem>>, %arg8: memref<192xi32, #tpu.memory_space<vmem>>, %arg9: memref<192xi32, #tpu.memory_space<vmem>>, %arg10: memref<2x64x512xf32, #tpu.memory_space<vmem>>, %arg11: memref<64x64xf32, #tpu.memory_space<vmem>>, %arg12: memref<16x64xf32, #tpu.memory_space<vmem>>, %arg13: memref<!tpu.dma_semaphore, #tpu.memory_space<semaphore_mem>>, %arg14: memref<!tpu.dma_semaphore, #tpu.memory_space<semaphore_mem>>) attributes {dimension_semantics = [#tpu.dimension_semantics<core_parallel>, #tpu.dimension_semantics<subcore_parallel>], iteration_bounds = array<i64: 2, 16>, scalar_prefetch = 0 : i64, scratch_operands = 10 : i64, tpu.core_type = #tpu.core_type<sc_vector_subcore>, window_params = [{transform_indices = #map}, {transform_indices = #map1}, {transform_indices = #map1}]} {
    %mul3A = arith.constant 2 : i32
    %mul3A_0 = arith.muli %arg1, %mul3A : i32
    %add3A = arith.addi %mul3A_0, %arg0 : i32
    %mul3A_1 = arith.constant 31232 : i32
    %mul3A_2 = arith.muli %add3A, %mul3A_1 : i32
    %iota3A = tpu.iota {dimensions = array<i32: 0>} : vector<16xi32>
    %add3A_3 = arith.constant 0 : i32
    %add3A_4 = arith.addi %add3A_3, %mul3A_2 : i32
    %min3A = arith.constant 999424 : i32
    %min3A_5 = arith.minsi %add3A_4, %min3A : i32
    %multiple_of3A = tpu.assume_multiple %min3A_5, 128 : i32
    %dma_start3A = arith.constant 0 : i32
    %dma_start3A_6 = arith.constant 0 : i32
    %dma_start3A_7 = arith.constant 0 : i32
    %dma_start3A_8 = tpu.memref_slice %arg10[%dma_start3A, %dma_start3A_6, %dma_start3A_7] : memref<2x64x512xf32, #tpu.memory_space<vmem>> -> memref<1x16x512xf32, #tpu.memory_space<vmem>>
    %dma_start3A_9 = tpu.memref_squeeze %dma_start3A_8 : memref<1x16x512xf32, #tpu.memory_space<vmem>> -> memref<16x512xf32, #tpu.memory_space<vmem>>
    %dma_start3A_10 = arith.constant 0 : i32
    %dma_start3A_11 = tpu.memref_slice %arg2[%dma_start3A_10, %multiple_of3A] : memref<64x1000000xf32, #tpu.memory_space<hbm>> -> memref<16x512xf32, #tpu.memory_space<hbm>>
    %dma_start3A_12 = arith.constant 0 : i32
    %dma_start3A_13 = arith.constant 0 : i32
    %dma_start3A_14 = tpu.memref_slice %arg10[%dma_start3A, %dma_start3A_12, %dma_start3A_13] : memref<2x64x512xf32, #tpu.memory_space<vmem>> -> memref<1x16x512xf32, #tpu.memory_space<vmem>>
    %dma_start3A_15 = tpu.memref_squeeze %dma_start3A_14 : memref<1x16x512xf32, #tpu.memory_space<vmem>> -> memref<16x512xf32, #tpu.memory_space<vmem>>
    %dma_start3A_16 = arith.constant 0 : i32
    %dma_start3A_17 = tpu.memref_slice %arg2[%dma_start3A_16, %multiple_of3A] : memref<64x1000000xf32, #tpu.memory_space<hbm>> -> memref<16x512xf32, #tpu.memory_space<hbm>>
    tpu.enqueue_dma source(%dma_start3A_17 : memref<16x512xf32, #tpu.memory_space<hbm>>) target(%dma_start3A_15 : memref<16x512xf32, #tpu.memory_space<vmem>>) target_semaphore(%arg13 : memref<!tpu.dma_semaphore, #tpu.memory_space<semaphore_mem>>)
    %dma_start3A_18 = arith.constant 0 : i32
    %dma_start3A_19 = arith.constant 16 : i32
    %dma_start3A_20 = arith.constant 0 : i32
    %dma_start3A_21 = tpu.memref_slice %arg10[%dma_start3A_18, %dma_start3A_19, %dma_start3A_20] : memref<2x64x512xf32, #tpu.memory_space<vmem>> -> memref<1x16x512xf32, #tpu.memory_space<vmem>>
    %dma_start3A_22 = tpu.memref_squeeze %dma_start3A_21 : memref<1x16x512xf32, #tpu.memory_space<vmem>> -> memref<16x512xf32, #tpu.memory_space<vmem>>
    %dma_start3A_23 = arith.constant 16 : i32
    %dma_start3A_24 = tpu.memref_slice %arg2[%dma_start3A_23, %multiple_of3A] : memref<64x1000000xf32, #tpu.memory_space<hbm>> -> memref<16x512xf32, #tpu.memory_space<hbm>>
    %dma_start3A_25 = arith.constant 16 : i32
    %dma_start3A_26 = arith.constant 0 : i32
    %dma_start3A_27 = tpu.memref_slice %arg10[%dma_start3A_18, %dma_start3A_25, %dma_start3A_26] : memref<2x64x512xf32, #tpu.memory_space<vmem>> -> memref<1x16x512xf32, #tpu.memory_space<vmem>>
    %dma_start3A_28 = tpu.memref_squeeze %dma_start3A_27 : memref<1x16x512xf32, #tpu.memory_space<vmem>> -> memref<16x512xf32, #tpu.memory_space<vmem>>
    %dma_start3A_29 = arith.constant 16 : i32
    %dma_start3A_30 = tpu.memref_slice %arg2[%dma_start3A_29, %multiple_of3A] : memref<64x1000000xf32, #tpu.memory_space<hbm>> -> memref<16x512xf32, #tpu.memory_space<hbm>>
    tpu.enqueue_dma source(%dma_start3A_30 : memref<16x512xf32, #tpu.memory_space<hbm>>) target(%dma_start3A_28 : memref<16x512xf32, #tpu.memory_space<vmem>>) target_semaphore(%arg13 : memref<!tpu.dma_semaphore, #tpu.memory_space<semaphore_mem>>)
    %dma_start3A_31 = arith.constant 0 : i32
    %dma_start3A_32 = arith.constant 32 : i32
    %dma_start3A_33 = arith.constant 0 : i32
    %dma_start3A_34 = tpu.memref_slice %arg10[%dma_start3A_31, %dma_start3A_32, %dma_start3A_33] : memref<2x64x512xf32, #tpu.memory_space<vmem>> -> memref<1x16x512xf32, #tpu.memory_space<vmem>>
    %dma_start3A_35 = tpu.memref_squeeze %dma_start3A_34 : memref<1x16x512xf32, #tpu.memory_space<vmem>> -> memref<16x512xf32, #tpu.memory_space<vmem>>
    %dma_start3A_36 = arith.constant 32 : i32
    %dma_start3A_37 = tpu.memref_slice %arg2[%dma_start3A_36, %multiple_of3A] : memref<64x1000000xf32, #tpu.memory_space<hbm>> -> memref<16x512xf32, #tpu.memory_space<hbm>>
    %dma_start3A_38 = arith.constant 32 : i32
    %dma_start3A_39 = arith.constant 0 : i32
    %dma_start3A_40 = tpu.memref_slice %arg10[%dma_start3A_31, %dma_start3A_38, %dma_start3A_39] : memref<2x64x512xf32, #tpu.memory_space<vmem>> -> memref<1x16x512xf32, #tpu.memory_space<vmem>>
    %dma_start3A_41 = tpu.memref_squeeze %dma_start3A_40 : memref<1x16x512xf32, #tpu.memory_space<vmem>> -> memref<16x512xf32, #tpu.memory_space<vmem>>
    %dma_start3A_42 = arith.constant 32 : i32
    %dma_start3A_43 = tpu.memref_slice %arg2[%dma_start3A_42, %multiple_of3A] : memref<64x1000000xf32, #tpu.memory_space<hbm>> -> memref<16x512xf32, #tpu.memory_space<hbm>>
    tpu.enqueue_dma source(%dma_start3A_43 : memref<16x512xf32, #tpu.memory_space<hbm>>) target(%dma_start3A_41 : memref<16x512xf32, #tpu.memory_space<vmem>>) target_semaphore(%arg13 : memref<!tpu.dma_semaphore, #tpu.memory_space<semaphore_mem>>)
    %dma_start3A_44 = arith.constant 0 : i32
    %dma_start3A_45 = arith.constant 48 : i32
    %dma_start3A_46 = arith.constant 0 : i32
    %dma_start3A_47 = tpu.memref_slice %arg10[%dma_start3A_44, %dma_start3A_45, %dma_start3A_46] : memref<2x64x512xf32, #tpu.memory_space<vmem>> -> memref<1x16x512xf32, #tpu.memory_space<vmem>>
    %dma_start3A_48 = tpu.memref_squeeze %dma_start3A_47 : memref<1x16x512xf32, #tpu.memory_space<vmem>> -> memref<16x512xf32, #tpu.memory_space<vmem>>
    %dma_start3A_49 = arith.constant 48 : i32
    %dma_start3A_50 = tpu.memref_slice %arg2[%dma_start3A_49, %multiple_of3A] : memref<64x1000000xf32, #tpu.memory_space<hbm>> -> memref<16x512xf32, #tpu.memory_space<hbm>>
    %dma_start3A_51 = arith.constant 48 : i32
    %dma_start3A_52 = arith.constant 0 : i32
    %dma_start3A_53 = tpu.memref_slice %arg10[%dma_start3A_44, %dma_start3A_51, %dma_start3A_52] : memref<2x64x512xf32, #tpu.memory_space<vmem>> -> memref<1x16x512xf32, #tpu.memory_space<vmem>>
    %dma_start3A_54 = tpu.memref_squeeze %dma_start3A_53 : memref<1x16x512xf32, #tpu.memory_space<vmem>> -> memref<16x512xf32, #tpu.memory_space<vmem>>
    %dma_start3A_55 = arith.constant 48 : i32
    %dma_start3A_56 = tpu.memref_slice %arg2[%dma_start3A_55, %multiple_of3A] : memref<64x1000000xf32, #tpu.memory_space<hbm>> -> memref<16x512xf32, #tpu.memory_space<hbm>>
    tpu.enqueue_dma source(%dma_start3A_56 : memref<16x512xf32, #tpu.memory_space<hbm>>) target(%dma_start3A_54 : memref<16x512xf32, #tpu.memory_space<vmem>>) target_semaphore(%arg13 : memref<!tpu.dma_semaphore, #tpu.memory_space<semaphore_mem>>)
    %add3A_57 = arith.constant 32256 : i32
    %add3A_58 = arith.addi %mul3A_2, %add3A_57 : i32
    %min3A_59 = arith.constant 1000000 : i32
    %min3A_60 = arith.minsi %add3A_58, %min3A_59 : i32
    %scan3A = arith.constant 0 : i32
    %scan3A_61 = arith.constant 0 : i32
    %scan3A_62 = arith.constant 4 : i32
    %scan3A_63 = arith.addi %scan3A_61, %scan3A_62 : i32
    %scan3A_64 = arith.constant 1 : i32
    %scan3A_65 = scf.for %scan3A_158 = %scan3A_61 to %scan3A_63 step %scan3A_64 iter_args(%scan3A_159 = %scan3A) -> (i32)  : i32 {
      %mul3A_160 = arith.constant 20480 : i32
      %mul3A_161 = arith.muli %scan3A_158, %mul3A_160 : i32
      "tpu.region"() ({
        %run_scoped3A = tpu.sem_alloc : memref<!tpu.dma_semaphore, #tpu.memory_space<semaphore_mem>>
        %dma_start3A_168 = tpu.memref_slice %arg3[%mul3A_161] : memref<81920xi32, #tpu.memory_space<hbm>> -> memref<20480xi32, #tpu.memory_space<hbm>>
        %dma_start3A_169 = tpu.memref_slice %arg3[%mul3A_161] : memref<81920xi32, #tpu.memory_space<hbm>> -> memref<20480xi32, #tpu.memory_space<hbm>>
        tpu.enqueue_dma source(%dma_start3A_169 : memref<20480xi32, #tpu.memory_space<hbm>>) target(%arg5 : memref<20480xi32, #tpu.memory_space<vmem>>) target_semaphore(%run_scoped3A : memref<!tpu.dma_semaphore, #tpu.memory_space<semaphore_mem>>)
        %dma_wait3A_170 = tpu.memref_slice %arg3[%mul3A_161] : memref<81920xi32, #tpu.memory_space<hbm>> -> memref<20480xi32, #tpu.memory_space<hbm>>
        %dma_wait3A_171 = tpu.memref_slice %arg3[%mul3A_161] : memref<81920xi32, #tpu.memory_space<hbm>> -> memref<20480xi32, #tpu.memory_space<hbm>>
        tpu.wait_dma2 semaphore(%run_scoped3A : memref<!tpu.dma_semaphore, #tpu.memory_space<semaphore_mem>>) src(%dma_wait3A_171 : memref<20480xi32, #tpu.memory_space<hbm>>) dst(%arg5 : memref<20480xi32, #tpu.memory_space<vmem>>)
        tpu.yield
      }) : () -> ()
      %scan3A_162 = arith.constant 0 : i32
      %scan3A_163 = arith.constant 1280 : i32
      %scan3A_164 = arith.addi %scan3A_162, %scan3A_163 : i32
      %scan3A_165 = arith.constant 1 : i32
      %scan3A_166 = scf.for %scan3A_168 = %scan3A_162 to %scan3A_164 step %scan3A_165 iter_args(%scan3A_169 = %scan3A_159) -> (i32)  : i32 {
        %mul3A_170 = arith.constant 16 : i32
        %mul3A_171 = arith.muli %scan3A_168, %mul3A_170 : i32
        %get3A = arith.index_cast %mul3A_171 : i32 to index
        %get3A_172 = tpu.vector_load %arg5[%get3A] {strides = array<i32>} : memref<20480xi32, #tpu.memory_space<vmem>>, vector<16xi32>,
        %mul3A_173 = arith.constant 20480 : i32
        %mul3A_174 = arith.muli %scan3A_158, %mul3A_173 : i32
        %mul3A_175 = arith.constant 16 : i32
        %mul3A_176 = arith.muli %scan3A_168, %mul3A_175 : i32
        %add3A_177 = arith.addi %mul3A_174, %mul3A_176 : i32
        %add3A_178 = vector.broadcast %add3A_177 : i32 to vector<16xi32>
        %add3A_179 = arith.addi %add3A_178, %iota3A : vector<16xi32>
        %ge3A = vector.broadcast %mul3A_2 : i32 to vector<16xi32>
        %ge3A_180 = arith.cmpi sge, %get3A_172, %ge3A : vector<16xi32>
        %lt3A = vector.broadcast %min3A_60 : i32 to vector<16xi32>
        %lt3A_181 = arith.cmpi slt, %get3A_172, %lt3A : vector<16xi32>
        %and3A_182 = arith.andi %ge3A_180, %lt3A_181 : vector<16xi1>
        %swap3A = arith.index_cast %scan3A_169 : i32 to index
        %swap3A_183 = tpu.vector_load %arg6[%swap3A] masked %and3A_182 {strides = array<i32>} : memref<4352xi32, #tpu.memory_space<vmem>>, vector<16xi32>, vector<16xi1>
        tpu.vector_store %arg6[%swap3A], %get3A_172 masked %and3A_182 {strides = array<i32>} : memref<4352xi32, #tpu.memory_space<vmem>>, vector<16xi32>, vector<16xi1>
        %swap3A_184 = arith.index_cast %scan3A_169 : i32 to index
        %swap3A_185 = tpu.vector_load %arg7[%swap3A_184] masked %and3A_182 {strides = array<i32>} : memref<4352xi32, #tpu.memory_space<vmem>>, vector<16xi32>, vector<16xi1>
        tpu.vector_store %arg7[%swap3A_184], %add3A_179 masked %and3A_182 {strides = array<i32>} : memref<4352xi32, #tpu.memory_space<vmem>>, vector<16xi32>, vector<16xi1>
        %convert_element_type3A = arith.extui %and3A_182 : vector<16xi1> to vector<16xi32>
        %reduce_sum3A = arith.constant true
        %reduce_sum3A_186 = vector.broadcast %reduce_sum3A : i1 to vector<16xi1>
        %reduce_sum3A_187 = tpu.scan <sum>, %convert_element_type3A masked %reduce_sum3A_186 : vector<16xi32>, vector<16xi1> -> vector<16xi32>
        %reduce_sum3A_188 = vector.extract %reduce_sum3A_187[15] : i32 from vector<16xi32>
        %add3A_189 = arith.addi %scan3A_169, %reduce_sum3A_188 : i32
        scf.yield %add3A_189 : i32
      }
      %scan3A_167 = arith.constant 1280 : i32
      scf.yield %scan3A_166 : i32
    }
    %scan3A_66 = arith.constant 4 : i32
    %iota3A_67 = tpu.iota {dimensions = array<i32: 0>} : vector<16xi32>
    %add3A_68 = arith.constant 0 : i32
    %add3A_69 = vector.broadcast %add3A_68 : i32 to vector<16xi32>
    %add3A_70 = arith.addi %iota3A_67, %add3A_69 : vector<16xi32>
    %iota3A_71 = tpu.iota {dimensions = array<i32: 0>} : vector<16xi32>
    %add3A_72 = arith.constant 16 : i32
    %add3A_73 = vector.broadcast %add3A_72 : i32 to vector<16xi32>
    %add3A_74 = arith.addi %iota3A_71, %add3A_73 : vector<16xi32>
    %iota3A_75 = tpu.iota {dimensions = array<i32: 0>} : vector<16xi32>
    %add3A_76 = arith.constant 32 : i32
    %add3A_77 = vector.broadcast %add3A_76 : i32 to vector<16xi32>
    %add3A_78 = arith.addi %iota3A_75, %add3A_77 : vector<16xi32>
    %iota3A_79 = tpu.iota {dimensions = array<i32: 0>} : vector<16xi32>
    %add3A_80 = arith.constant 48 : i32
    %add3A_81 = vector.broadcast %add3A_80 : i32 to vector<16xi32>
    %add3A_82 = arith.addi %iota3A_79, %add3A_81 : vector<16xi32>
    %scan3A_83 = arith.constant 0 : i32
    %scan3A_84 = arith.constant 0 : i32
    %scan3A_85 = arith.constant 63 : i32
    %scan3A_86 = arith.addi %scan3A_84, %scan3A_85 : i32
    %scan3A_87 = arith.constant 1 : i32
    %scan3A_88 = scf.for %scan3A_158 = %scan3A_84 to %scan3A_86 step %scan3A_87 iter_args(%scan3A_159 = %scan3A_83) -> (i32)  : i32 {
      %dma_wait3A_160 = arith.constant 0 : i32
      %dma_wait3A_161 = arith.constant 0 : i32
      %dma_wait3A_162 = arith.constant 0 : i32
      %dma_wait3A_163 = tpu.memref_slice %arg10[%dma_wait3A_160, %dma_wait3A_161, %dma_wait3A_162] : memref<2x64x512xf32, #tpu.memory_space<vmem>> -> memref<1x16x512xf32, #tpu.memory_space<vmem>>
      %dma_wait3A_164 = tpu.memref_squeeze %dma_wait3A_163 : memref<1x16x512xf32, #tpu.memory_space<vmem>> -> memref<16x512xf32, #tpu.memory_space<vmem>>
      %dma_wait3A_165 = arith.constant 0 : i32
      %dma_wait3A_166 = arith.constant 0 : i32
      %dma_wait3A_167 = tpu.memref_slice %arg2[%dma_wait3A_165, %dma_wait3A_166] : memref<64x1000000xf32, #tpu.memory_space<hbm>> -> memref<16x512xf32, #tpu.memory_space<hbm>>
      %dma_wait3A_168 = arith.constant 0 : i32
      %dma_wait3A_169 = arith.constant 0 : i32
      %dma_wait3A_170 = tpu.memref_slice %arg10[%dma_wait3A_160, %dma_wait3A_168, %dma_wait3A_169] : memref<2x64x512xf32, #tpu.memory_space<vmem>> -> memref<1x16x512xf32, #tpu.memory_space<vmem>>
      %dma_wait3A_171 = tpu.memref_squeeze %dma_wait3A_170 : memref<1x16x512xf32, #tpu.memory_space<vmem>> -> memref<16x512xf32, #tpu.memory_space<vmem>>
      %dma_wait3A_172 = arith.constant 0 : i32
      %dma_wait3A_173 = arith.constant 0 : i32
      %dma_wait3A_174 = tpu.memref_slice %arg2[%dma_wait3A_172, %dma_wait3A_173] : memref<64x1000000xf32, #tpu.memory_space<hbm>> -> memref<16x512xf32, #tpu.memory_space<hbm>>
      tpu.wait_dma2 semaphore(%arg13 : memref<!tpu.dma_semaphore, #tpu.memory_space<semaphore_mem>>) src(%dma_wait3A_174 : memref<16x512xf32, #tpu.memory_space<hbm>>) dst(%dma_wait3A_171 : memref<16x512xf32, #tpu.memory_space<vmem>>)
      %dma_wait3A_175 = arith.constant 0 : i32
      %dma_wait3A_176 = arith.constant 0 : i32
      %dma_wait3A_177 = arith.constant 0 : i32
      %dma_wait3A_178 = tpu.memref_slice %arg10[%dma_wait3A_175, %dma_wait3A_176, %dma_wait3A_177] : memref<2x64x512xf32, #tpu.memory_space<vmem>> -> memref<1x16x512xf32, #tpu.memory_space<vmem>>
      %dma_wait3A_179 = tpu.memref_squeeze %dma_wait3A_178 : memref<1x16x512xf32, #tpu.memory_space<vmem>> -> memref<16x512xf32, #tpu.memory_space<vmem>>
      %dma_wait3A_180 = arith.constant 0 : i32
      %dma_wait3A_181 = arith.constant 0 : i32
      %dma_wait3A_182 = tpu.memref_slice %arg2[%dma_wait3A_180, %dma_wait3A_181] : memref<64x1000000xf32, #tpu.memory_space<hbm>> -> memref<16x512xf32, #tpu.memory_space<hbm>>
      %dma_wait3A_183 = arith.constant 0 : i32
      %dma_wait3A_184 = arith.constant 0 : i32
      %dma_wait3A_185 = tpu.memref_slice %arg10[%dma_wait3A_175, %dma_wait3A_183, %dma_wait3A_184] : memref<2x64x512xf32, #tpu.memory_space<vmem>> -> memref<1x16x512xf32, #tpu.memory_space<vmem>>
      %dma_wait3A_186 = tpu.memref_squeeze %dma_wait3A_185 : memref<1x16x512xf32, #tpu.memory_space<vmem>> -> memref<16x512xf32, #tpu.memory_space<vmem>>
      %dma_wait3A_187 = arith.constant 0 : i32
      %dma_wait3A_188 = arith.constant 0 : i32
      %dma_wait3A_189 = tpu.memref_slice %arg2[%dma_wait3A_187, %dma_wait3A_188] : memref<64x1000000xf32, #tpu.memory_space<hbm>> -> memref<16x512xf32, #tpu.memory_space<hbm>>
      tpu.wait_dma2 semaphore(%arg13 : memref<!tpu.dma_semaphore, #tpu.memory_space<semaphore_mem>>) src(%dma_wait3A_189 : memref<16x512xf32, #tpu.memory_space<hbm>>) dst(%dma_wait3A_186 : memref<16x512xf32, #tpu.memory_space<vmem>>)
      %dma_wait3A_190 = arith.constant 0 : i32
      %dma_wait3A_191 = arith.constant 0 : i32
      %dma_wait3A_192 = arith.constant 0 : i32
      %dma_wait3A_193 = tpu.memref_slice %arg10[%dma_wait3A_190, %dma_wait3A_191, %dma_wait3A_192] : memref<2x64x512xf32, #tpu.memory_space<vmem>> -> memref<1x16x512xf32, #tpu.memory_space<vmem>>
      %dma_wait3A_194 = tpu.memref_squeeze %dma_wait3A_193 : memref<1x16x512xf32, #tpu.memory_space<vmem>> -> memref<16x512xf32, #tpu.memory_space<vmem>>
      %dma_wait3A_195 = arith.constant 0 : i32
      %dma_wait3A_196 = arith.constant 0 : i32
      %dma_wait3A_197 = tpu.memref_slice %arg2[%dma_wait3A_195, %dma_wait3A_196] : memref<64x1000000xf32, #tpu.memory_space<hbm>> -> memref<16x512xf32, #tpu.memory_space<hbm>>
      %dma_wait3A_198 = arith.constant 0 : i32
      %dma_wait3A_199 = arith.constant 0 : i32
      %dma_wait3A_200 = tpu.memref_slice %arg10[%dma_wait3A_190, %dma_wait3A_198, %dma_wait3A_199] : memref<2x64x512xf32, #tpu.memory_space<vmem>> -> memref<1x16x512xf32, #tpu.memory_space<vmem>>
      %dma_wait3A_201 = tpu.memref_squeeze %dma_wait3A_200 : memref<1x16x512xf32, #tpu.memory_space<vmem>> -> memref<16x512xf32, #tpu.memory_space<vmem>>
      %dma_wait3A_202 = arith.constant 0 : i32
      %dma_wait3A_203 = arith.constant 0 : i32
      %dma_wait3A_204 = tpu.memref_slice %arg2[%dma_wait3A_202, %dma_wait3A_203] : memref<64x1000000xf32, #tpu.memory_space<hbm>> -> memref<16x512xf32, #tpu.memory_space<hbm>>
      tpu.wait_dma2 semaphore(%arg13 : memref<!tpu.dma_semaphore, #tpu.memory_space<semaphore_mem>>) src(%dma_wait3A_204 : memref<16x512xf32, #tpu.memory_space<hbm>>) dst(%dma_wait3A_201 : memref<16x512xf32, #tpu.memory_space<vmem>>)
      %dma_wait3A_205 = arith.constant 0 : i32
      %dma_wait3A_206 = arith.constant 0 : i32
      %dma_wait3A_207 = arith.constant 0 : i32
      %dma_wait3A_208 = tpu.memref_slice %arg10[%dma_wait3A_205, %dma_wait3A_206, %dma_wait3A_207] : memref<2x64x512xf32, #tpu.memory_space<vmem>> -> memref<1x16x512xf32, #tpu.memory_space<vmem>>
      %dma_wait3A_209 = tpu.memref_squeeze %dma_wait3A_208 : memref<1x16x512xf32, #tpu.memory_space<vmem>> -> memref<16x512xf32, #tpu.memory_space<vmem>>
      %dma_wait3A_210 = arith.constant 0 : i32
      %dma_wait3A_211 = arith.constant 0 : i32
      %dma_wait3A_212 = tpu.memref_slice %arg2[%dma_wait3A_210, %dma_wait3A_211] : memref<64x1000000xf32, #tpu.memory_space<hbm>> -> memref<16x512xf32, #tpu.memory_space<hbm>>
      %dma_wait3A_213 = arith.constant 0 : i32
      %dma_wait3A_214 = arith.constant 0 : i32
      %dma_wait3A_215 = tpu.memref_slice %arg10[%dma_wait3A_205, %dma_wait3A_213, %dma_wait3A_214] : memref<2x64x512xf32, #tpu.memory_space<vmem>> -> memref<1x16x512xf32, #tpu.memory_space<vmem>>
      %dma_wait3A_216 = tpu.memref_squeeze %dma_wait3A_215 : memref<1x16x512xf32, #tpu.memory_space<vmem>> -> memref<16x512xf32, #tpu.memory_space<vmem>>
      %dma_wait3A_217 = arith.constant 0 : i32
      %dma_wait3A_218 = arith.constant 0 : i32
      %dma_wait3A_219 = tpu.memref_slice %arg2[%dma_wait3A_217, %dma_wait3A_218] : memref<64x1000000xf32, #tpu.memory_space<hbm>> -> memref<16x512xf32, #tpu.memory_space<hbm>>
      tpu.wait_dma2 semaphore(%arg13 : memref<!tpu.dma_semaphore, #tpu.memory_space<semaphore_mem>>) src(%dma_wait3A_219 : memref<16x512xf32, #tpu.memory_space<hbm>>) dst(%dma_wait3A_216 : memref<16x512xf32, #tpu.memory_space<vmem>>)
      %add3A_220 = arith.constant 1 : i32
      %add3A_221 = arith.addi %scan3A_158, %add3A_220 : i32
      %lt3A = arith.constant 63 : i32
      %lt3A_222 = arith.cmpi slt, %add3A_221, %lt3A : i32
      %convert_element_type3A = arith.extui %lt3A_222 : i1 to i32
      %cond3A = arith.constant 0 : i32
      %cond3A_223 = arith.cmpi ne, %convert_element_type3A, %cond3A : i32
      scf.if %cond3A_223 {
        %add3A_298 = arith.constant 1 : i32
        %add3A_299 = arith.addi %scan3A_158, %add3A_298 : i32
        %mul3A_300 = arith.constant 512 : i32
        %mul3A_301 = arith.muli %add3A_299, %mul3A_300 : i32
        %add3A_302 = arith.addi %mul3A_301, %mul3A_2 : i32
        %min3A_303 = arith.constant 999424 : i32
        %min3A_304 = arith.minsi %add3A_302, %min3A_303 : i32
        %multiple_of3A_305 = tpu.assume_multiple %min3A_304, 128 : i32
        %jit3A_306 = arith.constant 2 : i32
        %eq3A = arith.constant 0 : i32
        %eq3A_307 = arith.cmpi eq, %jit3A_306, %eq3A : i32
        %jit3A_308 = arith.constant 1 : i32
        %select_n3A_309 = arith.select %eq3A_307, %jit3A_308, %jit3A_306 : i32
        %rem3A_310 = arith.remsi %add3A_299, %select_n3A_309 : i32
        %ne3A_311 = arith.constant 0 : i32
        %ne3A_312 = arith.cmpi ne, %rem3A_310, %ne3A_311 : i32
        %lt3A_313 = arith.constant 0 : i32
        %lt3A_314 = arith.cmpi slt, %rem3A_310, %lt3A_313 : i32
        %lt3A_315 = arith.constant 0 : i32
        %lt3A_316 = arith.cmpi slt, %select_n3A_309, %lt3A_315 : i32
        %ne3A_317 = arith.xori %lt3A_314, %lt3A_316 : i1
        %and3A_318 = arith.andi %ne3A_317, %ne3A_312 : i1
        %add3A_319 = arith.addi %rem3A_310, %select_n3A_309 : i32
        %select_n3A_320 = arith.select %and3A_318, %add3A_319, %rem3A_310 : i32
        %dma_start3A_321 = arith.constant 0 : i32
        %dma_start3A_322 = arith.constant 0 : i32
        %dma_start3A_323 = tpu.memref_slice %arg10[%select_n3A_320, %dma_start3A_321, %dma_start3A_322] : memref<2x64x512xf32, #tpu.memory_space<vmem>> -> memref<1x16x512xf32, #tpu.memory_space<vmem>>
        %dma_start3A_324 = tpu.memref_squeeze %dma_start3A_323 : memref<1x16x512xf32, #tpu.memory_space<vmem>> -> memref<16x512xf32, #tpu.memory_space<vmem>>
        %dma_start3A_325 = arith.constant 0 : i32
        %dma_start3A_326 = tpu.memref_slice %arg2[%dma_start3A_325, %multiple_of3A_305] : memref<64x1000000xf32, #tpu.memory_space<hbm>> -> memref<16x512xf32, #tpu.memory_space<hbm>>
        %dma_start3A_327 = arith.constant 0 : i32
        %dma_start3A_328 = arith.constant 0 : i32
        %dma_start3A_329 = tpu.memref_slice %arg10[%select_n3A_320, %dma_start3A_327, %dma_start3A_328] : memref<2x64x512xf32, #tpu.memory_space<vmem>> -> memref<1x16x512xf32, #tpu.memory_space<vmem>>
        %dma_start3A_330 = tpu.memref_squeeze %dma_start3A_329 : memref<1x16x512xf32, #tpu.memory_space<vmem>> -> memref<16x512xf32, #tpu.memory_space<vmem>>
        %dma_start3A_331 = arith.constant 0 : i32
        %dma_start3A_332 = tpu.memref_slice %arg2[%dma_start3A_331, %multiple_of3A_305] : memref<64x1000000xf32, #tpu.memory_space<hbm>> -> memref<16x512xf32, #tpu.memory_space<hbm>>
        tpu.enqueue_dma source(%dma_start3A_332 : memref<16x512xf32, #tpu.memory_space<hbm>>) target(%dma_start3A_330 : memref<16x512xf32, #tpu.memory_space<vmem>>) target_semaphore(%arg13 : memref<!tpu.dma_semaphore, #tpu.memory_space<semaphore_mem>>)
        %jit3A_333 = arith.constant 2 : i32
        %eq3A_334 = arith.constant 0 : i32
        %eq3A_335 = arith.cmpi eq, %jit3A_333, %eq3A_334 : i32
        %jit3A_336 = arith.constant 1 : i32
        %select_n3A_337 = arith.select %eq3A_335, %jit3A_336, %jit3A_333 : i32
        %rem3A_338 = arith.remsi %add3A_299, %select_n3A_337 : i32
        %ne3A_339 = arith.constant 0 : i32
        %ne3A_340 = arith.cmpi ne, %rem3A_338, %ne3A_339 : i32
        %lt3A_341 = arith.constant 0 : i32
        %lt3A_342 = arith.cmpi slt, %rem3A_338, %lt3A_341 : i32
        %lt3A_343 = arith.constant 0 : i32
        %lt3A_344 = arith.cmpi slt, %select_n3A_337, %lt3A_343 : i32
        %ne3A_345 = arith.xori %lt3A_342, %lt3A_344 : i1
        %and3A_346 = arith.andi %ne3A_345, %ne3A_340 : i1
        %add3A_347 = arith.addi %rem3A_338, %select_n3A_337 : i32
        %select_n3A_348 = arith.select %and3A_346, %add3A_347, %rem3A_338 : i32
        %dma_start3A_349 = arith.constant 16 : i32
        %dma_start3A_350 = arith.constant 0 : i32
        %dma_start3A_351 = tpu.memref_slice %arg10[%select_n3A_348, %dma_start3A_349, %dma_start3A_350] : memref<2x64x512xf32, #tpu.memory_space<vmem>> -> memref<1x16x512xf32, #tpu.memory_space<vmem>>
        %dma_start3A_352 = tpu.memref_squeeze %dma_start3A_351 : memref<1x16x512xf32, #tpu.memory_space<vmem>> -> memref<16x512xf32, #tpu.memory_space<vmem>>
        %dma_start3A_353 = arith.constant 16 : i32
        %dma_start3A_354 = tpu.memref_slice %arg2[%dma_start3A_353, %multiple_of3A_305] : memref<64x1000000xf32, #tpu.memory_space<hbm>> -> memref<16x512xf32, #tpu.memory_space<hbm>>
        %dma_start3A_355 = arith.constant 16 : i32
        %dma_start3A_356 = arith.constant 0 : i32
        %dma_start3A_357 = tpu.memref_slice %arg10[%select_n3A_348, %dma_start3A_355, %dma_start3A_356] : memref<2x64x512xf32, #tpu.memory_space<vmem>> -> memref<1x16x512xf32, #tpu.memory_space<vmem>>
        %dma_start3A_358 = tpu.memref_squeeze %dma_start3A_357 : memref<1x16x512xf32, #tpu.memory_space<vmem>> -> memref<16x512xf32, #tpu.memory_space<vmem>>
        %dma_start3A_359 = arith.constant 16 : i32
        %dma_start3A_360 = tpu.memref_slice %arg2[%dma_start3A_359, %multiple_of3A_305] : memref<64x1000000xf32, #tpu.memory_space<hbm>> -> memref<16x512xf32, #tpu.memory_space<hbm>>
        tpu.enqueue_dma source(%dma_start3A_360 : memref<16x512xf32, #tpu.memory_space<hbm>>) target(%dma_start3A_358 : memref<16x512xf32, #tpu.memory_space<vmem>>) target_semaphore(%arg13 : memref<!tpu.dma_semaphore, #tpu.memory_space<semaphore_mem>>)
        %jit3A_361 = arith.constant 2 : i32
        %eq3A_362 = arith.constant 0 : i32
        %eq3A_363 = arith.cmpi eq, %jit3A_361, %eq3A_362 : i32
        %jit3A_364 = arith.constant 1 : i32
        %select_n3A_365 = arith.select %eq3A_363, %jit3A_364, %jit3A_361 : i32
        %rem3A_366 = arith.remsi %add3A_299, %select_n3A_365 : i32
        %ne3A_367 = arith.constant 0 : i32
        %ne3A_368 = arith.cmpi ne, %rem3A_366, %ne3A_367 : i32
        %lt3A_369 = arith.constant 0 : i32
        %lt3A_370 = arith.cmpi slt, %rem3A_366, %lt3A_369 : i32
        %lt3A_371 = arith.constant 0 : i32
        %lt3A_372 = arith.cmpi slt, %select_n3A_365, %lt3A_371 : i32
        %ne3A_373 = arith.xori %lt3A_370, %lt3A_372 : i1
        %and3A_374 = arith.andi %ne3A_373, %ne3A_368 : i1
        %add3A_375 = arith.addi %rem3A_366, %select_n3A_365 : i32
        %select_n3A_376 = arith.select %and3A_374, %add3A_375, %rem3A_366 : i32
        %dma_start3A_377 = arith.constant 32 : i32
        %dma_start3A_378 = arith.constant 0 : i32
        %dma_start3A_379 = tpu.memref_slice %arg10[%select_n3A_376, %dma_start3A_377, %dma_start3A_378] : memref<2x64x512xf32, #tpu.memory_space<vmem>> -> memref<1x16x512xf32, #tpu.memory_space<vmem>>
        %dma_start3A_380 = tpu.memref_squeeze %dma_start3A_379 : memref<1x16x512xf32, #tpu.memory_space<vmem>> -> memref<16x512xf32, #tpu.memory_space<vmem>>
        %dma_start3A_381 = arith.constant 32 : i32
        %dma_start3A_382 = tpu.memref_slice %arg2[%dma_start3A_381, %multiple_of3A_305] : memref<64x1000000xf32, #tpu.memory_space<hbm>> -> memref<16x512xf32, #tpu.memory_space<hbm>>
        %dma_start3A_383 = arith.constant 32 : i32
        %dma_start3A_384 = arith.constant 0 : i32
        %dma_start3A_385 = tpu.memref_slice %arg10[%select_n3A_376, %dma_start3A_383, %dma_start3A_384] : memref<2x64x512xf32, #tpu.memory_space<vmem>> -> memref<1x16x512xf32, #tpu.memory_space<vmem>>
        %dma_start3A_386 = tpu.memref_squeeze %dma_start3A_385 : memref<1x16x512xf32, #tpu.memory_space<vmem>> -> memref<16x512xf32, #tpu.memory_space<vmem>>
        %dma_start3A_387 = arith.constant 32 : i32
        %dma_start3A_388 = tpu.memref_slice %arg2[%dma_start3A_387, %multiple_of3A_305] : memref<64x1000000xf32, #tpu.memory_space<hbm>> -> memref<16x512xf32, #tpu.memory_space<hbm>>
        tpu.enqueue_dma source(%dma_start3A_388 : memref<16x512xf32, #tpu.memory_space<hbm>>) target(%dma_start3A_386 : memref<16x512xf32, #tpu.memory_space<vmem>>) target_semaphore(%arg13 : memref<!tpu.dma_semaphore, #tpu.memory_space<semaphore_mem>>)
        %jit3A_389 = arith.constant 2 : i32
        %eq3A_390 = arith.constant 0 : i32
        %eq3A_391 = arith.cmpi eq, %jit3A_389, %eq3A_390 : i32
        %jit3A_392 = arith.constant 1 : i32
        %select_n3A_393 = arith.select %eq3A_391, %jit3A_392, %jit3A_389 : i32
        %rem3A_394 = arith.remsi %add3A_299, %select_n3A_393 : i32
        %ne3A_395 = arith.constant 0 : i32
        %ne3A_396 = arith.cmpi ne, %rem3A_394, %ne3A_395 : i32
        %lt3A_397 = arith.constant 0 : i32
        %lt3A_398 = arith.cmpi slt, %rem3A_394, %lt3A_397 : i32
        %lt3A_399 = arith.constant 0 : i32
        %lt3A_400 = arith.cmpi slt, %select_n3A_393, %lt3A_399 : i32
        %ne3A_401 = arith.xori %lt3A_398, %lt3A_400 : i1
        %and3A_402 = arith.andi %ne3A_401, %ne3A_396 : i1
        %add3A_403 = arith.addi %rem3A_394, %select_n3A_393 : i32
        %select_n3A_404 = arith.select %and3A_402, %add3A_403, %rem3A_394 : i32
        %dma_start3A_405 = arith.constant 48 : i32
        %dma_start3A_406 = arith.constant 0 : i32
        %dma_start3A_407 = tpu.memref_slice %arg10[%select_n3A_404, %dma_start3A_405, %dma_start3A_406] : memref<2x64x512xf32, #tpu.memory_space<vmem>> -> memref<1x16x512xf32, #tpu.memory_space<vmem>>
        %dma_start3A_408 = tpu.memref_squeeze %dma_start3A_407 : memref<1x16x512xf32, #tpu.memory_space<vmem>> -> memref<16x512xf32, #tpu.memory_space<vmem>>
        %dma_start3A_409 = arith.constant 48 : i32
        %dma_start3A_410 = tpu.memref_slice %arg2[%dma_start3A_409, %multiple_of3A_305] : memref<64x1000000xf32, #tpu.memory_space<hbm>> -> memref<16x512xf32, #tpu.memory_space<hbm>>
        %dma_start3A_411 = arith.constant 48 : i32
        %dma_start3A_412 = arith.constant 0 : i32
        %dma_start3A_413 = tpu.memref_slice %arg10[%select_n3A_404, %dma_start3A_411, %dma_start3A_412] : memref<2x64x512xf32, #tpu.memory_space<vmem>> -> memref<1x16x512xf32, #tpu.memory_space<vmem>>
        %dma_start3A_414 = tpu.memref_squeeze %dma_start3A_413 : memref<1x16x512xf32, #tpu.memory_space<vmem>> -> memref<16x512xf32, #tpu.memory_space<vmem>>
        %dma_start3A_415 = arith.constant 48 : i32
        %dma_start3A_416 = tpu.memref_slice %arg2[%dma_start3A_415, %multiple_of3A_305] : memref<64x1000000xf32, #tpu.memory_space<hbm>> -> memref<16x512xf32, #tpu.memory_space<hbm>>
        tpu.enqueue_dma source(%dma_start3A_416 : memref<16x512xf32, #tpu.memory_space<hbm>>) target(%dma_start3A_414 : memref<16x512xf32, #tpu.memory_space<vmem>>) target_semaphore(%arg13 : memref<!tpu.dma_semaphore, #tpu.memory_space<semaphore_mem>>)
      } else {
      }
      %mul3A_224 = arith.constant 512 : i32
      %mul3A_225 = arith.muli %scan3A_158, %mul3A_224 : i32
      %add3A_226 = arith.addi %mul3A_2, %mul3A_225 : i32
      %min3A_227 = arith.constant 999424 : i32
      %min3A_228 = arith.minsi %add3A_226, %min3A_227 : i32
      %add3A_229 = arith.constant 16 : i32
      %add3A_230 = arith.addi %scan3A_65, %add3A_229 : i32
      %sub3A_231 = arith.constant 1 : i32
      %sub3A_232 = arith.subi %add3A_230, %sub3A_231 : i32
      %jit3A_233 = arith.constant 16 : i32
      %div3A_234 = arith.divsi %sub3A_232, %jit3A_233 : i32
      %sign3A_235 = arith.constant 0 : i32
      %sign3A_236 = arith.cmpi sgt, %sub3A_232, %sign3A_235 : i32
      %sign3A_237 = arith.extui %sign3A_236 : i1 to i32
      %sign3A_238 = arith.constant 0 : i32
      %sign3A_239 = arith.cmpi slt, %sub3A_232, %sign3A_238 : i32
      %sign3A_240 = arith.extui %sign3A_239 : i1 to i32
      %sign3A_241 = arith.subi %sign3A_237, %sign3A_240 : i32
      %sign3A_242 = arith.constant 0 : i32
      %sign3A_243 = arith.cmpi sgt, %jit3A_233, %sign3A_242 : i32
      %sign3A_244 = arith.extui %sign3A_243 : i1 to i32
      %sign3A_245 = arith.constant 0 : i32
      %sign3A_246 = arith.cmpi slt, %jit3A_233, %sign3A_245 : i32
      %sign3A_247 = arith.extui %sign3A_246 : i1 to i32
      %sign3A_248 = arith.subi %sign3A_244, %sign3A_247 : i32
      %ne3A_249 = arith.cmpi ne, %sign3A_241, %sign3A_248 : i32
      %rem3A_250 = arith.remsi %sub3A_232, %jit3A_233 : i32
      %ne3A_251 = arith.constant 0 : i32
      %ne3A_252 = arith.cmpi ne, %rem3A_250, %ne3A_251 : i32
      %and3A_253 = arith.andi %ne3A_249, %ne3A_252 : i1
      %sub3A_254 = arith.constant 1 : i32
      %sub3A_255 = arith.subi %div3A_234, %sub3A_254 : i32
      %select_n3A_256 = arith.select %and3A_253, %sub3A_255, %div3A_234 : i32
      %while3A_257 = arith.constant 0 : i32
      %while3A_258 = arith.constant 0 : i32
      %while3A_259 = arith.subi %select_n3A_256, %while3A_257 : i32
      %while3A_260 = arith.addi %while3A_257, %while3A_259 : i32
      %while3A_261 = arith.constant 1 : i32
      %while3A_262 = arith.divsi %while3A_259, %while3A_261 : i32
      %while3A_263 = arith.muli %while3A_262, %while3A_261 : i32
      %while3A_264 = arith.addi %while3A_257, %while3A_263 : i32
      %while3A_265 = arith.constant 1 : i32
      %while3A_266 = scf.for %while3A_298 = %while3A_257 to %while3A_264 step %while3A_265 iter_args(%while3A_299 = %while3A_258) -> (i32)  : i32 {
        %mul3A_300 = arith.constant 16 : i32
        %mul3A_301 = arith.muli %while3A_298, %mul3A_300 : i32
        %get3A = arith.index_cast %mul3A_301 : i32 to index
        %get3A_302 = tpu.vector_load %arg6[%get3A] {strides = array<i32>} : memref<4352xi32, #tpu.memory_space<vmem>>, vector<16xi32>,
        %mul3A_303 = arith.constant 16 : i32
        %mul3A_304 = arith.muli %while3A_298, %mul3A_303 : i32
        %get3A_305 = arith.index_cast %mul3A_304 : i32 to index
        %get3A_306 = tpu.vector_load %arg7[%get3A_305] {strides = array<i32>} : memref<4352xi32, #tpu.memory_space<vmem>>, vector<16xi32>,
        %ge3A = vector.broadcast %min3A_228 : i32 to vector<16xi32>
        %ge3A_307 = arith.cmpi sge, %get3A_302, %ge3A : vector<16xi32>
        %add3A_308 = arith.constant 512 : i32
        %add3A_309 = arith.addi %min3A_228, %add3A_308 : i32
        %lt3A_310 = vector.broadcast %add3A_309 : i32 to vector<16xi32>
        %lt3A_311 = arith.cmpi slt, %get3A_302, %lt3A_310 : vector<16xi32>
        %and3A_312 = arith.andi %ge3A_307, %lt3A_311 : vector<16xi1>
        %mul3A_313 = arith.constant 16 : i32
        %mul3A_314 = arith.muli %while3A_298, %mul3A_313 : i32
        %add3A_315 = vector.broadcast %mul3A_314 : i32 to vector<16xi32>
        %add3A_316 = arith.addi %add3A_315, %iota3A : vector<16xi32>
        %lt3A_317 = vector.broadcast %scan3A_65 : i32 to vector<16xi32>
        %lt3A_318 = arith.cmpi slt, %add3A_316, %lt3A_317 : vector<16xi32>
        %and3A_319 = arith.andi %and3A_312, %lt3A_318 : vector<16xi1>
        %sub3A_320 = vector.broadcast %min3A_228 : i32 to vector<16xi32>
        %sub3A_321 = arith.subi %get3A_302, %sub3A_320 : vector<16xi32>
        %swap3A = arith.index_cast %while3A_299 : i32 to index
        %swap3A_322 = tpu.vector_load %arg8[%swap3A] masked %and3A_319 {strides = array<i32>} : memref<192xi32, #tpu.memory_space<vmem>>, vector<16xi32>, vector<16xi1>
        tpu.vector_store %arg8[%swap3A], %sub3A_321 masked %and3A_319 {strides = array<i32>} : memref<192xi32, #tpu.memory_space<vmem>>, vector<16xi32>, vector<16xi1>
        %swap3A_323 = arith.index_cast %while3A_299 : i32 to index
        %swap3A_324 = tpu.vector_load %arg9[%swap3A_323] masked %and3A_319 {strides = array<i32>} : memref<192xi32, #tpu.memory_space<vmem>>, vector<16xi32>, vector<16xi1>
        tpu.vector_store %arg9[%swap3A_323], %get3A_306 masked %and3A_319 {strides = array<i32>} : memref<192xi32, #tpu.memory_space<vmem>>, vector<16xi32>, vector<16xi1>
        %convert_element_type3A_325 = arith.extui %and3A_319 : vector<16xi1> to vector<16xi32>
        %reduce_sum3A = arith.constant true
        %reduce_sum3A_326 = vector.broadcast %reduce_sum3A : i1 to vector<16xi1>
        %reduce_sum3A_327 = tpu.scan <sum>, %convert_element_type3A_325 masked %reduce_sum3A_326 : vector<16xi32>, vector<16xi1> -> vector<16xi32>
        %reduce_sum3A_328 = vector.extract %reduce_sum3A_327[15] : i32 from vector<16xi32>
        %add3A_329 = arith.addi %while3A_299, %reduce_sum3A_328 : i32
        scf.yield %add3A_329 : i32
      }
      %while3A_267 = arith.constant 1 : i32
      %while3A_268 = scf.for %while3A_298 = %while3A_264 to %while3A_260 step %while3A_267 iter_args(%while3A_299 = %while3A_266) -> (i32)  : i32 {
        %mul3A_300 = arith.constant 16 : i32
        %mul3A_301 = arith.muli %while3A_298, %mul3A_300 : i32
        %get3A = arith.index_cast %mul3A_301 : i32 to index
        %get3A_302 = tpu.vector_load %arg6[%get3A] {strides = array<i32>} : memref<4352xi32, #tpu.memory_space<vmem>>, vector<16xi32>,
        %mul3A_303 = arith.constant 16 : i32
        %mul3A_304 = arith.muli %while3A_298, %mul3A_303 : i32
        %get3A_305 = arith.index_cast %mul3A_304 : i32 to index
        %get3A_306 = tpu.vector_load %arg7[%get3A_305] {strides = array<i32>} : memref<4352xi32, #tpu.memory_space<vmem>>, vector<16xi32>,
        %ge3A = vector.broadcast %min3A_228 : i32 to vector<16xi32>
        %ge3A_307 = arith.cmpi sge, %get3A_302, %ge3A : vector<16xi32>
        %add3A_308 = arith.constant 512 : i32
        %add3A_309 = arith.addi %min3A_228, %add3A_308 : i32
        %lt3A_310 = vector.broadcast %add3A_309 : i32 to vector<16xi32>
        %lt3A_311 = arith.cmpi slt, %get3A_302, %lt3A_310 : vector<16xi32>
        %and3A_312 = arith.andi %ge3A_307, %lt3A_311 : vector<16xi1>
        %mul3A_313 = arith.constant 16 : i32
        %mul3A_314 = arith.muli %while3A_298, %mul3A_313 : i32
        %add3A_315 = vector.broadcast %mul3A_314 : i32 to vector<16xi32>
        %add3A_316 = arith.addi %add3A_315, %iota3A : vector<16xi32>
        %lt3A_317 = vector.broadcast %scan3A_65 : i32 to vector<16xi32>
        %lt3A_318 = arith.cmpi slt, %add3A_316, %lt3A_317 : vector<16xi32>
        %and3A_319 = arith.andi %and3A_312, %lt3A_318 : vector<16xi1>
        %sub3A_320 = vector.broadcast %min3A_228 : i32 to vector<16xi32>
        %sub3A_321 = arith.subi %get3A_302, %sub3A_320 : vector<16xi32>
        %swap3A = arith.index_cast %while3A_299 : i32 to index
        %swap3A_322 = tpu.vector_load %arg8[%swap3A] masked %and3A_319 {strides = array<i32>} : memref<192xi32, #tpu.memory_space<vmem>>, vector<16xi32>, vector<16xi1>
        tpu.vector_store %arg8[%swap3A], %sub3A_321 masked %and3A_319 {strides = array<i32>} : memref<192xi32, #tpu.memory_space<vmem>>, vector<16xi32>, vector<16xi1>
        %swap3A_323 = arith.index_cast %while3A_299 : i32 to index
        %swap3A_324 = tpu.vector_load %arg9[%swap3A_323] masked %and3A_319 {strides = array<i32>} : memref<192xi32, #tpu.memory_space<vmem>>, vector<16xi32>, vector<16xi1>
        tpu.vector_store %arg9[%swap3A_323], %get3A_306 masked %and3A_319 {strides = array<i32>} : memref<192xi32, #tpu.memory_space<vmem>>, vector<16xi32>, vector<16xi1>
        %convert_element_type3A_325 = arith.extui %and3A_319 : vector<16xi1> to vector<16xi32>
        %reduce_sum3A = arith.constant true
        %reduce_sum3A_326 = vector.broadcast %reduce_sum3A : i1 to vector<16xi1>
        %reduce_sum3A_327 = tpu.scan <sum>, %convert_element_type3A_325 masked %reduce_sum3A_326 : vector<16xi32>, vector<16xi1> -> vector<16xi32>
        %reduce_sum3A_328 = vector.extract %reduce_sum3A_327[15] : i32 from vector<16xi32>
        %add3A_329 = arith.addi %while3A_299, %reduce_sum3A_328 : i32
        scf.yield %add3A_329 : i32
      }
      %min3A_269 = arith.constant 192 : i32
      %min3A_270 = arith.minsi %while3A_268, %min3A_269 : i32
      %while3A_271 = arith.constant 0 : i32
      %while3A_272 = arith.constant 0 : i32
      %while3A_273 = arith.subi %min3A_270, %while3A_271 : i32
      %while3A_274 = arith.addi %while3A_271, %while3A_273 : i32
      %while3A_275 = arith.constant 1 : i32
      %while3A_276 = arith.divsi %while3A_273, %while3A_275 : i32
      %while3A_277 = arith.muli %while3A_276, %while3A_275 : i32
      %while3A_278 = arith.addi %while3A_271, %while3A_277 : i32
      %while3A_279 = arith.constant 1 : i32
      %while3A_280 = scf.for %while3A_298 = %while3A_271 to %while3A_278 step %while3A_279 iter_args(%while3A_299 = %while3A_272) -> (i32)  : i32 {
        %broadcast_in_dim3A = vector.broadcast %while3A_298 : i32 to vector<16xi32>
        %gather3A = tpu.vector_load_idx %arg8[%broadcast_in_dim3A] : memref<192xi32, #tpu.memory_space<vmem>>[vector<16xi32>], vector<16xi32>,
        %broadcast_in_dim3A_300 = vector.broadcast %while3A_298 : i32 to vector<16xi32>
        %gather3A_301 = tpu.vector_load_idx %arg9[%broadcast_in_dim3A_300] : memref<192xi32, #tpu.memory_space<vmem>>[vector<16xi32>], vector<16xi32>,
        %reduce_max3A = arith.constant true
        %reduce_max3A_302 = vector.broadcast %reduce_max3A : i1 to vector<16xi1>
        %reduce_max3A_303 = arith.constant -2147483648 : i32
        %reduce_max3A_304 = vector.broadcast %reduce_max3A_303 : i32 to vector<16xi32>
        %reduce_max3A_305 = arith.xori %gather3A_301, %reduce_max3A_304 : vector<16xi32>
        %reduce_max3A_306 = tpu.scan <max>, %reduce_max3A_305 masked %reduce_max3A_302 : vector<16xi32>, vector<16xi1> -> vector<16xi32>
        %reduce_max3A_307 = arith.xori %reduce_max3A_306, %reduce_max3A_304 : vector<16xi32>
        %reduce_max3A_308 = vector.extract %reduce_max3A_307[15] : i32 from vector<16xi32>
        %jit3A_309 = arith.constant 16 : i32
        %eq3A = arith.constant 0 : i32
        %eq3A_310 = arith.cmpi eq, %jit3A_309, %eq3A : i32
        %jit3A_311 = arith.constant 1 : i32
        %select_n3A_312 = arith.select %eq3A_310, %jit3A_311, %jit3A_309 : i32
        %rem3A_313 = arith.remsi %while3A_298, %select_n3A_312 : i32
        %ne3A_314 = arith.constant 0 : i32
        %ne3A_315 = arith.cmpi ne, %rem3A_313, %ne3A_314 : i32
        %lt3A_316 = arith.constant 0 : i32
        %lt3A_317 = arith.cmpi slt, %rem3A_313, %lt3A_316 : i32
        %lt3A_318 = arith.constant 0 : i32
        %lt3A_319 = arith.cmpi slt, %select_n3A_312, %lt3A_318 : i32
        %ne3A_320 = arith.xori %lt3A_317, %lt3A_319 : i1
        %and3A_321 = arith.andi %ne3A_320, %ne3A_315 : i1
        %add3A_322 = arith.addi %rem3A_313, %select_n3A_312 : i32
        %select_n3A_323 = arith.select %and3A_321, %add3A_322, %rem3A_313 : i32
        %ge3A = arith.constant 16 : i32
        %ge3A_324 = arith.cmpi sge, %while3A_298, %ge3A : i32
        %convert_element_type3A_325 = arith.extui %ge3A_324 : i1 to i32
        %cond3A_326 = arith.constant 0 : i32
        %cond3A_327 = arith.cmpi ne, %convert_element_type3A_325, %cond3A_326 : i32
        scf.if %cond3A_327 {
          %dma_wait3A_434 = arith.constant 0 : i32
          %dma_wait3A_435 = arith.constant 0 : i32
          %dma_wait3A_436 = tpu.memref_slice %arg12[%dma_wait3A_434, %dma_wait3A_435] : memref<16x64xf32, #tpu.memory_space<vmem>> -> memref<1x64xf32, #tpu.memory_space<vmem>>
          %dma_wait3A_437 = tpu.memref_squeeze %dma_wait3A_436 : memref<1x64xf32, #tpu.memory_space<vmem>> -> memref<64xf32, #tpu.memory_space<vmem>>
          %dma_wait3A_438 = arith.constant 0 : i32
          %dma_wait3A_439 = tpu.memref_slice %arg4[%dma_wait3A_438] : memref<5242880xf32, #tpu.memory_space<hbm>> -> memref<64xf32, #tpu.memory_space<hbm>>
          %dma_wait3A_440 = arith.constant 0 : i32
          %dma_wait3A_441 = tpu.memref_slice %arg4[%dma_wait3A_440] : memref<5242880xf32, #tpu.memory_space<hbm>> -> memref<64xf32, #tpu.memory_space<hbm>>
          %dma_wait3A_442 = arith.constant 0 : i32
          %dma_wait3A_443 = tpu.memref_slice %arg12[%dma_wait3A_434, %dma_wait3A_442] : memref<16x64xf32, #tpu.memory_space<vmem>> -> memref<1x64xf32, #tpu.memory_space<vmem>>
          %dma_wait3A_444 = tpu.memref_squeeze %dma_wait3A_443 : memref<1x64xf32, #tpu.memory_space<vmem>> -> memref<64xf32, #tpu.memory_space<vmem>>
          tpu.wait_dma2 semaphore(%arg14 : memref<!tpu.dma_semaphore, #tpu.memory_space<semaphore_mem>>) src(%dma_wait3A_444 : memref<64xf32, #tpu.memory_space<vmem>>) dst(%dma_wait3A_441 : memref<64xf32, #tpu.memory_space<hbm>>)
        } else {
        }
        %jit3A_328 = arith.constant 2 : i32
        %eq3A_329 = arith.constant 0 : i32
        %eq3A_330 = arith.cmpi eq, %jit3A_328, %eq3A_329 : i32
        %jit3A_331 = arith.constant 1 : i32
        %select_n3A_332 = arith.select %eq3A_330, %jit3A_331, %jit3A_328 : i32
        %rem3A_333 = arith.remsi %scan3A_158, %select_n3A_332 : i32
        %ne3A_334 = arith.constant 0 : i32
        %ne3A_335 = arith.cmpi ne, %rem3A_333, %ne3A_334 : i32
        %lt3A_336 = arith.constant 0 : i32
        %lt3A_337 = arith.cmpi slt, %rem3A_333, %lt3A_336 : i32
        %lt3A_338 = arith.constant 0 : i32
        %lt3A_339 = arith.cmpi slt, %select_n3A_332, %lt3A_338 : i32
        %ne3A_340 = arith.xori %lt3A_337, %lt3A_339 : i1
        %and3A_341 = arith.andi %ne3A_340, %ne3A_335 : i1
        %add3A_342 = arith.addi %rem3A_333, %select_n3A_332 : i32
        %select_n3A_343 = arith.select %and3A_341, %add3A_342, %rem3A_333 : i32
        %gather3A_344 = arith.constant 0 : i32
        %gather3A_345 = arith.constant 0 : i32
        %gather3A_346 = tpu.memref_slice %arg10[%select_n3A_343, %gather3A_344, %gather3A_345] : memref<2x64x512xf32, #tpu.memory_space<vmem>> -> memref<1x64x512xf32, #tpu.memory_space<vmem>>
        %gather3A_347 = tpu.memref_squeeze %gather3A_346 : memref<1x64x512xf32, #tpu.memory_space<vmem>> -> memref<64x512xf32, #tpu.memory_space<vmem>>
        %gather3A_348 = tpu.vector_load_idx %gather3A_347[%add3A_70, %gather3A] : memref<64x512xf32, #tpu.memory_space<vmem>>[vector<16xi32>, vector<16xi32>], vector<16xf32>,
        %swap3A = arith.index_cast %select_n3A_323 : i32 to index
        %swap3A_349 = arith.constant 0 : index
        %swap3A_350 = tpu.vector_load %arg12[%swap3A, %swap3A_349] {strides = array<i32>} : memref<16x64xf32, #tpu.memory_space<vmem>>, vector<16xf32>,
        tpu.vector_store %arg12[%swap3A, %swap3A_349], %gather3A_348 {strides = array<i32>} : memref<16x64xf32, #tpu.memory_space<vmem>>, vector<16xf32>,
        %jit3A_351 = arith.constant 2 : i32
        %eq3A_352 = arith.constant 0 : i32
        %eq3A_353 = arith.cmpi eq, %jit3A_351, %eq3A_352 : i32
        %jit3A_354 = arith.constant 1 : i32
        %select_n3A_355 = arith.select %eq3A_353, %jit3A_354, %jit3A_351 : i32
        %rem3A_356 = arith.remsi %scan3A_158, %select_n3A_355 : i32
        %ne3A_357 = arith.constant 0 : i32
        %ne3A_358 = arith.cmpi ne, %rem3A_356, %ne3A_357 : i32
        %lt3A_359 = arith.constant 0 : i32
        %lt3A_360 = arith.cmpi slt, %rem3A_356, %lt3A_359 : i32
        %lt3A_361 = arith.constant 0 : i32
        %lt3A_362 = arith.cmpi slt, %select_n3A_355, %lt3A_361 : i32
        %ne3A_363 = arith.xori %lt3A_360, %lt3A_362 : i1
        %and3A_364 = arith.andi %ne3A_363, %ne3A_358 : i1
        %add3A_365 = arith.addi %rem3A_356, %select_n3A_355 : i32
        %select_n3A_366 = arith.select %and3A_364, %add3A_365, %rem3A_356 : i32
        %gather3A_367 = arith.constant 0 : i32
        %gather3A_368 = arith.constant 0 : i32
        %gather3A_369 = tpu.memref_slice %arg10[%select_n3A_366, %gather3A_367, %gather3A_368] : memref<2x64x512xf32, #tpu.memory_space<vmem>> -> memref<1x64x512xf32, #tpu.memory_space<vmem>>
        %gather3A_370 = tpu.memref_squeeze %gather3A_369 : memref<1x64x512xf32, #tpu.memory_space<vmem>> -> memref<64x512xf32, #tpu.memory_space<vmem>>
        %gather3A_371 = tpu.vector_load_idx %gather3A_370[%add3A_74, %gather3A] : memref<64x512xf32, #tpu.memory_space<vmem>>[vector<16xi32>, vector<16xi32>], vector<16xf32>,
        %swap3A_372 = arith.index_cast %select_n3A_323 : i32 to index
        %swap3A_373 = arith.constant 16 : index
        %swap3A_374 = tpu.vector_load %arg12[%swap3A_372, %swap3A_373] {strides = array<i32>} : memref<16x64xf32, #tpu.memory_space<vmem>>, vector<16xf32>,
        tpu.vector_store %arg12[%swap3A_372, %swap3A_373], %gather3A_371 {strides = array<i32>} : memref<16x64xf32, #tpu.memory_space<vmem>>, vector<16xf32>,
        %jit3A_375 = arith.constant 2 : i32
        %eq3A_376 = arith.constant 0 : i32
        %eq3A_377 = arith.cmpi eq, %jit3A_375, %eq3A_376 : i32
        %jit3A_378 = arith.constant 1 : i32
        %select_n3A_379 = arith.select %eq3A_377, %jit3A_378, %jit3A_375 : i32
        %rem3A_380 = arith.remsi %scan3A_158, %select_n3A_379 : i32
        %ne3A_381 = arith.constant 0 : i32
        %ne3A_382 = arith.cmpi ne, %rem3A_380, %ne3A_381 : i32
        %lt3A_383 = arith.constant 0 : i32
        %lt3A_384 = arith.cmpi slt, %rem3A_380, %lt3A_383 : i32
        %lt3A_385 = arith.constant 0 : i32
        %lt3A_386 = arith.cmpi slt, %select_n3A_379, %lt3A_385 : i32
        %ne3A_387 = arith.xori %lt3A_384, %lt3A_386 : i1
        %and3A_388 = arith.andi %ne3A_387, %ne3A_382 : i1
        %add3A_389 = arith.addi %rem3A_380, %select_n3A_379 : i32
        %select_n3A_390 = arith.select %and3A_388, %add3A_389, %rem3A_380 : i32
        %gather3A_391 = arith.constant 0 : i32
        %gather3A_392 = arith.constant 0 : i32
        %gather3A_393 = tpu.memref_slice %arg10[%select_n3A_390, %gather3A_391, %gather3A_392] : memref<2x64x512xf32, #tpu.memory_space<vmem>> -> memref<1x64x512xf32, #tpu.memory_space<vmem>>
        %gather3A_394 = tpu.memref_squeeze %gather3A_393 : memref<1x64x512xf32, #tpu.memory_space<vmem>> -> memref<64x512xf32, #tpu.memory_space<vmem>>
        %gather3A_395 = tpu.vector_load_idx %gather3A_394[%add3A_78, %gather3A] : memref<64x512xf32, #tpu.memory_space<vmem>>[vector<16xi32>, vector<16xi32>], vector<16xf32>,
        %swap3A_396 = arith.index_cast %select_n3A_323 : i32 to index
        %swap3A_397 = arith.constant 32 : index
        %swap3A_398 = tpu.vector_load %arg12[%swap3A_396, %swap3A_397] {strides = array<i32>} : memref<16x64xf32, #tpu.memory_space<vmem>>, vector<16xf32>,
        tpu.vector_store %arg12[%swap3A_396, %swap3A_397], %gather3A_395 {strides = array<i32>} : memref<16x64xf32, #tpu.memory_space<vmem>>, vector<16xf32>,
        %jit3A_399 = arith.constant 2 : i32
        %eq3A_400 = arith.constant 0 : i32
        %eq3A_401 = arith.cmpi eq, %jit3A_399, %eq3A_400 : i32
        %jit3A_402 = arith.constant 1 : i32
        %select_n3A_403 = arith.select %eq3A_401, %jit3A_402, %jit3A_399 : i32
        %rem3A_404 = arith.remsi %scan3A_158, %select_n3A_403 : i32
        %ne3A_405 = arith.constant 0 : i32
        %ne3A_406 = arith.cmpi ne, %rem3A_404, %ne3A_405 : i32
        %lt3A_407 = arith.constant 0 : i32
        %lt3A_408 = arith.cmpi slt, %rem3A_404, %lt3A_407 : i32
        %lt3A_409 = arith.constant 0 : i32
        %lt3A_410 = arith.cmpi slt, %select_n3A_403, %lt3A_409 : i32
        %ne3A_411 = arith.xori %lt3A_408, %lt3A_410 : i1
        %and3A_412 = arith.andi %ne3A_411, %ne3A_406 : i1
        %add3A_413 = arith.addi %rem3A_404, %select_n3A_403 : i32
        %select_n3A_414 = arith.select %and3A_412, %add3A_413, %rem3A_404 : i32
        %gather3A_415 = arith.constant 0 : i32
        %gather3A_416 = arith.constant 0 : i32
        %gather3A_417 = tpu.memref_slice %arg10[%select_n3A_414, %gather3A_415, %gather3A_416] : memref<2x64x512xf32, #tpu.memory_space<vmem>> -> memref<1x64x512xf32, #tpu.memory_space<vmem>>
        %gather3A_418 = tpu.memref_squeeze %gather3A_417 : memref<1x64x512xf32, #tpu.memory_space<vmem>> -> memref<64x512xf32, #tpu.memory_space<vmem>>
        %gather3A_419 = tpu.vector_load_idx %gather3A_418[%add3A_82, %gather3A] : memref<64x512xf32, #tpu.memory_space<vmem>>[vector<16xi32>, vector<16xi32>], vector<16xf32>,
        %swap3A_420 = arith.index_cast %select_n3A_323 : i32 to index
        %swap3A_421 = arith.constant 48 : index
        %swap3A_422 = tpu.vector_load %arg12[%swap3A_420, %swap3A_421] {strides = array<i32>} : memref<16x64xf32, #tpu.memory_space<vmem>>, vector<16xf32>,
        tpu.vector_store %arg12[%swap3A_420, %swap3A_421], %gather3A_419 {strides = array<i32>} : memref<16x64xf32, #tpu.memory_space<vmem>>, vector<16xf32>,
        %mul3A_423 = arith.constant 64 : i32
        %mul3A_424 = arith.muli %reduce_max3A_308, %mul3A_423 : i32
        %dma_start3A_425 = arith.constant 0 : i32
        %dma_start3A_426 = tpu.memref_slice %arg12[%select_n3A_323, %dma_start3A_425] : memref<16x64xf32, #tpu.memory_space<vmem>> -> memref<1x64xf32, #tpu.memory_space<vmem>>
        %dma_start3A_427 = tpu.memref_squeeze %dma_start3A_426 : memref<1x64xf32, #tpu.memory_space<vmem>> -> memref<64xf32, #tpu.memory_space<vmem>>
        %dma_start3A_428 = tpu.memref_slice %arg4[%mul3A_424] : memref<5242880xf32, #tpu.memory_space<hbm>> -> memref<64xf32, #tpu.memory_space<hbm>>
        %dma_start3A_429 = tpu.memref_slice %arg4[%mul3A_424] : memref<5242880xf32, #tpu.memory_space<hbm>> -> memref<64xf32, #tpu.memory_space<hbm>>
        %dma_start3A_430 = arith.constant 0 : i32
        %dma_start3A_431 = tpu.memref_slice %arg12[%select_n3A_323, %dma_start3A_430] : memref<16x64xf32, #tpu.memory_space<vmem>> -> memref<1x64xf32, #tpu.memory_space<vmem>>
        %dma_start3A_432 = tpu.memref_squeeze %dma_start3A_431 : memref<1x64xf32, #tpu.memory_space<vmem>> -> memref<64xf32, #tpu.memory_space<vmem>>
        tpu.enqueue_dma source(%dma_start3A_432 : memref<64xf32, #tpu.memory_space<vmem>>) target(%dma_start3A_429 : memref<64xf32, #tpu.memory_space<hbm>>) target_semaphore(%arg14 : memref<!tpu.dma_semaphore, #tpu.memory_space<semaphore_mem>>)
        %while3A_433 = arith.constant 0 : i32
        scf.yield %while3A_433 : i32
      }
      %while3A_281 = arith.constant 1 : i32
      %while3A_282 = scf.for %while3A_298 = %while3A_278 to %while3A_274 step %while3A_281 iter_args(%while3A_299 = %while3A_280) -> (i32)  : i32 {
        %broadcast_in_dim3A = vector.broadcast %while3A_298 : i32 to vector<16xi32>
        %gather3A = tpu.vector_load_idx %arg8[%broadcast_in_dim3A] : memref<192xi32, #tpu.memory_space<vmem>>[vector<16xi32>], vector<16xi32>,
        %broadcast_in_dim3A_300 = vector.broadcast %while3A_298 : i32 to vector<16xi32>
        %gather3A_301 = tpu.vector_load_idx %arg9[%broadcast_in_dim3A_300] : memref<192xi32, #tpu.memory_space<vmem>>[vector<16xi32>], vector<16xi32>,
        %reduce_max3A = arith.constant true
        %reduce_max3A_302 = vector.broadcast %reduce_max3A : i1 to vector<16xi1>
        %reduce_max3A_303 = arith.constant -2147483648 : i32
        %reduce_max3A_304 = vector.broadcast %reduce_max3A_303 : i32 to vector<16xi32>
        %reduce_max3A_305 = arith.xori %gather3A_301, %reduce_max3A_304 : vector<16xi32>
        %reduce_max3A_306 = tpu.scan <max>, %reduce_max3A_305 masked %reduce_max3A_302 : vector<16xi32>, vector<16xi1> -> vector<16xi32>
        %reduce_max3A_307 = arith.xori %reduce_max3A_306, %reduce_max3A_304 : vector<16xi32>
        %reduce_max3A_308 = vector.extract %reduce_max3A_307[15] : i32 from vector<16xi32>
        %jit3A_309 = arith.constant 16 : i32
        %eq3A = arith.constant 0 : i32
        %eq3A_310 = arith.cmpi eq, %jit3A_309, %eq3A : i32
        %jit3A_311 = arith.constant 1 : i32
        %select_n3A_312 = arith.select %eq3A_310, %jit3A_311, %jit3A_309 : i32
        %rem3A_313 = arith.remsi %while3A_298, %select_n3A_312 : i32
        %ne3A_314 = arith.constant 0 : i32
        %ne3A_315 = arith.cmpi ne, %rem3A_313, %ne3A_314 : i32
        %lt3A_316 = arith.constant 0 : i32
        %lt3A_317 = arith.cmpi slt, %rem3A_313, %lt3A_316 : i32
        %lt3A_318 = arith.constant 0 : i32
        %lt3A_319 = arith.cmpi slt, %select_n3A_312, %lt3A_318 : i32
        %ne3A_320 = arith.xori %lt3A_317, %lt3A_319 : i1
        %and3A_321 = arith.andi %ne3A_320, %ne3A_315 : i1
        %add3A_322 = arith.addi %rem3A_313, %select_n3A_312 : i32
        %select_n3A_323 = arith.select %and3A_321, %add3A_322, %rem3A_313 : i32
        %ge3A = arith.constant 16 : i32
        %ge3A_324 = arith.cmpi sge, %while3A_298, %ge3A : i32
        %convert_element_type3A_325 = arith.extui %ge3A_324 : i1 to i32
        %cond3A_326 = arith.constant 0 : i32
        %cond3A_327 = arith.cmpi ne, %convert_element_type3A_325, %cond3A_326 : i32
        scf.if %cond3A_327 {
          %dma_wait3A_434 = arith.constant 0 : i32
          %dma_wait3A_435 = arith.constant 0 : i32
          %dma_wait3A_436 = tpu.memref_slice %arg12[%dma_wait3A_434, %dma_wait3A_435] : memref<16x64xf32, #tpu.memory_space<vmem>> -> memref<1x64xf32, #tpu.memory_space<vmem>>
          %dma_wait3A_437 = tpu.memref_squeeze %dma_wait3A_436 : memref<1x64xf32, #tpu.memory_space<vmem>> -> memref<64xf32, #tpu.memory_space<vmem>>
          %dma_wait3A_438 = arith.constant 0 : i32
          %dma_wait3A_439 = tpu.memref_slice %arg4[%dma_wait3A_438] : memref<5242880xf32, #tpu.memory_space<hbm>> -> memref<64xf32, #tpu.memory_space<hbm>>
          %dma_wait3A_440 = arith.constant 0 : i32
          %dma_wait3A_441 = tpu.memref_slice %arg4[%dma_wait3A_440] : memref<5242880xf32, #tpu.memory_space<hbm>> -> memref<64xf32, #tpu.memory_space<hbm>>
          %dma_wait3A_442 = arith.constant 0 : i32
          %dma_wait3A_443 = tpu.memref_slice %arg12[%dma_wait3A_434, %dma_wait3A_442] : memref<16x64xf32, #tpu.memory_space<vmem>> -> memref<1x64xf32, #tpu.memory_space<vmem>>
          %dma_wait3A_444 = tpu.memref_squeeze %dma_wait3A_443 : memref<1x64xf32, #tpu.memory_space<vmem>> -> memref<64xf32, #tpu.memory_space<vmem>>
          tpu.wait_dma2 semaphore(%arg14 : memref<!tpu.dma_semaphore, #tpu.memory_space<semaphore_mem>>) src(%dma_wait3A_444 : memref<64xf32, #tpu.memory_space<vmem>>) dst(%dma_wait3A_441 : memref<64xf32, #tpu.memory_space<hbm>>)
        } else {
        }
        %jit3A_328 = arith.constant 2 : i32
        %eq3A_329 = arith.constant 0 : i32
        %eq3A_330 = arith.cmpi eq, %jit3A_328, %eq3A_329 : i32
        %jit3A_331 = arith.constant 1 : i32
        %select_n3A_332 = arith.select %eq3A_330, %jit3A_331, %jit3A_328 : i32
        %rem3A_333 = arith.remsi %scan3A_158, %select_n3A_332 : i32
        %ne3A_334 = arith.constant 0 : i32
        %ne3A_335 = arith.cmpi ne, %rem3A_333, %ne3A_334 : i32
        %lt3A_336 = arith.constant 0 : i32
        %lt3A_337 = arith.cmpi slt, %rem3A_333, %lt3A_336 : i32
        %lt3A_338 = arith.constant 0 : i32
        %lt3A_339 = arith.cmpi slt, %select_n3A_332, %lt3A_338 : i32
        %ne3A_340 = arith.xori %lt3A_337, %lt3A_339 : i1
        %and3A_341 = arith.andi %ne3A_340, %ne3A_335 : i1
        %add3A_342 = arith.addi %rem3A_333, %select_n3A_332 : i32
        %select_n3A_343 = arith.select %and3A_341, %add3A_342, %rem3A_333 : i32
        %gather3A_344 = arith.constant 0 : i32
        %gather3A_345 = arith.constant 0 : i32
        %gather3A_346 = tpu.memref_slice %arg10[%select_n3A_343, %gather3A_344, %gather3A_345] : memref<2x64x512xf32, #tpu.memory_space<vmem>> -> memref<1x64x512xf32, #tpu.memory_space<vmem>>
        %gather3A_347 = tpu.memref_squeeze %gather3A_346 : memref<1x64x512xf32, #tpu.memory_space<vmem>> -> memref<64x512xf32, #tpu.memory_space<vmem>>
        %gather3A_348 = tpu.vector_load_idx %gather3A_347[%add3A_70, %gather3A] : memref<64x512xf32, #tpu.memory_space<vmem>>[vector<16xi32>, vector<16xi32>], vector<16xf32>,
        %swap3A = arith.index_cast %select_n3A_323 : i32 to index
        %swap3A_349 = arith.constant 0 : index
        %swap3A_350 = tpu.vector_load %arg12[%swap3A, %swap3A_349] {strides = array<i32>} : memref<16x64xf32, #tpu.memory_space<vmem>>, vector<16xf32>,
        tpu.vector_store %arg12[%swap3A, %swap3A_349], %gather3A_348 {strides = array<i32>} : memref<16x64xf32, #tpu.memory_space<vmem>>, vector<16xf32>,
        %jit3A_351 = arith.constant 2 : i32
        %eq3A_352 = arith.constant 0 : i32
        %eq3A_353 = arith.cmpi eq, %jit3A_351, %eq3A_352 : i32
        %jit3A_354 = arith.constant 1 : i32
        %select_n3A_355 = arith.select %eq3A_353, %jit3A_354, %jit3A_351 : i32
        %rem3A_356 = arith.remsi %scan3A_158, %select_n3A_355 : i32
        %ne3A_357 = arith.constant 0 : i32
        %ne3A_358 = arith.cmpi ne, %rem3A_356, %ne3A_357 : i32
        %lt3A_359 = arith.constant 0 : i32
        %lt3A_360 = arith.cmpi slt, %rem3A_356, %lt3A_359 : i32
        %lt3A_361 = arith.constant 0 : i32
        %lt3A_362 = arith.cmpi slt, %select_n3A_355, %lt3A_361 : i32
        %ne3A_363 = arith.xori %lt3A_360, %lt3A_362 : i1
        %and3A_364 = arith.andi %ne3A_363, %ne3A_358 : i1
        %add3A_365 = arith.addi %rem3A_356, %select_n3A_355 : i32
        %select_n3A_366 = arith.select %and3A_364, %add3A_365, %rem3A_356 : i32
        %gather3A_367 = arith.constant 0 : i32
        %gather3A_368 = arith.constant 0 : i32
        %gather3A_369 = tpu.memref_slice %arg10[%select_n3A_366, %gather3A_367, %gather3A_368] : memref<2x64x512xf32, #tpu.memory_space<vmem>> -> memref<1x64x512xf32, #tpu.memory_space<vmem>>
        %gather3A_370 = tpu.memref_squeeze %gather3A_369 : memref<1x64x512xf32, #tpu.memory_space<vmem>> -> memref<64x512xf32, #tpu.memory_space<vmem>>
        %gather3A_371 = tpu.vector_load_idx %gather3A_370[%add3A_74, %gather3A] : memref<64x512xf32, #tpu.memory_space<vmem>>[vector<16xi32>, vector<16xi32>], vector<16xf32>,
        %swap3A_372 = arith.index_cast %select_n3A_323 : i32 to index
        %swap3A_373 = arith.constant 16 : index
        %swap3A_374 = tpu.vector_load %arg12[%swap3A_372, %swap3A_373] {strides = array<i32>} : memref<16x64xf32, #tpu.memory_space<vmem>>, vector<16xf32>,
        tpu.vector_store %arg12[%swap3A_372, %swap3A_373], %gather3A_371 {strides = array<i32>} : memref<16x64xf32, #tpu.memory_space<vmem>>, vector<16xf32>,
        %jit3A_375 = arith.constant 2 : i32
        %eq3A_376 = arith.constant 0 : i32
        %eq3A_377 = arith.cmpi eq, %jit3A_375, %eq3A_376 : i32
        %jit3A_378 = arith.constant 1 : i32
        %select_n3A_379 = arith.select %eq3A_377, %jit3A_378, %jit3A_375 : i32
        %rem3A_380 = arith.remsi %scan3A_158, %select_n3A_379 : i32
        %ne3A_381 = arith.constant 0 : i32
        %ne3A_382 = arith.cmpi ne, %rem3A_380, %ne3A_381 : i32
        %lt3A_383 = arith.constant 0 : i32
        %lt3A_384 = arith.cmpi slt, %rem3A_380, %lt3A_383 : i32
        %lt3A_385 = arith.constant 0 : i32
        %lt3A_386 = arith.cmpi slt, %select_n3A_379, %lt3A_385 : i32
        %ne3A_387 = arith.xori %lt3A_384, %lt3A_386 : i1
        %and3A_388 = arith.andi %ne3A_387, %ne3A_382 : i1
        %add3A_389 = arith.addi %rem3A_380, %select_n3A_379 : i32
        %select_n3A_390 = arith.select %and3A_388, %add3A_389, %rem3A_380 : i32
        %gather3A_391 = arith.constant 0 : i32
        %gather3A_392 = arith.constant 0 : i32
        %gather3A_393 = tpu.memref_slice %arg10[%select_n3A_390, %gather3A_391, %gather3A_392] : memref<2x64x512xf32, #tpu.memory_space<vmem>> -> memref<1x64x512xf32, #tpu.memory_space<vmem>>
        %gather3A_394 = tpu.memref_squeeze %gather3A_393 : memref<1x64x512xf32, #tpu.memory_space<vmem>> -> memref<64x512xf32, #tpu.memory_space<vmem>>
        %gather3A_395 = tpu.vector_load_idx %gather3A_394[%add3A_78, %gather3A] : memref<64x512xf32, #tpu.memory_space<vmem>>[vector<16xi32>, vector<16xi32>], vector<16xf32>,
        %swap3A_396 = arith.index_cast %select_n3A_323 : i32 to index
        %swap3A_397 = arith.constant 32 : index
        %swap3A_398 = tpu.vector_load %arg12[%swap3A_396, %swap3A_397] {strides = array<i32>} : memref<16x64xf32, #tpu.memory_space<vmem>>, vector<16xf32>,
        tpu.vector_store %arg12[%swap3A_396, %swap3A_397], %gather3A_395 {strides = array<i32>} : memref<16x64xf32, #tpu.memory_space<vmem>>, vector<16xf32>,
        %jit3A_399 = arith.constant 2 : i32
        %eq3A_400 = arith.constant 0 : i32
        %eq3A_401 = arith.cmpi eq, %jit3A_399, %eq3A_400 : i32
        %jit3A_402 = arith.constant 1 : i32
        %select_n3A_403 = arith.select %eq3A_401, %jit3A_402, %jit3A_399 : i32
        %rem3A_404 = arith.remsi %scan3A_158, %select_n3A_403 : i32
        %ne3A_405 = arith.constant 0 : i32
        %ne3A_406 = arith.cmpi ne, %rem3A_404, %ne3A_405 : i32
        %lt3A_407 = arith.constant 0 : i32
        %lt3A_408 = arith.cmpi slt, %rem3A_404, %lt3A_407 : i32
        %lt3A_409 = arith.constant 0 : i32
        %lt3A_410 = arith.cmpi slt, %select_n3A_403, %lt3A_409 : i32
        %ne3A_411 = arith.xori %lt3A_408, %lt3A_410 : i1
        %and3A_412 = arith.andi %ne3A_411, %ne3A_406 : i1
        %add3A_413 = arith.addi %rem3A_404, %select_n3A_403 : i32
        %select_n3A_414 = arith.select %and3A_412, %add3A_413, %rem3A_404 : i32
        %gather3A_415 = arith.constant 0 : i32
        %gather3A_416 = arith.constant 0 : i32
        %gather3A_417 = tpu.memref_slice %arg10[%select_n3A_414, %gather3A_415, %gather3A_416] : memref<2x64x512xf32, #tpu.memory_space<vmem>> -> memref<1x64x512xf32, #tpu.memory_space<vmem>>
        %gather3A_418 = tpu.memref_squeeze %gather3A_417 : memref<1x64x512xf32, #tpu.memory_space<vmem>> -> memref<64x512xf32, #tpu.memory_space<vmem>>
        %gather3A_419 = tpu.vector_load_idx %gather3A_418[%add3A_82, %gather3A] : memref<64x512xf32, #tpu.memory_space<vmem>>[vector<16xi32>, vector<16xi32>], vector<16xf32>,
        %swap3A_420 = arith.index_cast %select_n3A_323 : i32 to index
        %swap3A_421 = arith.constant 48 : index
        %swap3A_422 = tpu.vector_load %arg12[%swap3A_420, %swap3A_421] {strides = array<i32>} : memref<16x64xf32, #tpu.memory_space<vmem>>, vector<16xf32>,
        tpu.vector_store %arg12[%swap3A_420, %swap3A_421], %gather3A_419 {strides = array<i32>} : memref<16x64xf32, #tpu.memory_space<vmem>>, vector<16xf32>,
        %mul3A_423 = arith.constant 64 : i32
        %mul3A_424 = arith.muli %reduce_max3A_308, %mul3A_423 : i32
        %dma_start3A_425 = arith.constant 0 : i32
        %dma_start3A_426 = tpu.memref_slice %arg12[%select_n3A_323, %dma_start3A_425] : memref<16x64xf32, #tpu.memory_space<vmem>> -> memref<1x64xf32, #tpu.memory_space<vmem>>
        %dma_start3A_427 = tpu.memref_squeeze %dma_start3A_426 : memref<1x64xf32, #tpu.memory_space<vmem>> -> memref<64xf32, #tpu.memory_space<vmem>>
        %dma_start3A_428 = tpu.memref_slice %arg4[%mul3A_424] : memref<5242880xf32, #tpu.memory_space<hbm>> -> memref<64xf32, #tpu.memory_space<hbm>>
        %dma_start3A_429 = tpu.memref_slice %arg4[%mul3A_424] : memref<5242880xf32, #tpu.memory_space<hbm>> -> memref<64xf32, #tpu.memory_space<hbm>>
        %dma_start3A_430 = arith.constant 0 : i32
        %dma_start3A_431 = tpu.memref_slice %arg12[%select_n3A_323, %dma_start3A_430] : memref<16x64xf32, #tpu.memory_space<vmem>> -> memref<1x64xf32, #tpu.memory_space<vmem>>
        %dma_start3A_432 = tpu.memref_squeeze %dma_start3A_431 : memref<1x64xf32, #tpu.memory_space<vmem>> -> memref<64xf32, #tpu.memory_space<vmem>>
        tpu.enqueue_dma source(%dma_start3A_432 : memref<64xf32, #tpu.memory_space<vmem>>) target(%dma_start3A_429 : memref<64xf32, #tpu.memory_space<hbm>>) target_semaphore(%arg14 : memref<!tpu.dma_semaphore, #tpu.memory_space<semaphore_mem>>)
        %while3A_433 = arith.constant 0 : i32
        scf.yield %while3A_433 : i32
      }
      %min3A_283 = arith.constant 16 : i32
      %min3A_284 = arith.minsi %min3A_270, %min3A_283 : i32
      %while3A_285 = arith.constant 0 : i32
      %while3A_286 = arith.constant 0 : i32
      %while3A_287 = arith.subi %min3A_284, %while3A_285 : i32
      %while3A_288 = arith.addi %while3A_285, %while3A_287 : i32
      %while3A_289 = arith.constant 1 : i32
      %while3A_290 = arith.divsi %while3A_287, %while3A_289 : i32
      %while3A_291 = arith.muli %while3A_290, %while3A_289 : i32
      %while3A_292 = arith.addi %while3A_285, %while3A_291 : i32
      %while3A_293 = arith.constant 1 : i32
      %while3A_294 = scf.for %while3A_298 = %while3A_285 to %while3A_292 step %while3A_293 iter_args(%while3A_299 = %while3A_286) -> (i32)  : i32 {
        %dma_wait3A_300 = arith.constant 0 : i32
        %dma_wait3A_301 = arith.constant 0 : i32
        %dma_wait3A_302 = tpu.memref_slice %arg12[%dma_wait3A_300, %dma_wait3A_301] : memref<16x64xf32, #tpu.memory_space<vmem>> -> memref<1x64xf32, #tpu.memory_space<vmem>>
        %dma_wait3A_303 = tpu.memref_squeeze %dma_wait3A_302 : memref<1x64xf32, #tpu.memory_space<vmem>> -> memref<64xf32, #tpu.memory_space<vmem>>
        %dma_wait3A_304 = arith.constant 0 : i32
        %dma_wait3A_305 = tpu.memref_slice %arg4[%dma_wait3A_304] : memref<5242880xf32, #tpu.memory_space<hbm>> -> memref<64xf32, #tpu.memory_space<hbm>>
        %dma_wait3A_306 = arith.constant 0 : i32
        %dma_wait3A_307 = tpu.memref_slice %arg4[%dma_wait3A_306] : memref<5242880xf32, #tpu.memory_space<hbm>> -> memref<64xf32, #tpu.memory_space<hbm>>
        %dma_wait3A_308 = arith.constant 0 : i32
        %dma_wait3A_309 = tpu.memref_slice %arg12[%dma_wait3A_300, %dma_wait3A_308] : memref<16x64xf32, #tpu.memory_space<vmem>> -> memref<1x64xf32, #tpu.memory_space<vmem>>
        %dma_wait3A_310 = tpu.memref_squeeze %dma_wait3A_309 : memref<1x64xf32, #tpu.memory_space<vmem>> -> memref<64xf32, #tpu.memory_space<vmem>>
        tpu.wait_dma2 semaphore(%arg14 : memref<!tpu.dma_semaphore, #tpu.memory_space<semaphore_mem>>) src(%dma_wait3A_310 : memref<64xf32, #tpu.memory_space<vmem>>) dst(%dma_wait3A_307 : memref<64xf32, #tpu.memory_space<hbm>>)
        %while3A_311 = arith.constant 0 : i32
        scf.yield %while3A_311 : i32
      }
      %while3A_295 = arith.constant 1 : i32
      %while3A_296 = scf.for %while3A_298 = %while3A_292 to %while3A_288 step %while3A_295 iter_args(%while3A_299 = %while3A_294) -> (i32)  : i32 {
        %dma_wait3A_300 = arith.constant 0 : i32
        %dma_wait3A_301 = arith.constant 0 : i32
        %dma_wait3A_302 = tpu.memref_slice %arg12[%dma_wait3A_300, %dma_wait3A_301] : memref<16x64xf32, #tpu.memory_space<vmem>> -> memref<1x64xf32, #tpu.memory_space<vmem>>
        %dma_wait3A_303 = tpu.memref_squeeze %dma_wait3A_302 : memref<1x64xf32, #tpu.memory_space<vmem>> -> memref<64xf32, #tpu.memory_space<vmem>>
        %dma_wait3A_304 = arith.constant 0 : i32
        %dma_wait3A_305 = tpu.memref_slice %arg4[%dma_wait3A_304] : memref<5242880xf32, #tpu.memory_space<hbm>> -> memref<64xf32, #tpu.memory_space<hbm>>
        %dma_wait3A_306 = arith.constant 0 : i32
        %dma_wait3A_307 = tpu.memref_slice %arg4[%dma_wait3A_306] : memref<5242880xf32, #tpu.memory_space<hbm>> -> memref<64xf32, #tpu.memory_space<hbm>>
        %dma_wait3A_308 = arith.constant 0 : i32
        %dma_wait3A_309 = tpu.memref_slice %arg12[%dma_wait3A_300, %dma_wait3A_308] : memref<16x64xf32, #tpu.memory_space<vmem>> -> memref<1x64xf32, #tpu.memory_space<vmem>>
        %dma_wait3A_310 = tpu.memref_squeeze %dma_wait3A_309 : memref<1x64xf32, #tpu.memory_space<vmem>> -> memref<64xf32, #tpu.memory_space<vmem>>
        tpu.wait_dma2 semaphore(%arg14 : memref<!tpu.dma_semaphore, #tpu.memory_space<semaphore_mem>>) src(%dma_wait3A_310 : memref<64xf32, #tpu.memory_space<vmem>>) dst(%dma_wait3A_307 : memref<64xf32, #tpu.memory_space<hbm>>)
        %while3A_311 = arith.constant 0 : i32
        scf.yield %while3A_311 : i32
      }
      %scan3A_297 = arith.constant 0 : i32
      scf.yield %scan3A_297 : i32
    }
    %scan3A_89 = arith.constant 63 : i32
    %dma_start3A_90 = arith.constant 0 : i32
    %dma_start3A_91 = arith.constant 0 : i32
    %dma_start3A_92 = tpu.memref_slice %arg11[%dma_start3A_90, %dma_start3A_91] : memref<64x64xf32, #tpu.memory_space<vmem>> -> memref<64x64xf32, #tpu.memory_space<vmem>>
    %dma_start3A_93 = arith.constant 0 : i32
    %dma_start3A_94 = arith.constant 999936 : i32
    %dma_start3A_95 = tpu.memref_slice %arg2[%dma_start3A_93, %dma_start3A_94] : memref<64x1000000xf32, #tpu.memory_space<hbm>> -> memref<64x64xf32, #tpu.memory_space<hbm>>
    %dma_start3A_96 = arith.constant 0 : i32
    %dma_start3A_97 = arith.constant 0 : i32
    %dma_start3A_98 = tpu.memref_slice %arg11[%dma_start3A_96, %dma_start3A_97] : memref<64x64xf32, #tpu.memory_space<vmem>> -> memref<64x64xf32, #tpu.memory_space<vmem>>
    %dma_start3A_99 = arith.constant 0 : i32
    %dma_start3A_100 = arith.constant 999936 : i32
    %dma_start3A_101 = tpu.memref_slice %arg2[%dma_start3A_99, %dma_start3A_100] : memref<64x1000000xf32, #tpu.memory_space<hbm>> -> memref<64x64xf32, #tpu.memory_space<hbm>>
    tpu.enqueue_dma source(%dma_start3A_101 : memref<64x64xf32, #tpu.memory_space<hbm>>) target(%dma_start3A_98 : memref<64x64xf32, #tpu.memory_space<vmem>>) target_semaphore(%arg13 : memref<!tpu.dma_semaphore, #tpu.memory_space<semaphore_mem>>)
    %dma_wait3A = arith.constant 0 : i32
    %dma_wait3A_102 = arith.constant 0 : i32
    %dma_wait3A_103 = tpu.memref_slice %arg11[%dma_wait3A, %dma_wait3A_102] : memref<64x64xf32, #tpu.memory_space<vmem>> -> memref<64x64xf32, #tpu.memory_space<vmem>>
    %dma_wait3A_104 = arith.constant 0 : i32
    %dma_wait3A_105 = arith.constant 999936 : i32
    %dma_wait3A_106 = tpu.memref_slice %arg2[%dma_wait3A_104, %dma_wait3A_105] : memref<64x1000000xf32, #tpu.memory_space<hbm>> -> memref<64x64xf32, #tpu.memory_space<hbm>>
    %dma_wait3A_107 = arith.constant 0 : i32
    %dma_wait3A_108 = arith.constant 0 : i32
    %dma_wait3A_109 = tpu.memref_slice %arg11[%dma_wait3A_107, %dma_wait3A_108] : memref<64x64xf32, #tpu.memory_space<vmem>> -> memref<64x64xf32, #tpu.memory_space<vmem>>
    %dma_wait3A_110 = arith.constant 0 : i32
    %dma_wait3A_111 = arith.constant 999936 : i32
    %dma_wait3A_112 = tpu.memref_slice %arg2[%dma_wait3A_110, %dma_wait3A_111] : memref<64x1000000xf32, #tpu.memory_space<hbm>> -> memref<64x64xf32, #tpu.memory_space<hbm>>
    tpu.wait_dma2 semaphore(%arg13 : memref<!tpu.dma_semaphore, #tpu.memory_space<semaphore_mem>>) src(%dma_wait3A_112 : memref<64x64xf32, #tpu.memory_space<hbm>>) dst(%dma_wait3A_109 : memref<64x64xf32, #tpu.memory_space<vmem>>)
    %add3A_113 = arith.constant 16 : i32
    %add3A_114 = arith.addi %scan3A_65, %add3A_113 : i32
    %sub3A = arith.constant 1 : i32
    %sub3A_115 = arith.subi %add3A_114, %sub3A : i32
    %jit3A = arith.constant 16 : i32
    %div3A = arith.divsi %sub3A_115, %jit3A : i32
    %sign3A = arith.constant 0 : i32
    %sign3A_116 = arith.cmpi sgt, %sub3A_115, %sign3A : i32
    %sign3A_117 = arith.extui %sign3A_116 : i1 to i32
    %sign3A_118 = arith.constant 0 : i32
    %sign3A_119 = arith.cmpi slt, %sub3A_115, %sign3A_118 : i32
    %sign3A_120 = arith.extui %sign3A_119 : i1 to i32
    %sign3A_121 = arith.subi %sign3A_117, %sign3A_120 : i32
    %sign3A_122 = arith.constant 0 : i32
    %sign3A_123 = arith.cmpi sgt, %jit3A, %sign3A_122 : i32
    %sign3A_124 = arith.extui %sign3A_123 : i1 to i32
    %sign3A_125 = arith.constant 0 : i32
    %sign3A_126 = arith.cmpi slt, %jit3A, %sign3A_125 : i32
    %sign3A_127 = arith.extui %sign3A_126 : i1 to i32
    %sign3A_128 = arith.subi %sign3A_124, %sign3A_127 : i32
    %ne3A = arith.cmpi ne, %sign3A_121, %sign3A_128 : i32
    %rem3A = arith.remsi %sub3A_115, %jit3A : i32
    %ne3A_129 = arith.constant 0 : i32
    %ne3A_130 = arith.cmpi ne, %rem3A, %ne3A_129 : i32
    %and3A = arith.andi %ne3A, %ne3A_130 : i1
    %sub3A_131 = arith.constant 1 : i32
    %sub3A_132 = arith.subi %div3A, %sub3A_131 : i32
    %select_n3A = arith.select %and3A, %sub3A_132, %div3A : i32
    %while3A = arith.constant 0 : i32
    %while3A_133 = arith.constant 0 : i32
    %while3A_134 = arith.subi %select_n3A, %while3A : i32
    %while3A_135 = arith.addi %while3A, %while3A_134 : i32
    %while3A_136 = arith.constant 1 : i32
    %while3A_137 = arith.divsi %while3A_134, %while3A_136 : i32
    %while3A_138 = arith.muli %while3A_137, %while3A_136 : i32
    %while3A_139 = arith.addi %while3A, %while3A_138 : i32
    %while3A_140 = arith.constant 1 : i32
    %while3A_141 = scf.for %while3A_158 = %while3A to %while3A_139 step %while3A_140 iter_args(%while3A_159 = %while3A_133) -> (i32)  : i32 {
      %mul3A_160 = arith.constant 16 : i32
      %mul3A_161 = arith.muli %while3A_158, %mul3A_160 : i32
      %get3A = arith.index_cast %mul3A_161 : i32 to index
      %get3A_162 = tpu.vector_load %arg6[%get3A] {strides = array<i32>} : memref<4352xi32, #tpu.memory_space<vmem>>, vector<16xi32>,
      %mul3A_163 = arith.constant 16 : i32
      %mul3A_164 = arith.muli %while3A_158, %mul3A_163 : i32
      %get3A_165 = arith.index_cast %mul3A_164 : i32 to index
      %get3A_166 = tpu.vector_load %arg7[%get3A_165] {strides = array<i32>} : memref<4352xi32, #tpu.memory_space<vmem>>, vector<16xi32>,
      %ge3A = arith.constant 999936 : i32
      %ge3A_167 = vector.broadcast %ge3A : i32 to vector<16xi32>
      %ge3A_168 = arith.cmpi sge, %get3A_162, %ge3A_167 : vector<16xi32>
      %mul3A_169 = arith.constant 16 : i32
      %mul3A_170 = arith.muli %while3A_158, %mul3A_169 : i32
      %add3A_171 = vector.broadcast %mul3A_170 : i32 to vector<16xi32>
      %add3A_172 = arith.addi %add3A_171, %iota3A : vector<16xi32>
      %lt3A = vector.broadcast %scan3A_65 : i32 to vector<16xi32>
      %lt3A_173 = arith.cmpi slt, %add3A_172, %lt3A : vector<16xi32>
      %and3A_174 = arith.andi %ge3A_168, %lt3A_173 : vector<16xi1>
      %sub3A_175 = arith.constant 999936 : i32
      %sub3A_176 = vector.broadcast %sub3A_175 : i32 to vector<16xi32>
      %sub3A_177 = arith.subi %get3A_162, %sub3A_176 : vector<16xi32>
      %swap3A = arith.index_cast %while3A_159 : i32 to index
      %swap3A_178 = tpu.vector_load %arg8[%swap3A] masked %and3A_174 {strides = array<i32>} : memref<192xi32, #tpu.memory_space<vmem>>, vector<16xi32>, vector<16xi1>
      tpu.vector_store %arg8[%swap3A], %sub3A_177 masked %and3A_174 {strides = array<i32>} : memref<192xi32, #tpu.memory_space<vmem>>, vector<16xi32>, vector<16xi1>
      %swap3A_179 = arith.index_cast %while3A_159 : i32 to index
      %swap3A_180 = tpu.vector_load %arg9[%swap3A_179] masked %and3A_174 {strides = array<i32>} : memref<192xi32, #tpu.memory_space<vmem>>, vector<16xi32>, vector<16xi1>
      tpu.vector_store %arg9[%swap3A_179], %get3A_166 masked %and3A_174 {strides = array<i32>} : memref<192xi32, #tpu.memory_space<vmem>>, vector<16xi32>, vector<16xi1>
      %convert_element_type3A = arith.extui %and3A_174 : vector<16xi1> to vector<16xi32>
      %reduce_sum3A = arith.constant true
      %reduce_sum3A_181 = vector.broadcast %reduce_sum3A : i1 to vector<16xi1>
      %reduce_sum3A_182 = tpu.scan <sum>, %convert_element_type3A masked %reduce_sum3A_181 : vector<16xi32>, vector<16xi1> -> vector<16xi32>
      %reduce_sum3A_183 = vector.extract %reduce_sum3A_182[15] : i32 from vector<16xi32>
      %add3A_184 = arith.addi %while3A_159, %reduce_sum3A_183 : i32
      scf.yield %add3A_184 : i32
    }
    %while3A_142 = arith.constant 1 : i32
    %while3A_143 = scf.for %while3A_158 = %while3A_139 to %while3A_135 step %while3A_142 iter_args(%while3A_159 = %while3A_141) -> (i32)  : i32 {
      %mul3A_160 = arith.constant 16 : i32
      %mul3A_161 = arith.muli %while3A_158, %mul3A_160 : i32
      %get3A = arith.index_cast %mul3A_161 : i32 to index
      %get3A_162 = tpu.vector_load %arg6[%get3A] {strides = array<i32>} : memref<4352xi32, #tpu.memory_space<vmem>>, vector<16xi32>,
      %mul3A_163 = arith.constant 16 : i32
      %mul3A_164 = arith.muli %while3A_158, %mul3A_163 : i32
      %get3A_165 = arith.index_cast %mul3A_164 : i32 to index
      %get3A_166 = tpu.vector_load %arg7[%get3A_165] {strides = array<i32>} : memref<4352xi32, #tpu.memory_space<vmem>>, vector<16xi32>,
      %ge3A = arith.constant 999936 : i32
      %ge3A_167 = vector.broadcast %ge3A : i32 to vector<16xi32>
      %ge3A_168 = arith.cmpi sge, %get3A_162, %ge3A_167 : vector<16xi32>
      %mul3A_169 = arith.constant 16 : i32
      %mul3A_170 = arith.muli %while3A_158, %mul3A_169 : i32
      %add3A_171 = vector.broadcast %mul3A_170 : i32 to vector<16xi32>
      %add3A_172 = arith.addi %add3A_171, %iota3A : vector<16xi32>
      %lt3A = vector.broadcast %scan3A_65 : i32 to vector<16xi32>
      %lt3A_173 = arith.cmpi slt, %add3A_172, %lt3A : vector<16xi32>
      %and3A_174 = arith.andi %ge3A_168, %lt3A_173 : vector<16xi1>
      %sub3A_175 = arith.constant 999936 : i32
      %sub3A_176 = vector.broadcast %sub3A_175 : i32 to vector<16xi32>
      %sub3A_177 = arith.subi %get3A_162, %sub3A_176 : vector<16xi32>
      %swap3A = arith.index_cast %while3A_159 : i32 to index
      %swap3A_178 = tpu.vector_load %arg8[%swap3A] masked %and3A_174 {strides = array<i32>} : memref<192xi32, #tpu.memory_space<vmem>>, vector<16xi32>, vector<16xi1>
      tpu.vector_store %arg8[%swap3A], %sub3A_177 masked %and3A_174 {strides = array<i32>} : memref<192xi32, #tpu.memory_space<vmem>>, vector<16xi32>, vector<16xi1>
      %swap3A_179 = arith.index_cast %while3A_159 : i32 to index
      %swap3A_180 = tpu.vector_load %arg9[%swap3A_179] masked %and3A_174 {strides = array<i32>} : memref<192xi32, #tpu.memory_space<vmem>>, vector<16xi32>, vector<16xi1>
      tpu.vector_store %arg9[%swap3A_179], %get3A_166 masked %and3A_174 {strides = array<i32>} : memref<192xi32, #tpu.memory_space<vmem>>, vector<16xi32>, vector<16xi1>
      %convert_element_type3A = arith.extui %and3A_174 : vector<16xi1> to vector<16xi32>
      %reduce_sum3A = arith.constant true
      %reduce_sum3A_181 = vector.broadcast %reduce_sum3A : i1 to vector<16xi1>
      %reduce_sum3A_182 = tpu.scan <sum>, %convert_element_type3A masked %reduce_sum3A_181 : vector<16xi32>, vector<16xi1> -> vector<16xi32>
      %reduce_sum3A_183 = vector.extract %reduce_sum3A_182[15] : i32 from vector<16xi32>
      %add3A_184 = arith.addi %while3A_159, %reduce_sum3A_183 : i32
      scf.yield %add3A_184 : i32
    }
    %min3A_144 = arith.constant 192 : i32
    %min3A_145 = arith.minsi %while3A_143, %min3A_144 : i32
    %while3A_146 = arith.constant 0 : i32
    %while3A_147 = arith.constant 0 : i32
    %while3A_148 = arith.subi %min3A_145, %while3A_146 : i32
    %while3A_149 = arith.addi %while3A_146, %while3A_148 : i32
    %while3A_150 = arith.constant 1 : i32
    %while3A_151 = arith.divsi %while3A_148, %while3A_150 : i32
    %while3A_152 = arith.muli %while3A_151, %while3A_150 : i32
    %while3A_153 = arith.addi %while3A_146, %while3A_152 : i32
    %while3A_154 = arith.constant 1 : i32
    %while3A_155 = scf.for %while3A_158 = %while3A_146 to %while3A_153 step %while3A_154 iter_args(%while3A_159 = %while3A_147) -> (i32)  : i32 {
      %broadcast_in_dim3A = vector.broadcast %while3A_158 : i32 to vector<16xi32>
      %gather3A = tpu.vector_load_idx %arg8[%broadcast_in_dim3A] : memref<192xi32, #tpu.memory_space<vmem>>[vector<16xi32>], vector<16xi32>,
      %broadcast_in_dim3A_160 = vector.broadcast %while3A_158 : i32 to vector<16xi32>
      %gather3A_161 = tpu.vector_load_idx %arg9[%broadcast_in_dim3A_160] : memref<192xi32, #tpu.memory_space<vmem>>[vector<16xi32>], vector<16xi32>,
      %reduce_max3A = arith.constant true
      %reduce_max3A_162 = vector.broadcast %reduce_max3A : i1 to vector<16xi1>
      %reduce_max3A_163 = arith.constant -2147483648 : i32
      %reduce_max3A_164 = vector.broadcast %reduce_max3A_163 : i32 to vector<16xi32>
      %reduce_max3A_165 = arith.xori %gather3A_161, %reduce_max3A_164 : vector<16xi32>
      %reduce_max3A_166 = tpu.scan <max>, %reduce_max3A_165 masked %reduce_max3A_162 : vector<16xi32>, vector<16xi1> -> vector<16xi32>
      %reduce_max3A_167 = arith.xori %reduce_max3A_166, %reduce_max3A_164 : vector<16xi32>
      %reduce_max3A_168 = vector.extract %reduce_max3A_167[15] : i32 from vector<16xi32>
      %jit3A_169 = arith.constant 2 : i32
      %eq3A = arith.constant 0 : i32
      %eq3A_170 = arith.cmpi eq, %jit3A_169, %eq3A : i32
      %jit3A_171 = arith.constant 1 : i32
      %select_n3A_172 = arith.select %eq3A_170, %jit3A_171, %jit3A_169 : i32
      %rem3A_173 = arith.remsi %while3A_158, %select_n3A_172 : i32
      %ne3A_174 = arith.constant 0 : i32
      %ne3A_175 = arith.cmpi ne, %rem3A_173, %ne3A_174 : i32
      %lt3A = arith.constant 0 : i32
      %lt3A_176 = arith.cmpi slt, %rem3A_173, %lt3A : i32
      %lt3A_177 = arith.constant 0 : i32
      %lt3A_178 = arith.cmpi slt, %select_n3A_172, %lt3A_177 : i32
      %ne3A_179 = arith.xori %lt3A_176, %lt3A_178 : i1
      %and3A_180 = arith.andi %ne3A_179, %ne3A_175 : i1
      %add3A_181 = arith.addi %rem3A_173, %select_n3A_172 : i32
      %select_n3A_182 = arith.select %and3A_180, %add3A_181, %rem3A_173 : i32
      %gather3A_183 = tpu.vector_load_idx %arg11[%add3A_70, %gather3A] : memref<64x64xf32, #tpu.memory_space<vmem>>[vector<16xi32>, vector<16xi32>], vector<16xf32>,
      %swap3A = arith.index_cast %select_n3A_182 : i32 to index
      %swap3A_184 = arith.constant 0 : index
      %swap3A_185 = tpu.vector_load %arg12[%swap3A, %swap3A_184] {strides = array<i32>} : memref<16x64xf32, #tpu.memory_space<vmem>>, vector<16xf32>,
      tpu.vector_store %arg12[%swap3A, %swap3A_184], %gather3A_183 {strides = array<i32>} : memref<16x64xf32, #tpu.memory_space<vmem>>, vector<16xf32>,
      %gather3A_186 = tpu.vector_load_idx %arg11[%add3A_74, %gather3A] : memref<64x64xf32, #tpu.memory_space<vmem>>[vector<16xi32>, vector<16xi32>], vector<16xf32>,
      %swap3A_187 = arith.index_cast %select_n3A_182 : i32 to index
      %swap3A_188 = arith.constant 16 : index
      %swap3A_189 = tpu.vector_load %arg12[%swap3A_187, %swap3A_188] {strides = array<i32>} : memref<16x64xf32, #tpu.memory_space<vmem>>, vector<16xf32>,
      tpu.vector_store %arg12[%swap3A_187, %swap3A_188], %gather3A_186 {strides = array<i32>} : memref<16x64xf32, #tpu.memory_space<vmem>>, vector<16xf32>,
      %gather3A_190 = tpu.vector_load_idx %arg11[%add3A_78, %gather3A] : memref<64x64xf32, #tpu.memory_space<vmem>>[vector<16xi32>, vector<16xi32>], vector<16xf32>,
      %swap3A_191 = arith.index_cast %select_n3A_182 : i32 to index
      %swap3A_192 = arith.constant 32 : index
      %swap3A_193 = tpu.vector_load %arg12[%swap3A_191, %swap3A_192] {strides = array<i32>} : memref<16x64xf32, #tpu.memory_space<vmem>>, vector<16xf32>,
      tpu.vector_store %arg12[%swap3A_191, %swap3A_192], %gather3A_190 {strides = array<i32>} : memref<16x64xf32, #tpu.memory_space<vmem>>, vector<16xf32>,
      %gather3A_194 = tpu.vector_load_idx %arg11[%add3A_82, %gather3A] : memref<64x64xf32, #tpu.memory_space<vmem>>[vector<16xi32>, vector<16xi32>], vector<16xf32>,
      %swap3A_195 = arith.index_cast %select_n3A_182 : i32 to index
      %swap3A_196 = arith.constant 48 : index
      %swap3A_197 = tpu.vector_load %arg12[%swap3A_195, %swap3A_196] {strides = array<i32>} : memref<16x64xf32, #tpu.memory_space<vmem>>, vector<16xf32>,
      tpu.vector_store %arg12[%swap3A_195, %swap3A_196], %gather3A_194 {strides = array<i32>} : memref<16x64xf32, #tpu.memory_space<vmem>>, vector<16xf32>,
      %mul3A_198 = arith.constant 64 : i32
      %mul3A_199 = arith.muli %reduce_max3A_168, %mul3A_198 : i32
      "tpu.region"() ({
        %run_scoped3A = tpu.sem_alloc : memref<!tpu.dma_semaphore, #tpu.memory_space<semaphore_mem>>
        %dma_start3A_201 = arith.constant 0 : i32
        %dma_start3A_202 = tpu.memref_slice %arg12[%select_n3A_182, %dma_start3A_201] : memref<16x64xf32, #tpu.memory_space<vmem>> -> memref<1x64xf32, #tpu.memory_space<vmem>>
        %dma_start3A_203 = tpu.memref_squeeze %dma_start3A_202 : memref<1x64xf32, #tpu.memory_space<vmem>> -> memref<64xf32, #tpu.memory_space<vmem>>
        %dma_start3A_204 = tpu.memref_slice %arg4[%mul3A_199] : memref<5242880xf32, #tpu.memory_space<hbm>> -> memref<64xf32, #tpu.memory_space<hbm>>
        %dma_start3A_205 = tpu.memref_slice %arg4[%mul3A_199] : memref<5242880xf32, #tpu.memory_space<hbm>> -> memref<64xf32, #tpu.memory_space<hbm>>
        %dma_start3A_206 = arith.constant 0 : i32
        %dma_start3A_207 = tpu.memref_slice %arg12[%select_n3A_182, %dma_start3A_206] : memref<16x64xf32, #tpu.memory_space<vmem>> -> memref<1x64xf32, #tpu.memory_space<vmem>>
        %dma_start3A_208 = tpu.memref_squeeze %dma_start3A_207 : memref<1x64xf32, #tpu.memory_space<vmem>> -> memref<64xf32, #tpu.memory_space<vmem>>
        tpu.enqueue_dma source(%dma_start3A_208 : memref<64xf32, #tpu.memory_space<vmem>>) target(%dma_start3A_205 : memref<64xf32, #tpu.memory_space<hbm>>) target_semaphore(%run_scoped3A : memref<!tpu.dma_semaphore, #tpu.memory_space<semaphore_mem>>)
        %dma_wait3A_209 = arith.constant 0 : i32
        %dma_wait3A_210 = tpu.memref_slice %arg12[%select_n3A_182, %dma_wait3A_209] : memref<16x64xf32, #tpu.memory_space<vmem>> -> memref<1x64xf32, #tpu.memory_space<vmem>>
        %dma_wait3A_211 = tpu.memref_squeeze %dma_wait3A_210 : memref<1x64xf32, #tpu.memory_space<vmem>> -> memref<64xf32, #tpu.memory_space<vmem>>
        %dma_wait3A_212 = tpu.memref_slice %arg4[%mul3A_199] : memref<5242880xf32, #tpu.memory_space<hbm>> -> memref<64xf32, #tpu.memory_space<hbm>>
        %dma_wait3A_213 = tpu.memref_slice %arg4[%mul3A_199] : memref<5242880xf32, #tpu.memory_space<hbm>> -> memref<64xf32, #tpu.memory_space<hbm>>
        %dma_wait3A_214 = arith.constant 0 : i32
        %dma_wait3A_215 = tpu.memref_slice %arg12[%select_n3A_182, %dma_wait3A_214] : memref<16x64xf32, #tpu.memory_space<vmem>> -> memref<1x64xf32, #tpu.memory_space<vmem>>
        %dma_wait3A_216 = tpu.memref_squeeze %dma_wait3A_215 : memref<1x64xf32, #tpu.memory_space<vmem>> -> memref<64xf32, #tpu.memory_space<vmem>>
        tpu.wait_dma2 semaphore(%run_scoped3A : memref<!tpu.dma_semaphore, #tpu.memory_space<semaphore_mem>>) src(%dma_wait3A_216 : memref<64xf32, #tpu.memory_space<vmem>>) dst(%dma_wait3A_213 : memref<64xf32, #tpu.memory_space<hbm>>)
        tpu.yield
      }) : () -> ()
      %while3A_200 = arith.constant 0 : i32
      scf.yield %while3A_200 : i32
    }
    %while3A_156 = arith.constant 1 : i32
    %while3A_157 = scf.for %while3A_158 = %while3A_153 to %while3A_149 step %while3A_156 iter_args(%while3A_159 = %while3A_155) -> (i32)  : i32 {
      %broadcast_in_dim3A = vector.broadcast %while3A_158 : i32 to vector<16xi32>
      %gather3A = tpu.vector_load_idx %arg8[%broadcast_in_dim3A] : memref<192xi32, #tpu.memory_space<vmem>>[vector<16xi32>], vector<16xi32>,
      %broadcast_in_dim3A_160 = vector.broadcast %while3A_158 : i32 to vector<16xi32>
      %gather3A_161 = tpu.vector_load_idx %arg9[%broadcast_in_dim3A_160] : memref<192xi32, #tpu.memory_space<vmem>>[vector<16xi32>], vector<16xi32>,
      %reduce_max3A = arith.constant true
      %reduce_max3A_162 = vector.broadcast %reduce_max3A : i1 to vector<16xi1>
      %reduce_max3A_163 = arith.constant -2147483648 : i32
      %reduce_max3A_164 = vector.broadcast %reduce_max3A_163 : i32 to vector<16xi32>
      %reduce_max3A_165 = arith.xori %gather3A_161, %reduce_max3A_164 : vector<16xi32>
      %reduce_max3A_166 = tpu.scan <max>, %reduce_max3A_165 masked %reduce_max3A_162 : vector<16xi32>, vector<16xi1> -> vector<16xi32>
      %reduce_max3A_167 = arith.xori %reduce_max3A_166, %reduce_max3A_164 : vector<16xi32>
      %reduce_max3A_168 = vector.extract %reduce_max3A_167[15] : i32 from vector<16xi32>
      %jit3A_169 = arith.constant 2 : i32
      %eq3A = arith.constant 0 : i32
      %eq3A_170 = arith.cmpi eq, %jit3A_169, %eq3A : i32
      %jit3A_171 = arith.constant 1 : i32
      %select_n3A_172 = arith.select %eq3A_170, %jit3A_171, %jit3A_169 : i32
      %rem3A_173 = arith.remsi %while3A_158, %select_n3A_172 : i32
      %ne3A_174 = arith.constant 0 : i32
      %ne3A_175 = arith.cmpi ne, %rem3A_173, %ne3A_174 : i32
      %lt3A = arith.constant 0 : i32
      %lt3A_176 = arith.cmpi slt, %rem3A_173, %lt3A : i32
      %lt3A_177 = arith.constant 0 : i32
      %lt3A_178 = arith.cmpi slt, %select_n3A_172, %lt3A_177 : i32
      %ne3A_179 = arith.xori %lt3A_176, %lt3A_178 : i1
      %and3A_180 = arith.andi %ne3A_179, %ne3A_175 : i1
      %add3A_181 = arith.addi %rem3A_173, %select_n3A_172 : i32
      %select_n3A_182 = arith.select %and3A_180, %add3A_181, %rem3A_173 : i32
      %gather3A_183 = tpu.vector_load_idx %arg11[%add3A_70, %gather3A] : memref<64x64xf32, #tpu.memory_space<vmem>>[vector<16xi32>, vector<16xi32>], vector<16xf32>,
      %swap3A = arith.index_cast %select_n3A_182 : i32 to index
      %swap3A_184 = arith.constant 0 : index
      %swap3A_185 = tpu.vector_load %arg12[%swap3A, %swap3A_184] {strides = array<i32>} : memref<16x64xf32, #tpu.memory_space<vmem>>, vector<16xf32>,
      tpu.vector_store %arg12[%swap3A, %swap3A_184], %gather3A_183 {strides = array<i32>} : memref<16x64xf32, #tpu.memory_space<vmem>>, vector<16xf32>,
      %gather3A_186 = tpu.vector_load_idx %arg11[%add3A_74, %gather3A] : memref<64x64xf32, #tpu.memory_space<vmem>>[vector<16xi32>, vector<16xi32>], vector<16xf32>,
      %swap3A_187 = arith.index_cast %select_n3A_182 : i32 to index
      %swap3A_188 = arith.constant 16 : index
      %swap3A_189 = tpu.vector_load %arg12[%swap3A_187, %swap3A_188] {strides = array<i32>} : memref<16x64xf32, #tpu.memory_space<vmem>>, vector<16xf32>,
      tpu.vector_store %arg12[%swap3A_187, %swap3A_188], %gather3A_186 {strides = array<i32>} : memref<16x64xf32, #tpu.memory_space<vmem>>, vector<16xf32>,
      %gather3A_190 = tpu.vector_load_idx %arg11[%add3A_78, %gather3A] : memref<64x64xf32, #tpu.memory_space<vmem>>[vector<16xi32>, vector<16xi32>], vector<16xf32>,
      %swap3A_191 = arith.index_cast %select_n3A_182 : i32 to index
      %swap3A_192 = arith.constant 32 : index
      %swap3A_193 = tpu.vector_load %arg12[%swap3A_191, %swap3A_192] {strides = array<i32>} : memref<16x64xf32, #tpu.memory_space<vmem>>, vector<16xf32>,
      tpu.vector_store %arg12[%swap3A_191, %swap3A_192], %gather3A_190 {strides = array<i32>} : memref<16x64xf32, #tpu.memory_space<vmem>>, vector<16xf32>,
      %gather3A_194 = tpu.vector_load_idx %arg11[%add3A_82, %gather3A] : memref<64x64xf32, #tpu.memory_space<vmem>>[vector<16xi32>, vector<16xi32>], vector<16xf32>,
      %swap3A_195 = arith.index_cast %select_n3A_182 : i32 to index
      %swap3A_196 = arith.constant 48 : index
      %swap3A_197 = tpu.vector_load %arg12[%swap3A_195, %swap3A_196] {strides = array<i32>} : memref<16x64xf32, #tpu.memory_space<vmem>>, vector<16xf32>,
      tpu.vector_store %arg12[%swap3A_195, %swap3A_196], %gather3A_194 {strides = array<i32>} : memref<16x64xf32, #tpu.memory_space<vmem>>, vector<16xf32>,
      %mul3A_198 = arith.constant 64 : i32
      %mul3A_199 = arith.muli %reduce_max3A_168, %mul3A_198 : i32
      "tpu.region"() ({
        %run_scoped3A = tpu.sem_alloc : memref<!tpu.dma_semaphore, #tpu.memory_space<semaphore_mem>>
        %dma_start3A_201 = arith.constant 0 : i32
        %dma_start3A_202 = tpu.memref_slice %arg12[%select_n3A_182, %dma_start3A_201] : memref<16x64xf32, #tpu.memory_space<vmem>> -> memref<1x64xf32, #tpu.memory_space<vmem>>
        %dma_start3A_203 = tpu.memref_squeeze %dma_start3A_202 : memref<1x64xf32, #tpu.memory_space<vmem>> -> memref<64xf32, #tpu.memory_space<vmem>>
        %dma_start3A_204 = tpu.memref_slice %arg4[%mul3A_199] : memref<5242880xf32, #tpu.memory_space<hbm>> -> memref<64xf32, #tpu.memory_space<hbm>>
        %dma_start3A_205 = tpu.memref_slice %arg4[%mul3A_199] : memref<5242880xf32, #tpu.memory_space<hbm>> -> memref<64xf32, #tpu.memory_space<hbm>>
        %dma_start3A_206 = arith.constant 0 : i32
        %dma_start3A_207 = tpu.memref_slice %arg12[%select_n3A_182, %dma_start3A_206] : memref<16x64xf32, #tpu.memory_space<vmem>> -> memref<1x64xf32, #tpu.memory_space<vmem>>
        %dma_start3A_208 = tpu.memref_squeeze %dma_start3A_207 : memref<1x64xf32, #tpu.memory_space<vmem>> -> memref<64xf32, #tpu.memory_space<vmem>>
        tpu.enqueue_dma source(%dma_start3A_208 : memref<64xf32, #tpu.memory_space<vmem>>) target(%dma_start3A_205 : memref<64xf32, #tpu.memory_space<hbm>>) target_semaphore(%run_scoped3A : memref<!tpu.dma_semaphore, #tpu.memory_space<semaphore_mem>>)
        %dma_wait3A_209 = arith.constant 0 : i32
        %dma_wait3A_210 = tpu.memref_slice %arg12[%select_n3A_182, %dma_wait3A_209] : memref<16x64xf32, #tpu.memory_space<vmem>> -> memref<1x64xf32, #tpu.memory_space<vmem>>
        %dma_wait3A_211 = tpu.memref_squeeze %dma_wait3A_210 : memref<1x64xf32, #tpu.memory_space<vmem>> -> memref<64xf32, #tpu.memory_space<vmem>>
        %dma_wait3A_212 = tpu.memref_slice %arg4[%mul3A_199] : memref<5242880xf32, #tpu.memory_space<hbm>> -> memref<64xf32, #tpu.memory_space<hbm>>
        %dma_wait3A_213 = tpu.memref_slice %arg4[%mul3A_199] : memref<5242880xf32, #tpu.memory_space<hbm>> -> memref<64xf32, #tpu.memory_space<hbm>>
        %dma_wait3A_214 = arith.constant 0 : i32
        %dma_wait3A_215 = tpu.memref_slice %arg12[%select_n3A_182, %dma_wait3A_214] : memref<16x64xf32, #tpu.memory_space<vmem>> -> memref<1x64xf32, #tpu.memory_space<vmem>>
        %dma_wait3A_216 = tpu.memref_squeeze %dma_wait3A_215 : memref<1x64xf32, #tpu.memory_space<vmem>> -> memref<64xf32, #tpu.memory_space<vmem>>
        tpu.wait_dma2 semaphore(%run_scoped3A : memref<!tpu.dma_semaphore, #tpu.memory_space<semaphore_mem>>) src(%dma_wait3A_216 : memref<64xf32, #tpu.memory_space<vmem>>) dst(%dma_wait3A_213 : memref<64xf32, #tpu.memory_space<hbm>>)
        tpu.yield
      }) : () -> ()
      %while3A_200 = arith.constant 0 : i32
      scf.yield %while3A_200 : i32
    }
    return
  }
}

module attributes {stable_mosaic.version = 14 : i64} {
  func.func @_gru_body(%arg0: i32, %arg1: memref<20x256x128xf32, #tpu.memory_space<vmem>>, %arg2: memref<128x384xf32, #tpu.memory_space<vmem>>, %arg3: memref<128x384xf32, #tpu.memory_space<vmem>>, %arg4: memref<1x384xf32, #tpu.memory_space<vmem>>, %arg5: memref<1x384xf32, #tpu.memory_space<vmem>>, %arg6: memref<1280x512xf32, #tpu.memory_space<vmem>>, %arg7: memref<64x512xf32, #tpu.memory_space<vmem>>) attributes {dimension_semantics = [#tpu.dimension_semantics<arbitrary>], iteration_bounds = array<i64: 8>, scalar_prefetch = 0 : i64, scratch_operands = 0 : i64, tpu.core_type = #tpu.core_type<tc>, window_params = [{transform_indices = @transform_0, window_bounds = array<i64: 20, 256, 128>}, {pipeline_mode = #tpu.pipeline_mode<synchronous>, transform_indices = @transform_1, window_bounds = array<i64: 128, 384>}, {pipeline_mode = #tpu.pipeline_mode<synchronous>, transform_indices = @transform_2, window_bounds = array<i64: 128, 384>}, {pipeline_mode = #tpu.pipeline_mode<synchronous>, transform_indices = @transform_3, window_bounds = array<i64: 1, 384>}, {pipeline_mode = #tpu.pipeline_mode<synchronous>, transform_indices = @transform_4, window_bounds = array<i64: 1, 384>}, {transform_indices = @transform_5, window_bounds = array<i64: 1280, 512>}, {transform_indices = @transform_6, window_bounds = array<i64: 64, 512>}]} {
    %broadcast_in_dim3A = arith.constant 0.000000e+00 : f32
    %broadcast_in_dim3A_0 = vector.broadcast %broadcast_in_dim3A : f32 to vector<256x128xf32>
    %get3A = arith.constant 0 : index
    %get3A_1 = arith.constant 0 : index
    %get3A_2 = arith.constant 0 : index
    %get3A_3 = vector.load %arg1[%get3A, %get3A_1, %get3A_2] : memref<20x256x128xf32, #tpu.memory_space<vmem>>, vector<1x256x128xf32>
    %get3A_4 = vector.shape_cast %get3A_3 : vector<1x256x128xf32> to vector<256x128xf32>
    %get3A_5 = arith.constant 0 : index
    %get3A_6 = arith.constant 0 : index
    %get3A_7 = vector.load %arg2[%get3A_5, %get3A_6] : memref<128x384xf32, #tpu.memory_space<vmem>>, vector<128x384xf32>
    %dot_general3A = arith.constant dense<0.000000e+00> : vector<256x384xf32>
    %dot_general3A_8 = tpu.matmul %get3A_4, %get3A_7, %dot_general3A {dimension_numbers = #tpu.dot_dimension_numbers<[1], [0], [0], [1], [0, 0, 1, 1], [], []>, transpose_lhs_hint = false} : vector<256x128xf32>, vector<128x384xf32>, vector<256x384xf32> -> vector<256x384xf32>
    %get3A_9 = arith.constant 0 : index
    %get3A_10 = arith.constant 0 : index
    %get3A_11 = vector.load %arg4[%get3A_9, %get3A_10] : memref<1x384xf32, #tpu.memory_space<vmem>>, vector<1x384xf32>
    %add3A = vector.broadcast %get3A_11 : vector<1x384xf32> to vector<256x384xf32>
    %add3A_12 = arith.addf %dot_general3A_8, %add3A : vector<256x384xf32>
    %get3A_13 = arith.constant 0 : index
    %get3A_14 = arith.constant 0 : index
    %get3A_15 = vector.load %arg3[%get3A_13, %get3A_14] : memref<128x384xf32, #tpu.memory_space<vmem>>, vector<128x384xf32>
    %dot_general3A_16 = arith.constant dense<0.000000e+00> : vector<256x384xf32>
    %dot_general3A_17 = tpu.matmul %broadcast_in_dim3A_0, %get3A_15, %dot_general3A_16 {dimension_numbers = #tpu.dot_dimension_numbers<[1], [0], [0], [1], [0, 0, 1, 1], [], []>, transpose_lhs_hint = false} : vector<256x128xf32>, vector<128x384xf32>, vector<256x384xf32> -> vector<256x384xf32>
    %get3A_18 = arith.constant 0 : index
    %get3A_19 = arith.constant 0 : index
    %get3A_20 = vector.load %arg5[%get3A_18, %get3A_19] : memref<1x384xf32, #tpu.memory_space<vmem>>, vector<1x384xf32>
    %add3A_21 = vector.broadcast %get3A_20 : vector<1x384xf32> to vector<256x384xf32>
    %add3A_22 = arith.addf %dot_general3A_17, %add3A_21 : vector<256x384xf32>
    %slice3A = vector.extract_strided_slice %add3A_12 {offsets = [0, 0], sizes = [256, 128], strides = [1, 1]} : vector<256x384xf32> to vector<256x128xf32>
    %slice3A_23 = vector.extract_strided_slice %add3A_22 {offsets = [0, 0], sizes = [256, 128], strides = [1, 1]} : vector<256x384xf32> to vector<256x128xf32>
    %add3A_24 = arith.addf %slice3A, %slice3A_23 : vector<256x128xf32>
    %logistic3A = arith.negf %add3A_24 : vector<256x128xf32>
    %logistic3A_25 = math.exp %logistic3A : vector<256x128xf32>
    %logistic3A_26 = arith.constant 1.000000e+00 : f32
    %logistic3A_27 = vector.broadcast %logistic3A_26 : f32 to vector<256x128xf32>
    %logistic3A_28 = arith.addf %logistic3A_27, %logistic3A_25 : vector<256x128xf32>
    %logistic3A_29 = arith.divf %logistic3A_27, %logistic3A_28 : vector<256x128xf32>
    %slice3A_30 = vector.extract_strided_slice %add3A_12 {offsets = [0, 128], sizes = [256, 128], strides = [1, 1]} : vector<256x384xf32> to vector<256x128xf32>
    %slice3A_31 = vector.extract_strided_slice %add3A_22 {offsets = [0, 128], sizes = [256, 128], strides = [1, 1]} : vector<256x384xf32> to vector<256x128xf32>
    %add3A_32 = arith.addf %slice3A_30, %slice3A_31 : vector<256x128xf32>
    %logistic3A_33 = arith.negf %add3A_32 : vector<256x128xf32>
    %logistic3A_34 = math.exp %logistic3A_33 : vector<256x128xf32>
    %logistic3A_35 = arith.constant 1.000000e+00 : f32
    %logistic3A_36 = vector.broadcast %logistic3A_35 : f32 to vector<256x128xf32>
    %logistic3A_37 = arith.addf %logistic3A_36, %logistic3A_34 : vector<256x128xf32>
    %logistic3A_38 = arith.divf %logistic3A_36, %logistic3A_37 : vector<256x128xf32>
    %slice3A_39 = vector.extract_strided_slice %add3A_12 {offsets = [0, 256], sizes = [256, 128], strides = [1, 1]} : vector<256x384xf32> to vector<256x128xf32>
    %slice3A_40 = vector.extract_strided_slice %add3A_22 {offsets = [0, 256], sizes = [256, 128], strides = [1, 1]} : vector<256x384xf32> to vector<256x128xf32>
    %mul3A = arith.mulf %logistic3A_29, %slice3A_40 : vector<256x128xf32>
    %add3A_41 = arith.addf %slice3A_39, %mul3A : vector<256x128xf32>
    %tanh3A = math.tanh %add3A_41 : vector<256x128xf32>
    %sub3A = arith.subf %broadcast_in_dim3A_0, %tanh3A : vector<256x128xf32>
    %mul3A_42 = arith.mulf %logistic3A_38, %sub3A : vector<256x128xf32>
    %add3A_43 = arith.addf %tanh3A, %mul3A_42 : vector<256x128xf32>
    %transpose3A = tpu.transpose %add3A_43, [1, 0] : vector<256x128xf32> -> vector<128x256xf32>
    %slice3A_44 = vector.extract_strided_slice %transpose3A {offsets = [0, 0], sizes = [64, 256], strides = [1, 1]} : vector<128x256xf32> to vector<64x256xf32>
    %slice3A_45 = vector.extract_strided_slice %transpose3A {offsets = [64, 0], sizes = [64, 256], strides = [1, 1]} : vector<128x256xf32> to vector<64x256xf32>
    %concatenate3A = tpu.concatenate %slice3A_44, %slice3A_45 in 1 : vector<64x256xf32>, vector<64x256xf32> -> vector<64x512xf32>
    %swap3A = arith.constant 0 : index
    %swap3A_46 = arith.constant 0 : index
    %swap3A_47 = vector.load %arg6[%swap3A, %swap3A_46] : memref<1280x512xf32, #tpu.memory_space<vmem>>, vector<64x512xf32>
    tpu.vector_store %arg6[%swap3A, %swap3A_46], %concatenate3A {strides = array<i32>} : memref<1280x512xf32, #tpu.memory_space<vmem>>, vector<64x512xf32>,
    %get3A_48 = arith.constant 1 : index
    %get3A_49 = arith.constant 0 : index
    %get3A_50 = arith.constant 0 : index
    %get3A_51 = vector.load %arg1[%get3A_48, %get3A_49, %get3A_50] : memref<20x256x128xf32, #tpu.memory_space<vmem>>, vector<1x256x128xf32>
    %get3A_52 = vector.shape_cast %get3A_51 : vector<1x256x128xf32> to vector<256x128xf32>
    %get3A_53 = arith.constant 0 : index
    %get3A_54 = arith.constant 0 : index
    %get3A_55 = vector.load %arg2[%get3A_53, %get3A_54] : memref<128x384xf32, #tpu.memory_space<vmem>>, vector<128x384xf32>
    %dot_general3A_56 = arith.constant dense<0.000000e+00> : vector<256x384xf32>
    %dot_general3A_57 = tpu.matmul %get3A_52, %get3A_55, %dot_general3A_56 {dimension_numbers = #tpu.dot_dimension_numbers<[1], [0], [0], [1], [0, 0, 1, 1], [], []>, transpose_lhs_hint = false} : vector<256x128xf32>, vector<128x384xf32>, vector<256x384xf32> -> vector<256x384xf32>
    %get3A_58 = arith.constant 0 : index
    %get3A_59 = arith.constant 0 : index
    %get3A_60 = vector.load %arg4[%get3A_58, %get3A_59] : memref<1x384xf32, #tpu.memory_space<vmem>>, vector<1x384xf32>
    %add3A_61 = vector.broadcast %get3A_60 : vector<1x384xf32> to vector<256x384xf32>
    %add3A_62 = arith.addf %dot_general3A_57, %add3A_61 : vector<256x384xf32>
    %get3A_63 = arith.constant 0 : index
    %get3A_64 = arith.constant 0 : index
    %get3A_65 = vector.load %arg3[%get3A_63, %get3A_64] : memref<128x384xf32, #tpu.memory_space<vmem>>, vector<128x384xf32>
    %dot_general3A_66 = arith.constant dense<0.000000e+00> : vector<256x384xf32>
    %dot_general3A_67 = tpu.matmul %add3A_43, %get3A_65, %dot_general3A_66 {dimension_numbers = #tpu.dot_dimension_numbers<[1], [0], [0], [1], [0, 0, 1, 1], [], []>, transpose_lhs_hint = false} : vector<256x128xf32>, vector<128x384xf32>, vector<256x384xf32> -> vector<256x384xf32>
    %get3A_68 = arith.constant 0 : index
    %get3A_69 = arith.constant 0 : index
    %get3A_70 = vector.load %arg5[%get3A_68, %get3A_69] : memref<1x384xf32, #tpu.memory_space<vmem>>, vector<1x384xf32>
    %add3A_71 = vector.broadcast %get3A_70 : vector<1x384xf32> to vector<256x384xf32>
    %add3A_72 = arith.addf %dot_general3A_67, %add3A_71 : vector<256x384xf32>
    %slice3A_73 = vector.extract_strided_slice %add3A_62 {offsets = [0, 0], sizes = [256, 128], strides = [1, 1]} : vector<256x384xf32> to vector<256x128xf32>
    %slice3A_74 = vector.extract_strided_slice %add3A_72 {offsets = [0, 0], sizes = [256, 128], strides = [1, 1]} : vector<256x384xf32> to vector<256x128xf32>
    %add3A_75 = arith.addf %slice3A_73, %slice3A_74 : vector<256x128xf32>
    %logistic3A_76 = arith.negf %add3A_75 : vector<256x128xf32>
    %logistic3A_77 = math.exp %logistic3A_76 : vector<256x128xf32>
    %logistic3A_78 = arith.constant 1.000000e+00 : f32
    %logistic3A_79 = vector.broadcast %logistic3A_78 : f32 to vector<256x128xf32>
    %logistic3A_80 = arith.addf %logistic3A_79, %logistic3A_77 : vector<256x128xf32>
    %logistic3A_81 = arith.divf %logistic3A_79, %logistic3A_80 : vector<256x128xf32>
    %slice3A_82 = vector.extract_strided_slice %add3A_62 {offsets = [0, 128], sizes = [256, 128], strides = [1, 1]} : vector<256x384xf32> to vector<256x128xf32>
    %slice3A_83 = vector.extract_strided_slice %add3A_72 {offsets = [0, 128], sizes = [256, 128], strides = [1, 1]} : vector<256x384xf32> to vector<256x128xf32>
    %add3A_84 = arith.addf %slice3A_82, %slice3A_83 : vector<256x128xf32>
    %logistic3A_85 = arith.negf %add3A_84 : vector<256x128xf32>
    %logistic3A_86 = math.exp %logistic3A_85 : vector<256x128xf32>
    %logistic3A_87 = arith.constant 1.000000e+00 : f32
    %logistic3A_88 = vector.broadcast %logistic3A_87 : f32 to vector<256x128xf32>
    %logistic3A_89 = arith.addf %logistic3A_88, %logistic3A_86 : vector<256x128xf32>
    %logistic3A_90 = arith.divf %logistic3A_88, %logistic3A_89 : vector<256x128xf32>
    %slice3A_91 = vector.extract_strided_slice %add3A_62 {offsets = [0, 256], sizes = [256, 128], strides = [1, 1]} : vector<256x384xf32> to vector<256x128xf32>
    %slice3A_92 = vector.extract_strided_slice %add3A_72 {offsets = [0, 256], sizes = [256, 128], strides = [1, 1]} : vector<256x384xf32> to vector<256x128xf32>
    %mul3A_93 = arith.mulf %logistic3A_81, %slice3A_92 : vector<256x128xf32>
    %add3A_94 = arith.addf %slice3A_91, %mul3A_93 : vector<256x128xf32>
    %tanh3A_95 = math.tanh %add3A_94 : vector<256x128xf32>
    %sub3A_96 = arith.subf %add3A_43, %tanh3A_95 : vector<256x128xf32>
    %mul3A_97 = arith.mulf %logistic3A_90, %sub3A_96 : vector<256x128xf32>
    %add3A_98 = arith.addf %tanh3A_95, %mul3A_97 : vector<256x128xf32>
    %transpose3A_99 = tpu.transpose %add3A_98, [1, 0] : vector<256x128xf32> -> vector<128x256xf32>
    %slice3A_100 = vector.extract_strided_slice %transpose3A_99 {offsets = [0, 0], sizes = [64, 256], strides = [1, 1]} : vector<128x256xf32> to vector<64x256xf32>
    %slice3A_101 = vector.extract_strided_slice %transpose3A_99 {offsets = [64, 0], sizes = [64, 256], strides = [1, 1]} : vector<128x256xf32> to vector<64x256xf32>
    %concatenate3A_102 = tpu.concatenate %slice3A_100, %slice3A_101 in 1 : vector<64x256xf32>, vector<64x256xf32> -> vector<64x512xf32>
    %swap3A_103 = arith.constant 64 : index
    %swap3A_104 = arith.constant 0 : index
    %swap3A_105 = vector.load %arg6[%swap3A_103, %swap3A_104] : memref<1280x512xf32, #tpu.memory_space<vmem>>, vector<64x512xf32>
    tpu.vector_store %arg6[%swap3A_103, %swap3A_104], %concatenate3A_102 {strides = array<i32>} : memref<1280x512xf32, #tpu.memory_space<vmem>>, vector<64x512xf32>,
    %get3A_106 = arith.constant 2 : index
    %get3A_107 = arith.constant 0 : index
    %get3A_108 = arith.constant 0 : index
    %get3A_109 = vector.load %arg1[%get3A_106, %get3A_107, %get3A_108] : memref<20x256x128xf32, #tpu.memory_space<vmem>>, vector<1x256x128xf32>
    %get3A_110 = vector.shape_cast %get3A_109 : vector<1x256x128xf32> to vector<256x128xf32>
    %get3A_111 = arith.constant 0 : index
    %get3A_112 = arith.constant 0 : index
    %get3A_113 = vector.load %arg2[%get3A_111, %get3A_112] : memref<128x384xf32, #tpu.memory_space<vmem>>, vector<128x384xf32>
    %dot_general3A_114 = arith.constant dense<0.000000e+00> : vector<256x384xf32>
    %dot_general3A_115 = tpu.matmul %get3A_110, %get3A_113, %dot_general3A_114 {dimension_numbers = #tpu.dot_dimension_numbers<[1], [0], [0], [1], [0, 0, 1, 1], [], []>, transpose_lhs_hint = false} : vector<256x128xf32>, vector<128x384xf32>, vector<256x384xf32> -> vector<256x384xf32>
    %get3A_116 = arith.constant 0 : index
    %get3A_117 = arith.constant 0 : index
    %get3A_118 = vector.load %arg4[%get3A_116, %get3A_117] : memref<1x384xf32, #tpu.memory_space<vmem>>, vector<1x384xf32>
    %add3A_119 = vector.broadcast %get3A_118 : vector<1x384xf32> to vector<256x384xf32>
    %add3A_120 = arith.addf %dot_general3A_115, %add3A_119 : vector<256x384xf32>
    %get3A_121 = arith.constant 0 : index
    %get3A_122 = arith.constant 0 : index
    %get3A_123 = vector.load %arg3[%get3A_121, %get3A_122] : memref<128x384xf32, #tpu.memory_space<vmem>>, vector<128x384xf32>
    %dot_general3A_124 = arith.constant dense<0.000000e+00> : vector<256x384xf32>
    %dot_general3A_125 = tpu.matmul %add3A_98, %get3A_123, %dot_general3A_124 {dimension_numbers = #tpu.dot_dimension_numbers<[1], [0], [0], [1], [0, 0, 1, 1], [], []>, transpose_lhs_hint = false} : vector<256x128xf32>, vector<128x384xf32>, vector<256x384xf32> -> vector<256x384xf32>
    %get3A_126 = arith.constant 0 : index
    %get3A_127 = arith.constant 0 : index
    %get3A_128 = vector.load %arg5[%get3A_126, %get3A_127] : memref<1x384xf32, #tpu.memory_space<vmem>>, vector<1x384xf32>
    %add3A_129 = vector.broadcast %get3A_128 : vector<1x384xf32> to vector<256x384xf32>
    %add3A_130 = arith.addf %dot_general3A_125, %add3A_129 : vector<256x384xf32>
    %slice3A_131 = vector.extract_strided_slice %add3A_120 {offsets = [0, 0], sizes = [256, 128], strides = [1, 1]} : vector<256x384xf32> to vector<256x128xf32>
    %slice3A_132 = vector.extract_strided_slice %add3A_130 {offsets = [0, 0], sizes = [256, 128], strides = [1, 1]} : vector<256x384xf32> to vector<256x128xf32>
    %add3A_133 = arith.addf %slice3A_131, %slice3A_132 : vector<256x128xf32>
    %logistic3A_134 = arith.negf %add3A_133 : vector<256x128xf32>
    %logistic3A_135 = math.exp %logistic3A_134 : vector<256x128xf32>
    %logistic3A_136 = arith.constant 1.000000e+00 : f32
    %logistic3A_137 = vector.broadcast %logistic3A_136 : f32 to vector<256x128xf32>
    %logistic3A_138 = arith.addf %logistic3A_137, %logistic3A_135 : vector<256x128xf32>
    %logistic3A_139 = arith.divf %logistic3A_137, %logistic3A_138 : vector<256x128xf32>
    %slice3A_140 = vector.extract_strided_slice %add3A_120 {offsets = [0, 128], sizes = [256, 128], strides = [1, 1]} : vector<256x384xf32> to vector<256x128xf32>
    %slice3A_141 = vector.extract_strided_slice %add3A_130 {offsets = [0, 128], sizes = [256, 128], strides = [1, 1]} : vector<256x384xf32> to vector<256x128xf32>
    %add3A_142 = arith.addf %slice3A_140, %slice3A_141 : vector<256x128xf32>
    %logistic3A_143 = arith.negf %add3A_142 : vector<256x128xf32>
    %logistic3A_144 = math.exp %logistic3A_143 : vector<256x128xf32>
    %logistic3A_145 = arith.constant 1.000000e+00 : f32
    %logistic3A_146 = vector.broadcast %logistic3A_145 : f32 to vector<256x128xf32>
    %logistic3A_147 = arith.addf %logistic3A_146, %logistic3A_144 : vector<256x128xf32>
    %logistic3A_148 = arith.divf %logistic3A_146, %logistic3A_147 : vector<256x128xf32>
    %slice3A_149 = vector.extract_strided_slice %add3A_120 {offsets = [0, 256], sizes = [256, 128], strides = [1, 1]} : vector<256x384xf32> to vector<256x128xf32>
    %slice3A_150 = vector.extract_strided_slice %add3A_130 {offsets = [0, 256], sizes = [256, 128], strides = [1, 1]} : vector<256x384xf32> to vector<256x128xf32>
    %mul3A_151 = arith.mulf %logistic3A_139, %slice3A_150 : vector<256x128xf32>
    %add3A_152 = arith.addf %slice3A_149, %mul3A_151 : vector<256x128xf32>
    %tanh3A_153 = math.tanh %add3A_152 : vector<256x128xf32>
    %sub3A_154 = arith.subf %add3A_98, %tanh3A_153 : vector<256x128xf32>
    %mul3A_155 = arith.mulf %logistic3A_148, %sub3A_154 : vector<256x128xf32>
    %add3A_156 = arith.addf %tanh3A_153, %mul3A_155 : vector<256x128xf32>
    %transpose3A_157 = tpu.transpose %add3A_156, [1, 0] : vector<256x128xf32> -> vector<128x256xf32>
    %slice3A_158 = vector.extract_strided_slice %transpose3A_157 {offsets = [0, 0], sizes = [64, 256], strides = [1, 1]} : vector<128x256xf32> to vector<64x256xf32>
    %slice3A_159 = vector.extract_strided_slice %transpose3A_157 {offsets = [64, 0], sizes = [64, 256], strides = [1, 1]} : vector<128x256xf32> to vector<64x256xf32>
    %concatenate3A_160 = tpu.concatenate %slice3A_158, %slice3A_159 in 1 : vector<64x256xf32>, vector<64x256xf32> -> vector<64x512xf32>
    %swap3A_161 = arith.constant 128 : index
    %swap3A_162 = arith.constant 0 : index
    %swap3A_163 = vector.load %arg6[%swap3A_161, %swap3A_162] : memref<1280x512xf32, #tpu.memory_space<vmem>>, vector<64x512xf32>
    tpu.vector_store %arg6[%swap3A_161, %swap3A_162], %concatenate3A_160 {strides = array<i32>} : memref<1280x512xf32, #tpu.memory_space<vmem>>, vector<64x512xf32>,
    %get3A_164 = arith.constant 3 : index
    %get3A_165 = arith.constant 0 : index
    %get3A_166 = arith.constant 0 : index
    %get3A_167 = vector.load %arg1[%get3A_164, %get3A_165, %get3A_166] : memref<20x256x128xf32, #tpu.memory_space<vmem>>, vector<1x256x128xf32>
    %get3A_168 = vector.shape_cast %get3A_167 : vector<1x256x128xf32> to vector<256x128xf32>
    %get3A_169 = arith.constant 0 : index
    %get3A_170 = arith.constant 0 : index
    %get3A_171 = vector.load %arg2[%get3A_169, %get3A_170] : memref<128x384xf32, #tpu.memory_space<vmem>>, vector<128x384xf32>
    %dot_general3A_172 = arith.constant dense<0.000000e+00> : vector<256x384xf32>
    %dot_general3A_173 = tpu.matmul %get3A_168, %get3A_171, %dot_general3A_172 {dimension_numbers = #tpu.dot_dimension_numbers<[1], [0], [0], [1], [0, 0, 1, 1], [], []>, transpose_lhs_hint = false} : vector<256x128xf32>, vector<128x384xf32>, vector<256x384xf32> -> vector<256x384xf32>
    %get3A_174 = arith.constant 0 : index
    %get3A_175 = arith.constant 0 : index
    %get3A_176 = vector.load %arg4[%get3A_174, %get3A_175] : memref<1x384xf32, #tpu.memory_space<vmem>>, vector<1x384xf32>
    %add3A_177 = vector.broadcast %get3A_176 : vector<1x384xf32> to vector<256x384xf32>
    %add3A_178 = arith.addf %dot_general3A_173, %add3A_177 : vector<256x384xf32>
    %get3A_179 = arith.constant 0 : index
    %get3A_180 = arith.constant 0 : index
    %get3A_181 = vector.load %arg3[%get3A_179, %get3A_180] : memref<128x384xf32, #tpu.memory_space<vmem>>, vector<128x384xf32>
    %dot_general3A_182 = arith.constant dense<0.000000e+00> : vector<256x384xf32>
    %dot_general3A_183 = tpu.matmul %add3A_156, %get3A_181, %dot_general3A_182 {dimension_numbers = #tpu.dot_dimension_numbers<[1], [0], [0], [1], [0, 0, 1, 1], [], []>, transpose_lhs_hint = false} : vector<256x128xf32>, vector<128x384xf32>, vector<256x384xf32> -> vector<256x384xf32>
    %get3A_184 = arith.constant 0 : index
    %get3A_185 = arith.constant 0 : index
    %get3A_186 = vector.load %arg5[%get3A_184, %get3A_185] : memref<1x384xf32, #tpu.memory_space<vmem>>, vector<1x384xf32>
    %add3A_187 = vector.broadcast %get3A_186 : vector<1x384xf32> to vector<256x384xf32>
    %add3A_188 = arith.addf %dot_general3A_183, %add3A_187 : vector<256x384xf32>
    %slice3A_189 = vector.extract_strided_slice %add3A_178 {offsets = [0, 0], sizes = [256, 128], strides = [1, 1]} : vector<256x384xf32> to vector<256x128xf32>
    %slice3A_190 = vector.extract_strided_slice %add3A_188 {offsets = [0, 0], sizes = [256, 128], strides = [1, 1]} : vector<256x384xf32> to vector<256x128xf32>
    %add3A_191 = arith.addf %slice3A_189, %slice3A_190 : vector<256x128xf32>
    %logistic3A_192 = arith.negf %add3A_191 : vector<256x128xf32>
    %logistic3A_193 = math.exp %logistic3A_192 : vector<256x128xf32>
    %logistic3A_194 = arith.constant 1.000000e+00 : f32
    %logistic3A_195 = vector.broadcast %logistic3A_194 : f32 to vector<256x128xf32>
    %logistic3A_196 = arith.addf %logistic3A_195, %logistic3A_193 : vector<256x128xf32>
    %logistic3A_197 = arith.divf %logistic3A_195, %logistic3A_196 : vector<256x128xf32>
    %slice3A_198 = vector.extract_strided_slice %add3A_178 {offsets = [0, 128], sizes = [256, 128], strides = [1, 1]} : vector<256x384xf32> to vector<256x128xf32>
    %slice3A_199 = vector.extract_strided_slice %add3A_188 {offsets = [0, 128], sizes = [256, 128], strides = [1, 1]} : vector<256x384xf32> to vector<256x128xf32>
    %add3A_200 = arith.addf %slice3A_198, %slice3A_199 : vector<256x128xf32>
    %logistic3A_201 = arith.negf %add3A_200 : vector<256x128xf32>
    %logistic3A_202 = math.exp %logistic3A_201 : vector<256x128xf32>
    %logistic3A_203 = arith.constant 1.000000e+00 : f32
    %logistic3A_204 = vector.broadcast %logistic3A_203 : f32 to vector<256x128xf32>
    %logistic3A_205 = arith.addf %logistic3A_204, %logistic3A_202 : vector<256x128xf32>
    %logistic3A_206 = arith.divf %logistic3A_204, %logistic3A_205 : vector<256x128xf32>
    %slice3A_207 = vector.extract_strided_slice %add3A_178 {offsets = [0, 256], sizes = [256, 128], strides = [1, 1]} : vector<256x384xf32> to vector<256x128xf32>
    %slice3A_208 = vector.extract_strided_slice %add3A_188 {offsets = [0, 256], sizes = [256, 128], strides = [1, 1]} : vector<256x384xf32> to vector<256x128xf32>
    %mul3A_209 = arith.mulf %logistic3A_197, %slice3A_208 : vector<256x128xf32>
    %add3A_210 = arith.addf %slice3A_207, %mul3A_209 : vector<256x128xf32>
    %tanh3A_211 = math.tanh %add3A_210 : vector<256x128xf32>
    %sub3A_212 = arith.subf %add3A_156, %tanh3A_211 : vector<256x128xf32>
    %mul3A_213 = arith.mulf %logistic3A_206, %sub3A_212 : vector<256x128xf32>
    %add3A_214 = arith.addf %tanh3A_211, %mul3A_213 : vector<256x128xf32>
    %transpose3A_215 = tpu.transpose %add3A_214, [1, 0] : vector<256x128xf32> -> vector<128x256xf32>
    %slice3A_216 = vector.extract_strided_slice %transpose3A_215 {offsets = [0, 0], sizes = [64, 256], strides = [1, 1]} : vector<128x256xf32> to vector<64x256xf32>
    %slice3A_217 = vector.extract_strided_slice %transpose3A_215 {offsets = [64, 0], sizes = [64, 256], strides = [1, 1]} : vector<128x256xf32> to vector<64x256xf32>
    %concatenate3A_218 = tpu.concatenate %slice3A_216, %slice3A_217 in 1 : vector<64x256xf32>, vector<64x256xf32> -> vector<64x512xf32>
    %swap3A_219 = arith.constant 192 : index
    %swap3A_220 = arith.constant 0 : index
    %swap3A_221 = vector.load %arg6[%swap3A_219, %swap3A_220] : memref<1280x512xf32, #tpu.memory_space<vmem>>, vector<64x512xf32>
    tpu.vector_store %arg6[%swap3A_219, %swap3A_220], %concatenate3A_218 {strides = array<i32>} : memref<1280x512xf32, #tpu.memory_space<vmem>>, vector<64x512xf32>,
    %get3A_222 = arith.constant 4 : index
    %get3A_223 = arith.constant 0 : index
    %get3A_224 = arith.constant 0 : index
    %get3A_225 = vector.load %arg1[%get3A_222, %get3A_223, %get3A_224] : memref<20x256x128xf32, #tpu.memory_space<vmem>>, vector<1x256x128xf32>
    %get3A_226 = vector.shape_cast %get3A_225 : vector<1x256x128xf32> to vector<256x128xf32>
    %get3A_227 = arith.constant 0 : index
    %get3A_228 = arith.constant 0 : index
    %get3A_229 = vector.load %arg2[%get3A_227, %get3A_228] : memref<128x384xf32, #tpu.memory_space<vmem>>, vector<128x384xf32>
    %dot_general3A_230 = arith.constant dense<0.000000e+00> : vector<256x384xf32>
    %dot_general3A_231 = tpu.matmul %get3A_226, %get3A_229, %dot_general3A_230 {dimension_numbers = #tpu.dot_dimension_numbers<[1], [0], [0], [1], [0, 0, 1, 1], [], []>, transpose_lhs_hint = false} : vector<256x128xf32>, vector<128x384xf32>, vector<256x384xf32> -> vector<256x384xf32>
    %get3A_232 = arith.constant 0 : index
    %get3A_233 = arith.constant 0 : index
    %get3A_234 = vector.load %arg4[%get3A_232, %get3A_233] : memref<1x384xf32, #tpu.memory_space<vmem>>, vector<1x384xf32>
    %add3A_235 = vector.broadcast %get3A_234 : vector<1x384xf32> to vector<256x384xf32>
    %add3A_236 = arith.addf %dot_general3A_231, %add3A_235 : vector<256x384xf32>
    %get3A_237 = arith.constant 0 : index
    %get3A_238 = arith.constant 0 : index
    %get3A_239 = vector.load %arg3[%get3A_237, %get3A_238] : memref<128x384xf32, #tpu.memory_space<vmem>>, vector<128x384xf32>
    %dot_general3A_240 = arith.constant dense<0.000000e+00> : vector<256x384xf32>
    %dot_general3A_241 = tpu.matmul %add3A_214, %get3A_239, %dot_general3A_240 {dimension_numbers = #tpu.dot_dimension_numbers<[1], [0], [0], [1], [0, 0, 1, 1], [], []>, transpose_lhs_hint = false} : vector<256x128xf32>, vector<128x384xf32>, vector<256x384xf32> -> vector<256x384xf32>
    %get3A_242 = arith.constant 0 : index
    %get3A_243 = arith.constant 0 : index
    %get3A_244 = vector.load %arg5[%get3A_242, %get3A_243] : memref<1x384xf32, #tpu.memory_space<vmem>>, vector<1x384xf32>
    %add3A_245 = vector.broadcast %get3A_244 : vector<1x384xf32> to vector<256x384xf32>
    %add3A_246 = arith.addf %dot_general3A_241, %add3A_245 : vector<256x384xf32>
    %slice3A_247 = vector.extract_strided_slice %add3A_236 {offsets = [0, 0], sizes = [256, 128], strides = [1, 1]} : vector<256x384xf32> to vector<256x128xf32>
    %slice3A_248 = vector.extract_strided_slice %add3A_246 {offsets = [0, 0], sizes = [256, 128], strides = [1, 1]} : vector<256x384xf32> to vector<256x128xf32>
    %add3A_249 = arith.addf %slice3A_247, %slice3A_248 : vector<256x128xf32>
    %logistic3A_250 = arith.negf %add3A_249 : vector<256x128xf32>
    %logistic3A_251 = math.exp %logistic3A_250 : vector<256x128xf32>
    %logistic3A_252 = arith.constant 1.000000e+00 : f32
    %logistic3A_253 = vector.broadcast %logistic3A_252 : f32 to vector<256x128xf32>
    %logistic3A_254 = arith.addf %logistic3A_253, %logistic3A_251 : vector<256x128xf32>
    %logistic3A_255 = arith.divf %logistic3A_253, %logistic3A_254 : vector<256x128xf32>
    %slice3A_256 = vector.extract_strided_slice %add3A_236 {offsets = [0, 128], sizes = [256, 128], strides = [1, 1]} : vector<256x384xf32> to vector<256x128xf32>
    %slice3A_257 = vector.extract_strided_slice %add3A_246 {offsets = [0, 128], sizes = [256, 128], strides = [1, 1]} : vector<256x384xf32> to vector<256x128xf32>
    %add3A_258 = arith.addf %slice3A_256, %slice3A_257 : vector<256x128xf32>
    %logistic3A_259 = arith.negf %add3A_258 : vector<256x128xf32>
    %logistic3A_260 = math.exp %logistic3A_259 : vector<256x128xf32>
    %logistic3A_261 = arith.constant 1.000000e+00 : f32
    %logistic3A_262 = vector.broadcast %logistic3A_261 : f32 to vector<256x128xf32>
    %logistic3A_263 = arith.addf %logistic3A_262, %logistic3A_260 : vector<256x128xf32>
    %logistic3A_264 = arith.divf %logistic3A_262, %logistic3A_263 : vector<256x128xf32>
    %slice3A_265 = vector.extract_strided_slice %add3A_236 {offsets = [0, 256], sizes = [256, 128], strides = [1, 1]} : vector<256x384xf32> to vector<256x128xf32>
    %slice3A_266 = vector.extract_strided_slice %add3A_246 {offsets = [0, 256], sizes = [256, 128], strides = [1, 1]} : vector<256x384xf32> to vector<256x128xf32>
    %mul3A_267 = arith.mulf %logistic3A_255, %slice3A_266 : vector<256x128xf32>
    %add3A_268 = arith.addf %slice3A_265, %mul3A_267 : vector<256x128xf32>
    %tanh3A_269 = math.tanh %add3A_268 : vector<256x128xf32>
    %sub3A_270 = arith.subf %add3A_214, %tanh3A_269 : vector<256x128xf32>
    %mul3A_271 = arith.mulf %logistic3A_264, %sub3A_270 : vector<256x128xf32>
    %add3A_272 = arith.addf %tanh3A_269, %mul3A_271 : vector<256x128xf32>
    %transpose3A_273 = tpu.transpose %add3A_272, [1, 0] : vector<256x128xf32> -> vector<128x256xf32>
    %slice3A_274 = vector.extract_strided_slice %transpose3A_273 {offsets = [0, 0], sizes = [64, 256], strides = [1, 1]} : vector<128x256xf32> to vector<64x256xf32>
    %slice3A_275 = vector.extract_strided_slice %transpose3A_273 {offsets = [64, 0], sizes = [64, 256], strides = [1, 1]} : vector<128x256xf32> to vector<64x256xf32>
    %concatenate3A_276 = tpu.concatenate %slice3A_274, %slice3A_275 in 1 : vector<64x256xf32>, vector<64x256xf32> -> vector<64x512xf32>
    %swap3A_277 = arith.constant 256 : index
    %swap3A_278 = arith.constant 0 : index
    %swap3A_279 = vector.load %arg6[%swap3A_277, %swap3A_278] : memref<1280x512xf32, #tpu.memory_space<vmem>>, vector<64x512xf32>
    tpu.vector_store %arg6[%swap3A_277, %swap3A_278], %concatenate3A_276 {strides = array<i32>} : memref<1280x512xf32, #tpu.memory_space<vmem>>, vector<64x512xf32>,
    %get3A_280 = arith.constant 5 : index
    %get3A_281 = arith.constant 0 : index
    %get3A_282 = arith.constant 0 : index
    %get3A_283 = vector.load %arg1[%get3A_280, %get3A_281, %get3A_282] : memref<20x256x128xf32, #tpu.memory_space<vmem>>, vector<1x256x128xf32>
    %get3A_284 = vector.shape_cast %get3A_283 : vector<1x256x128xf32> to vector<256x128xf32>
    %get3A_285 = arith.constant 0 : index
    %get3A_286 = arith.constant 0 : index
    %get3A_287 = vector.load %arg2[%get3A_285, %get3A_286] : memref<128x384xf32, #tpu.memory_space<vmem>>, vector<128x384xf32>
    %dot_general3A_288 = arith.constant dense<0.000000e+00> : vector<256x384xf32>
    %dot_general3A_289 = tpu.matmul %get3A_284, %get3A_287, %dot_general3A_288 {dimension_numbers = #tpu.dot_dimension_numbers<[1], [0], [0], [1], [0, 0, 1, 1], [], []>, transpose_lhs_hint = false} : vector<256x128xf32>, vector<128x384xf32>, vector<256x384xf32> -> vector<256x384xf32>
    %get3A_290 = arith.constant 0 : index
    %get3A_291 = arith.constant 0 : index
    %get3A_292 = vector.load %arg4[%get3A_290, %get3A_291] : memref<1x384xf32, #tpu.memory_space<vmem>>, vector<1x384xf32>
    %add3A_293 = vector.broadcast %get3A_292 : vector<1x384xf32> to vector<256x384xf32>
    %add3A_294 = arith.addf %dot_general3A_289, %add3A_293 : vector<256x384xf32>
    %get3A_295 = arith.constant 0 : index
    %get3A_296 = arith.constant 0 : index
    %get3A_297 = vector.load %arg3[%get3A_295, %get3A_296] : memref<128x384xf32, #tpu.memory_space<vmem>>, vector<128x384xf32>
    %dot_general3A_298 = arith.constant dense<0.000000e+00> : vector<256x384xf32>
    %dot_general3A_299 = tpu.matmul %add3A_272, %get3A_297, %dot_general3A_298 {dimension_numbers = #tpu.dot_dimension_numbers<[1], [0], [0], [1], [0, 0, 1, 1], [], []>, transpose_lhs_hint = false} : vector<256x128xf32>, vector<128x384xf32>, vector<256x384xf32> -> vector<256x384xf32>
    %get3A_300 = arith.constant 0 : index
    %get3A_301 = arith.constant 0 : index
    %get3A_302 = vector.load %arg5[%get3A_300, %get3A_301] : memref<1x384xf32, #tpu.memory_space<vmem>>, vector<1x384xf32>
    %add3A_303 = vector.broadcast %get3A_302 : vector<1x384xf32> to vector<256x384xf32>
    %add3A_304 = arith.addf %dot_general3A_299, %add3A_303 : vector<256x384xf32>
    %slice3A_305 = vector.extract_strided_slice %add3A_294 {offsets = [0, 0], sizes = [256, 128], strides = [1, 1]} : vector<256x384xf32> to vector<256x128xf32>
    %slice3A_306 = vector.extract_strided_slice %add3A_304 {offsets = [0, 0], sizes = [256, 128], strides = [1, 1]} : vector<256x384xf32> to vector<256x128xf32>
    %add3A_307 = arith.addf %slice3A_305, %slice3A_306 : vector<256x128xf32>
    %logistic3A_308 = arith.negf %add3A_307 : vector<256x128xf32>
    %logistic3A_309 = math.exp %logistic3A_308 : vector<256x128xf32>
    %logistic3A_310 = arith.constant 1.000000e+00 : f32
    %logistic3A_311 = vector.broadcast %logistic3A_310 : f32 to vector<256x128xf32>
    %logistic3A_312 = arith.addf %logistic3A_311, %logistic3A_309 : vector<256x128xf32>
    %logistic3A_313 = arith.divf %logistic3A_311, %logistic3A_312 : vector<256x128xf32>
    %slice3A_314 = vector.extract_strided_slice %add3A_294 {offsets = [0, 128], sizes = [256, 128], strides = [1, 1]} : vector<256x384xf32> to vector<256x128xf32>
    %slice3A_315 = vector.extract_strided_slice %add3A_304 {offsets = [0, 128], sizes = [256, 128], strides = [1, 1]} : vector<256x384xf32> to vector<256x128xf32>
    %add3A_316 = arith.addf %slice3A_314, %slice3A_315 : vector<256x128xf32>
    %logistic3A_317 = arith.negf %add3A_316 : vector<256x128xf32>
    %logistic3A_318 = math.exp %logistic3A_317 : vector<256x128xf32>
    %logistic3A_319 = arith.constant 1.000000e+00 : f32
    %logistic3A_320 = vector.broadcast %logistic3A_319 : f32 to vector<256x128xf32>
    %logistic3A_321 = arith.addf %logistic3A_320, %logistic3A_318 : vector<256x128xf32>
    %logistic3A_322 = arith.divf %logistic3A_320, %logistic3A_321 : vector<256x128xf32>
    %slice3A_323 = vector.extract_strided_slice %add3A_294 {offsets = [0, 256], sizes = [256, 128], strides = [1, 1]} : vector<256x384xf32> to vector<256x128xf32>
    %slice3A_324 = vector.extract_strided_slice %add3A_304 {offsets = [0, 256], sizes = [256, 128], strides = [1, 1]} : vector<256x384xf32> to vector<256x128xf32>
    %mul3A_325 = arith.mulf %logistic3A_313, %slice3A_324 : vector<256x128xf32>
    %add3A_326 = arith.addf %slice3A_323, %mul3A_325 : vector<256x128xf32>
    %tanh3A_327 = math.tanh %add3A_326 : vector<256x128xf32>
    %sub3A_328 = arith.subf %add3A_272, %tanh3A_327 : vector<256x128xf32>
    %mul3A_329 = arith.mulf %logistic3A_322, %sub3A_328 : vector<256x128xf32>
    %add3A_330 = arith.addf %tanh3A_327, %mul3A_329 : vector<256x128xf32>
    %transpose3A_331 = tpu.transpose %add3A_330, [1, 0] : vector<256x128xf32> -> vector<128x256xf32>
    %slice3A_332 = vector.extract_strided_slice %transpose3A_331 {offsets = [0, 0], sizes = [64, 256], strides = [1, 1]} : vector<128x256xf32> to vector<64x256xf32>
    %slice3A_333 = vector.extract_strided_slice %transpose3A_331 {offsets = [64, 0], sizes = [64, 256], strides = [1, 1]} : vector<128x256xf32> to vector<64x256xf32>
    %concatenate3A_334 = tpu.concatenate %slice3A_332, %slice3A_333 in 1 : vector<64x256xf32>, vector<64x256xf32> -> vector<64x512xf32>
    %swap3A_335 = arith.constant 320 : index
    %swap3A_336 = arith.constant 0 : index
    %swap3A_337 = vector.load %arg6[%swap3A_335, %swap3A_336] : memref<1280x512xf32, #tpu.memory_space<vmem>>, vector<64x512xf32>
    tpu.vector_store %arg6[%swap3A_335, %swap3A_336], %concatenate3A_334 {strides = array<i32>} : memref<1280x512xf32, #tpu.memory_space<vmem>>, vector<64x512xf32>,
    %get3A_338 = arith.constant 6 : index
    %get3A_339 = arith.constant 0 : index
    %get3A_340 = arith.constant 0 : index
    %get3A_341 = vector.load %arg1[%get3A_338, %get3A_339, %get3A_340] : memref<20x256x128xf32, #tpu.memory_space<vmem>>, vector<1x256x128xf32>
    %get3A_342 = vector.shape_cast %get3A_341 : vector<1x256x128xf32> to vector<256x128xf32>
    %get3A_343 = arith.constant 0 : index
    %get3A_344 = arith.constant 0 : index
    %get3A_345 = vector.load %arg2[%get3A_343, %get3A_344] : memref<128x384xf32, #tpu.memory_space<vmem>>, vector<128x384xf32>
    %dot_general3A_346 = arith.constant dense<0.000000e+00> : vector<256x384xf32>
    %dot_general3A_347 = tpu.matmul %get3A_342, %get3A_345, %dot_general3A_346 {dimension_numbers = #tpu.dot_dimension_numbers<[1], [0], [0], [1], [0, 0, 1, 1], [], []>, transpose_lhs_hint = false} : vector<256x128xf32>, vector<128x384xf32>, vector<256x384xf32> -> vector<256x384xf32>
    %get3A_348 = arith.constant 0 : index
    %get3A_349 = arith.constant 0 : index
    %get3A_350 = vector.load %arg4[%get3A_348, %get3A_349] : memref<1x384xf32, #tpu.memory_space<vmem>>, vector<1x384xf32>
    %add3A_351 = vector.broadcast %get3A_350 : vector<1x384xf32> to vector<256x384xf32>
    %add3A_352 = arith.addf %dot_general3A_347, %add3A_351 : vector<256x384xf32>
    %get3A_353 = arith.constant 0 : index
    %get3A_354 = arith.constant 0 : index
    %get3A_355 = vector.load %arg3[%get3A_353, %get3A_354] : memref<128x384xf32, #tpu.memory_space<vmem>>, vector<128x384xf32>
    %dot_general3A_356 = arith.constant dense<0.000000e+00> : vector<256x384xf32>
    %dot_general3A_357 = tpu.matmul %add3A_330, %get3A_355, %dot_general3A_356 {dimension_numbers = #tpu.dot_dimension_numbers<[1], [0], [0], [1], [0, 0, 1, 1], [], []>, transpose_lhs_hint = false} : vector<256x128xf32>, vector<128x384xf32>, vector<256x384xf32> -> vector<256x384xf32>
    %get3A_358 = arith.constant 0 : index
    %get3A_359 = arith.constant 0 : index
    %get3A_360 = vector.load %arg5[%get3A_358, %get3A_359] : memref<1x384xf32, #tpu.memory_space<vmem>>, vector<1x384xf32>
    %add3A_361 = vector.broadcast %get3A_360 : vector<1x384xf32> to vector<256x384xf32>
    %add3A_362 = arith.addf %dot_general3A_357, %add3A_361 : vector<256x384xf32>
    %slice3A_363 = vector.extract_strided_slice %add3A_352 {offsets = [0, 0], sizes = [256, 128], strides = [1, 1]} : vector<256x384xf32> to vector<256x128xf32>
    %slice3A_364 = vector.extract_strided_slice %add3A_362 {offsets = [0, 0], sizes = [256, 128], strides = [1, 1]} : vector<256x384xf32> to vector<256x128xf32>
    %add3A_365 = arith.addf %slice3A_363, %slice3A_364 : vector<256x128xf32>
    %logistic3A_366 = arith.negf %add3A_365 : vector<256x128xf32>
    %logistic3A_367 = math.exp %logistic3A_366 : vector<256x128xf32>
    %logistic3A_368 = arith.constant 1.000000e+00 : f32
    %logistic3A_369 = vector.broadcast %logistic3A_368 : f32 to vector<256x128xf32>
    %logistic3A_370 = arith.addf %logistic3A_369, %logistic3A_367 : vector<256x128xf32>
    %logistic3A_371 = arith.divf %logistic3A_369, %logistic3A_370 : vector<256x128xf32>
    %slice3A_372 = vector.extract_strided_slice %add3A_352 {offsets = [0, 128], sizes = [256, 128], strides = [1, 1]} : vector<256x384xf32> to vector<256x128xf32>
    %slice3A_373 = vector.extract_strided_slice %add3A_362 {offsets = [0, 128], sizes = [256, 128], strides = [1, 1]} : vector<256x384xf32> to vector<256x128xf32>
    %add3A_374 = arith.addf %slice3A_372, %slice3A_373 : vector<256x128xf32>
    %logistic3A_375 = arith.negf %add3A_374 : vector<256x128xf32>
    %logistic3A_376 = math.exp %logistic3A_375 : vector<256x128xf32>
    %logistic3A_377 = arith.constant 1.000000e+00 : f32
    %logistic3A_378 = vector.broadcast %logistic3A_377 : f32 to vector<256x128xf32>
    %logistic3A_379 = arith.addf %logistic3A_378, %logistic3A_376 : vector<256x128xf32>
    %logistic3A_380 = arith.divf %logistic3A_378, %logistic3A_379 : vector<256x128xf32>
    %slice3A_381 = vector.extract_strided_slice %add3A_352 {offsets = [0, 256], sizes = [256, 128], strides = [1, 1]} : vector<256x384xf32> to vector<256x128xf32>
    %slice3A_382 = vector.extract_strided_slice %add3A_362 {offsets = [0, 256], sizes = [256, 128], strides = [1, 1]} : vector<256x384xf32> to vector<256x128xf32>
    %mul3A_383 = arith.mulf %logistic3A_371, %slice3A_382 : vector<256x128xf32>
    %add3A_384 = arith.addf %slice3A_381, %mul3A_383 : vector<256x128xf32>
    %tanh3A_385 = math.tanh %add3A_384 : vector<256x128xf32>
    %sub3A_386 = arith.subf %add3A_330, %tanh3A_385 : vector<256x128xf32>
    %mul3A_387 = arith.mulf %logistic3A_380, %sub3A_386 : vector<256x128xf32>
    %add3A_388 = arith.addf %tanh3A_385, %mul3A_387 : vector<256x128xf32>
    %transpose3A_389 = tpu.transpose %add3A_388, [1, 0] : vector<256x128xf32> -> vector<128x256xf32>
    %slice3A_390 = vector.extract_strided_slice %transpose3A_389 {offsets = [0, 0], sizes = [64, 256], strides = [1, 1]} : vector<128x256xf32> to vector<64x256xf32>
    %slice3A_391 = vector.extract_strided_slice %transpose3A_389 {offsets = [64, 0], sizes = [64, 256], strides = [1, 1]} : vector<128x256xf32> to vector<64x256xf32>
    %concatenate3A_392 = tpu.concatenate %slice3A_390, %slice3A_391 in 1 : vector<64x256xf32>, vector<64x256xf32> -> vector<64x512xf32>
    %swap3A_393 = arith.constant 384 : index
    %swap3A_394 = arith.constant 0 : index
    %swap3A_395 = vector.load %arg6[%swap3A_393, %swap3A_394] : memref<1280x512xf32, #tpu.memory_space<vmem>>, vector<64x512xf32>
    tpu.vector_store %arg6[%swap3A_393, %swap3A_394], %concatenate3A_392 {strides = array<i32>} : memref<1280x512xf32, #tpu.memory_space<vmem>>, vector<64x512xf32>,
    %get3A_396 = arith.constant 7 : index
    %get3A_397 = arith.constant 0 : index
    %get3A_398 = arith.constant 0 : index
    %get3A_399 = vector.load %arg1[%get3A_396, %get3A_397, %get3A_398] : memref<20x256x128xf32, #tpu.memory_space<vmem>>, vector<1x256x128xf32>
    %get3A_400 = vector.shape_cast %get3A_399 : vector<1x256x128xf32> to vector<256x128xf32>
    %get3A_401 = arith.constant 0 : index
    %get3A_402 = arith.constant 0 : index
    %get3A_403 = vector.load %arg2[%get3A_401, %get3A_402] : memref<128x384xf32, #tpu.memory_space<vmem>>, vector<128x384xf32>
    %dot_general3A_404 = arith.constant dense<0.000000e+00> : vector<256x384xf32>
    %dot_general3A_405 = tpu.matmul %get3A_400, %get3A_403, %dot_general3A_404 {dimension_numbers = #tpu.dot_dimension_numbers<[1], [0], [0], [1], [0, 0, 1, 1], [], []>, transpose_lhs_hint = false} : vector<256x128xf32>, vector<128x384xf32>, vector<256x384xf32> -> vector<256x384xf32>
    %get3A_406 = arith.constant 0 : index
    %get3A_407 = arith.constant 0 : index
    %get3A_408 = vector.load %arg4[%get3A_406, %get3A_407] : memref<1x384xf32, #tpu.memory_space<vmem>>, vector<1x384xf32>
    %add3A_409 = vector.broadcast %get3A_408 : vector<1x384xf32> to vector<256x384xf32>
    %add3A_410 = arith.addf %dot_general3A_405, %add3A_409 : vector<256x384xf32>
    %get3A_411 = arith.constant 0 : index
    %get3A_412 = arith.constant 0 : index
    %get3A_413 = vector.load %arg3[%get3A_411, %get3A_412] : memref<128x384xf32, #tpu.memory_space<vmem>>, vector<128x384xf32>
    %dot_general3A_414 = arith.constant dense<0.000000e+00> : vector<256x384xf32>
    %dot_general3A_415 = tpu.matmul %add3A_388, %get3A_413, %dot_general3A_414 {dimension_numbers = #tpu.dot_dimension_numbers<[1], [0], [0], [1], [0, 0, 1, 1], [], []>, transpose_lhs_hint = false} : vector<256x128xf32>, vector<128x384xf32>, vector<256x384xf32> -> vector<256x384xf32>
    %get3A_416 = arith.constant 0 : index
    %get3A_417 = arith.constant 0 : index
    %get3A_418 = vector.load %arg5[%get3A_416, %get3A_417] : memref<1x384xf32, #tpu.memory_space<vmem>>, vector<1x384xf32>
    %add3A_419 = vector.broadcast %get3A_418 : vector<1x384xf32> to vector<256x384xf32>
    %add3A_420 = arith.addf %dot_general3A_415, %add3A_419 : vector<256x384xf32>
    %slice3A_421 = vector.extract_strided_slice %add3A_410 {offsets = [0, 0], sizes = [256, 128], strides = [1, 1]} : vector<256x384xf32> to vector<256x128xf32>
    %slice3A_422 = vector.extract_strided_slice %add3A_420 {offsets = [0, 0], sizes = [256, 128], strides = [1, 1]} : vector<256x384xf32> to vector<256x128xf32>
    %add3A_423 = arith.addf %slice3A_421, %slice3A_422 : vector<256x128xf32>
    %logistic3A_424 = arith.negf %add3A_423 : vector<256x128xf32>
    %logistic3A_425 = math.exp %logistic3A_424 : vector<256x128xf32>
    %logistic3A_426 = arith.constant 1.000000e+00 : f32
    %logistic3A_427 = vector.broadcast %logistic3A_426 : f32 to vector<256x128xf32>
    %logistic3A_428 = arith.addf %logistic3A_427, %logistic3A_425 : vector<256x128xf32>
    %logistic3A_429 = arith.divf %logistic3A_427, %logistic3A_428 : vector<256x128xf32>
    %slice3A_430 = vector.extract_strided_slice %add3A_410 {offsets = [0, 128], sizes = [256, 128], strides = [1, 1]} : vector<256x384xf32> to vector<256x128xf32>
    %slice3A_431 = vector.extract_strided_slice %add3A_420 {offsets = [0, 128], sizes = [256, 128], strides = [1, 1]} : vector<256x384xf32> to vector<256x128xf32>
    %add3A_432 = arith.addf %slice3A_430, %slice3A_431 : vector<256x128xf32>
    %logistic3A_433 = arith.negf %add3A_432 : vector<256x128xf32>
    %logistic3A_434 = math.exp %logistic3A_433 : vector<256x128xf32>
    %logistic3A_435 = arith.constant 1.000000e+00 : f32
    %logistic3A_436 = vector.broadcast %logistic3A_435 : f32 to vector<256x128xf32>
    %logistic3A_437 = arith.addf %logistic3A_436, %logistic3A_434 : vector<256x128xf32>
    %logistic3A_438 = arith.divf %logistic3A_436, %logistic3A_437 : vector<256x128xf32>
    %slice3A_439 = vector.extract_strided_slice %add3A_410 {offsets = [0, 256], sizes = [256, 128], strides = [1, 1]} : vector<256x384xf32> to vector<256x128xf32>
    %slice3A_440 = vector.extract_strided_slice %add3A_420 {offsets = [0, 256], sizes = [256, 128], strides = [1, 1]} : vector<256x384xf32> to vector<256x128xf32>
    %mul3A_441 = arith.mulf %logistic3A_429, %slice3A_440 : vector<256x128xf32>
    %add3A_442 = arith.addf %slice3A_439, %mul3A_441 : vector<256x128xf32>
    %tanh3A_443 = math.tanh %add3A_442 : vector<256x128xf32>
    %sub3A_444 = arith.subf %add3A_388, %tanh3A_443 : vector<256x128xf32>
    %mul3A_445 = arith.mulf %logistic3A_438, %sub3A_444 : vector<256x128xf32>
    %add3A_446 = arith.addf %tanh3A_443, %mul3A_445 : vector<256x128xf32>
    %transpose3A_447 = tpu.transpose %add3A_446, [1, 0] : vector<256x128xf32> -> vector<128x256xf32>
    %slice3A_448 = vector.extract_strided_slice %transpose3A_447 {offsets = [0, 0], sizes = [64, 256], strides = [1, 1]} : vector<128x256xf32> to vector<64x256xf32>
    %slice3A_449 = vector.extract_strided_slice %transpose3A_447 {offsets = [64, 0], sizes = [64, 256], strides = [1, 1]} : vector<128x256xf32> to vector<64x256xf32>
    %concatenate3A_450 = tpu.concatenate %slice3A_448, %slice3A_449 in 1 : vector<64x256xf32>, vector<64x256xf32> -> vector<64x512xf32>
    %swap3A_451 = arith.constant 448 : index
    %swap3A_452 = arith.constant 0 : index
    %swap3A_453 = vector.load %arg6[%swap3A_451, %swap3A_452] : memref<1280x512xf32, #tpu.memory_space<vmem>>, vector<64x512xf32>
    tpu.vector_store %arg6[%swap3A_451, %swap3A_452], %concatenate3A_450 {strides = array<i32>} : memref<1280x512xf32, #tpu.memory_space<vmem>>, vector<64x512xf32>,
    %get3A_454 = arith.constant 8 : index
    %get3A_455 = arith.constant 0 : index
    %get3A_456 = arith.constant 0 : index
    %get3A_457 = vector.load %arg1[%get3A_454, %get3A_455, %get3A_456] : memref<20x256x128xf32, #tpu.memory_space<vmem>>, vector<1x256x128xf32>
    %get3A_458 = vector.shape_cast %get3A_457 : vector<1x256x128xf32> to vector<256x128xf32>
    %get3A_459 = arith.constant 0 : index
    %get3A_460 = arith.constant 0 : index
    %get3A_461 = vector.load %arg2[%get3A_459, %get3A_460] : memref<128x384xf32, #tpu.memory_space<vmem>>, vector<128x384xf32>
    %dot_general3A_462 = arith.constant dense<0.000000e+00> : vector<256x384xf32>
    %dot_general3A_463 = tpu.matmul %get3A_458, %get3A_461, %dot_general3A_462 {dimension_numbers = #tpu.dot_dimension_numbers<[1], [0], [0], [1], [0, 0, 1, 1], [], []>, transpose_lhs_hint = false} : vector<256x128xf32>, vector<128x384xf32>, vector<256x384xf32> -> vector<256x384xf32>
    %get3A_464 = arith.constant 0 : index
    %get3A_465 = arith.constant 0 : index
    %get3A_466 = vector.load %arg4[%get3A_464, %get3A_465] : memref<1x384xf32, #tpu.memory_space<vmem>>, vector<1x384xf32>
    %add3A_467 = vector.broadcast %get3A_466 : vector<1x384xf32> to vector<256x384xf32>
    %add3A_468 = arith.addf %dot_general3A_463, %add3A_467 : vector<256x384xf32>
    %get3A_469 = arith.constant 0 : index
    %get3A_470 = arith.constant 0 : index
    %get3A_471 = vector.load %arg3[%get3A_469, %get3A_470] : memref<128x384xf32, #tpu.memory_space<vmem>>, vector<128x384xf32>
    %dot_general3A_472 = arith.constant dense<0.000000e+00> : vector<256x384xf32>
    %dot_general3A_473 = tpu.matmul %add3A_446, %get3A_471, %dot_general3A_472 {dimension_numbers = #tpu.dot_dimension_numbers<[1], [0], [0], [1], [0, 0, 1, 1], [], []>, transpose_lhs_hint = false} : vector<256x128xf32>, vector<128x384xf32>, vector<256x384xf32> -> vector<256x384xf32>
    %get3A_474 = arith.constant 0 : index
    %get3A_475 = arith.constant 0 : index
    %get3A_476 = vector.load %arg5[%get3A_474, %get3A_475] : memref<1x384xf32, #tpu.memory_space<vmem>>, vector<1x384xf32>
    %add3A_477 = vector.broadcast %get3A_476 : vector<1x384xf32> to vector<256x384xf32>
    %add3A_478 = arith.addf %dot_general3A_473, %add3A_477 : vector<256x384xf32>
    %slice3A_479 = vector.extract_strided_slice %add3A_468 {offsets = [0, 0], sizes = [256, 128], strides = [1, 1]} : vector<256x384xf32> to vector<256x128xf32>
    %slice3A_480 = vector.extract_strided_slice %add3A_478 {offsets = [0, 0], sizes = [256, 128], strides = [1, 1]} : vector<256x384xf32> to vector<256x128xf32>
    %add3A_481 = arith.addf %slice3A_479, %slice3A_480 : vector<256x128xf32>
    %logistic3A_482 = arith.negf %add3A_481 : vector<256x128xf32>
    %logistic3A_483 = math.exp %logistic3A_482 : vector<256x128xf32>
    %logistic3A_484 = arith.constant 1.000000e+00 : f32
    %logistic3A_485 = vector.broadcast %logistic3A_484 : f32 to vector<256x128xf32>
    %logistic3A_486 = arith.addf %logistic3A_485, %logistic3A_483 : vector<256x128xf32>
    %logistic3A_487 = arith.divf %logistic3A_485, %logistic3A_486 : vector<256x128xf32>
    %slice3A_488 = vector.extract_strided_slice %add3A_468 {offsets = [0, 128], sizes = [256, 128], strides = [1, 1]} : vector<256x384xf32> to vector<256x128xf32>
    %slice3A_489 = vector.extract_strided_slice %add3A_478 {offsets = [0, 128], sizes = [256, 128], strides = [1, 1]} : vector<256x384xf32> to vector<256x128xf32>
    %add3A_490 = arith.addf %slice3A_488, %slice3A_489 : vector<256x128xf32>
    %logistic3A_491 = arith.negf %add3A_490 : vector<256x128xf32>
    %logistic3A_492 = math.exp %logistic3A_491 : vector<256x128xf32>
    %logistic3A_493 = arith.constant 1.000000e+00 : f32
    %logistic3A_494 = vector.broadcast %logistic3A_493 : f32 to vector<256x128xf32>
    %logistic3A_495 = arith.addf %logistic3A_494, %logistic3A_492 : vector<256x128xf32>
    %logistic3A_496 = arith.divf %logistic3A_494, %logistic3A_495 : vector<256x128xf32>
    %slice3A_497 = vector.extract_strided_slice %add3A_468 {offsets = [0, 256], sizes = [256, 128], strides = [1, 1]} : vector<256x384xf32> to vector<256x128xf32>
    %slice3A_498 = vector.extract_strided_slice %add3A_478 {offsets = [0, 256], sizes = [256, 128], strides = [1, 1]} : vector<256x384xf32> to vector<256x128xf32>
    %mul3A_499 = arith.mulf %logistic3A_487, %slice3A_498 : vector<256x128xf32>
    %add3A_500 = arith.addf %slice3A_497, %mul3A_499 : vector<256x128xf32>
    %tanh3A_501 = math.tanh %add3A_500 : vector<256x128xf32>
    %sub3A_502 = arith.subf %add3A_446, %tanh3A_501 : vector<256x128xf32>
    %mul3A_503 = arith.mulf %logistic3A_496, %sub3A_502 : vector<256x128xf32>
    %add3A_504 = arith.addf %tanh3A_501, %mul3A_503 : vector<256x128xf32>
    %transpose3A_505 = tpu.transpose %add3A_504, [1, 0] : vector<256x128xf32> -> vector<128x256xf32>
    %slice3A_506 = vector.extract_strided_slice %transpose3A_505 {offsets = [0, 0], sizes = [64, 256], strides = [1, 1]} : vector<128x256xf32> to vector<64x256xf32>
    %slice3A_507 = vector.extract_strided_slice %transpose3A_505 {offsets = [64, 0], sizes = [64, 256], strides = [1, 1]} : vector<128x256xf32> to vector<64x256xf32>
    %concatenate3A_508 = tpu.concatenate %slice3A_506, %slice3A_507 in 1 : vector<64x256xf32>, vector<64x256xf32> -> vector<64x512xf32>
    %swap3A_509 = arith.constant 512 : index
    %swap3A_510 = arith.constant 0 : index
    %swap3A_511 = vector.load %arg6[%swap3A_509, %swap3A_510] : memref<1280x512xf32, #tpu.memory_space<vmem>>, vector<64x512xf32>
    tpu.vector_store %arg6[%swap3A_509, %swap3A_510], %concatenate3A_508 {strides = array<i32>} : memref<1280x512xf32, #tpu.memory_space<vmem>>, vector<64x512xf32>,
    %get3A_512 = arith.constant 9 : index
    %get3A_513 = arith.constant 0 : index
    %get3A_514 = arith.constant 0 : index
    %get3A_515 = vector.load %arg1[%get3A_512, %get3A_513, %get3A_514] : memref<20x256x128xf32, #tpu.memory_space<vmem>>, vector<1x256x128xf32>
    %get3A_516 = vector.shape_cast %get3A_515 : vector<1x256x128xf32> to vector<256x128xf32>
    %get3A_517 = arith.constant 0 : index
    %get3A_518 = arith.constant 0 : index
    %get3A_519 = vector.load %arg2[%get3A_517, %get3A_518] : memref<128x384xf32, #tpu.memory_space<vmem>>, vector<128x384xf32>
    %dot_general3A_520 = arith.constant dense<0.000000e+00> : vector<256x384xf32>
    %dot_general3A_521 = tpu.matmul %get3A_516, %get3A_519, %dot_general3A_520 {dimension_numbers = #tpu.dot_dimension_numbers<[1], [0], [0], [1], [0, 0, 1, 1], [], []>, transpose_lhs_hint = false} : vector<256x128xf32>, vector<128x384xf32>, vector<256x384xf32> -> vector<256x384xf32>
    %get3A_522 = arith.constant 0 : index
    %get3A_523 = arith.constant 0 : index
    %get3A_524 = vector.load %arg4[%get3A_522, %get3A_523] : memref<1x384xf32, #tpu.memory_space<vmem>>, vector<1x384xf32>
    %add3A_525 = vector.broadcast %get3A_524 : vector<1x384xf32> to vector<256x384xf32>
    %add3A_526 = arith.addf %dot_general3A_521, %add3A_525 : vector<256x384xf32>
    %get3A_527 = arith.constant 0 : index
    %get3A_528 = arith.constant 0 : index
    %get3A_529 = vector.load %arg3[%get3A_527, %get3A_528] : memref<128x384xf32, #tpu.memory_space<vmem>>, vector<128x384xf32>
    %dot_general3A_530 = arith.constant dense<0.000000e+00> : vector<256x384xf32>
    %dot_general3A_531 = tpu.matmul %add3A_504, %get3A_529, %dot_general3A_530 {dimension_numbers = #tpu.dot_dimension_numbers<[1], [0], [0], [1], [0, 0, 1, 1], [], []>, transpose_lhs_hint = false} : vector<256x128xf32>, vector<128x384xf32>, vector<256x384xf32> -> vector<256x384xf32>
    %get3A_532 = arith.constant 0 : index
    %get3A_533 = arith.constant 0 : index
    %get3A_534 = vector.load %arg5[%get3A_532, %get3A_533] : memref<1x384xf32, #tpu.memory_space<vmem>>, vector<1x384xf32>
    %add3A_535 = vector.broadcast %get3A_534 : vector<1x384xf32> to vector<256x384xf32>
    %add3A_536 = arith.addf %dot_general3A_531, %add3A_535 : vector<256x384xf32>
    %slice3A_537 = vector.extract_strided_slice %add3A_526 {offsets = [0, 0], sizes = [256, 128], strides = [1, 1]} : vector<256x384xf32> to vector<256x128xf32>
    %slice3A_538 = vector.extract_strided_slice %add3A_536 {offsets = [0, 0], sizes = [256, 128], strides = [1, 1]} : vector<256x384xf32> to vector<256x128xf32>
    %add3A_539 = arith.addf %slice3A_537, %slice3A_538 : vector<256x128xf32>
    %logistic3A_540 = arith.negf %add3A_539 : vector<256x128xf32>
    %logistic3A_541 = math.exp %logistic3A_540 : vector<256x128xf32>
    %logistic3A_542 = arith.constant 1.000000e+00 : f32
    %logistic3A_543 = vector.broadcast %logistic3A_542 : f32 to vector<256x128xf32>
    %logistic3A_544 = arith.addf %logistic3A_543, %logistic3A_541 : vector<256x128xf32>
    %logistic3A_545 = arith.divf %logistic3A_543, %logistic3A_544 : vector<256x128xf32>
    %slice3A_546 = vector.extract_strided_slice %add3A_526 {offsets = [0, 128], sizes = [256, 128], strides = [1, 1]} : vector<256x384xf32> to vector<256x128xf32>
    %slice3A_547 = vector.extract_strided_slice %add3A_536 {offsets = [0, 128], sizes = [256, 128], strides = [1, 1]} : vector<256x384xf32> to vector<256x128xf32>
    %add3A_548 = arith.addf %slice3A_546, %slice3A_547 : vector<256x128xf32>
    %logistic3A_549 = arith.negf %add3A_548 : vector<256x128xf32>
    %logistic3A_550 = math.exp %logistic3A_549 : vector<256x128xf32>
    %logistic3A_551 = arith.constant 1.000000e+00 : f32
    %logistic3A_552 = vector.broadcast %logistic3A_551 : f32 to vector<256x128xf32>
    %logistic3A_553 = arith.addf %logistic3A_552, %logistic3A_550 : vector<256x128xf32>
    %logistic3A_554 = arith.divf %logistic3A_552, %logistic3A_553 : vector<256x128xf32>
    %slice3A_555 = vector.extract_strided_slice %add3A_526 {offsets = [0, 256], sizes = [256, 128], strides = [1, 1]} : vector<256x384xf32> to vector<256x128xf32>
    %slice3A_556 = vector.extract_strided_slice %add3A_536 {offsets = [0, 256], sizes = [256, 128], strides = [1, 1]} : vector<256x384xf32> to vector<256x128xf32>
    %mul3A_557 = arith.mulf %logistic3A_545, %slice3A_556 : vector<256x128xf32>
    %add3A_558 = arith.addf %slice3A_555, %mul3A_557 : vector<256x128xf32>
    %tanh3A_559 = math.tanh %add3A_558 : vector<256x128xf32>
    %sub3A_560 = arith.subf %add3A_504, %tanh3A_559 : vector<256x128xf32>
    %mul3A_561 = arith.mulf %logistic3A_554, %sub3A_560 : vector<256x128xf32>
    %add3A_562 = arith.addf %tanh3A_559, %mul3A_561 : vector<256x128xf32>
    %transpose3A_563 = tpu.transpose %add3A_562, [1, 0] : vector<256x128xf32> -> vector<128x256xf32>
    %slice3A_564 = vector.extract_strided_slice %transpose3A_563 {offsets = [0, 0], sizes = [64, 256], strides = [1, 1]} : vector<128x256xf32> to vector<64x256xf32>
    %slice3A_565 = vector.extract_strided_slice %transpose3A_563 {offsets = [64, 0], sizes = [64, 256], strides = [1, 1]} : vector<128x256xf32> to vector<64x256xf32>
    %concatenate3A_566 = tpu.concatenate %slice3A_564, %slice3A_565 in 1 : vector<64x256xf32>, vector<64x256xf32> -> vector<64x512xf32>
    %swap3A_567 = arith.constant 576 : index
    %swap3A_568 = arith.constant 0 : index
    %swap3A_569 = vector.load %arg6[%swap3A_567, %swap3A_568] : memref<1280x512xf32, #tpu.memory_space<vmem>>, vector<64x512xf32>
    tpu.vector_store %arg6[%swap3A_567, %swap3A_568], %concatenate3A_566 {strides = array<i32>} : memref<1280x512xf32, #tpu.memory_space<vmem>>, vector<64x512xf32>,
    %get3A_570 = arith.constant 10 : index
    %get3A_571 = arith.constant 0 : index
    %get3A_572 = arith.constant 0 : index
    %get3A_573 = vector.load %arg1[%get3A_570, %get3A_571, %get3A_572] : memref<20x256x128xf32, #tpu.memory_space<vmem>>, vector<1x256x128xf32>
    %get3A_574 = vector.shape_cast %get3A_573 : vector<1x256x128xf32> to vector<256x128xf32>
    %get3A_575 = arith.constant 0 : index
    %get3A_576 = arith.constant 0 : index
    %get3A_577 = vector.load %arg2[%get3A_575, %get3A_576] : memref<128x384xf32, #tpu.memory_space<vmem>>, vector<128x384xf32>
    %dot_general3A_578 = arith.constant dense<0.000000e+00> : vector<256x384xf32>
    %dot_general3A_579 = tpu.matmul %get3A_574, %get3A_577, %dot_general3A_578 {dimension_numbers = #tpu.dot_dimension_numbers<[1], [0], [0], [1], [0, 0, 1, 1], [], []>, transpose_lhs_hint = false} : vector<256x128xf32>, vector<128x384xf32>, vector<256x384xf32> -> vector<256x384xf32>
    %get3A_580 = arith.constant 0 : index
    %get3A_581 = arith.constant 0 : index
    %get3A_582 = vector.load %arg4[%get3A_580, %get3A_581] : memref<1x384xf32, #tpu.memory_space<vmem>>, vector<1x384xf32>
    %add3A_583 = vector.broadcast %get3A_582 : vector<1x384xf32> to vector<256x384xf32>
    %add3A_584 = arith.addf %dot_general3A_579, %add3A_583 : vector<256x384xf32>
    %get3A_585 = arith.constant 0 : index
    %get3A_586 = arith.constant 0 : index
    %get3A_587 = vector.load %arg3[%get3A_585, %get3A_586] : memref<128x384xf32, #tpu.memory_space<vmem>>, vector<128x384xf32>
    %dot_general3A_588 = arith.constant dense<0.000000e+00> : vector<256x384xf32>
    %dot_general3A_589 = tpu.matmul %add3A_562, %get3A_587, %dot_general3A_588 {dimension_numbers = #tpu.dot_dimension_numbers<[1], [0], [0], [1], [0, 0, 1, 1], [], []>, transpose_lhs_hint = false} : vector<256x128xf32>, vector<128x384xf32>, vector<256x384xf32> -> vector<256x384xf32>
    %get3A_590 = arith.constant 0 : index
    %get3A_591 = arith.constant 0 : index
    %get3A_592 = vector.load %arg5[%get3A_590, %get3A_591] : memref<1x384xf32, #tpu.memory_space<vmem>>, vector<1x384xf32>
    %add3A_593 = vector.broadcast %get3A_592 : vector<1x384xf32> to vector<256x384xf32>
    %add3A_594 = arith.addf %dot_general3A_589, %add3A_593 : vector<256x384xf32>
    %slice3A_595 = vector.extract_strided_slice %add3A_584 {offsets = [0, 0], sizes = [256, 128], strides = [1, 1]} : vector<256x384xf32> to vector<256x128xf32>
    %slice3A_596 = vector.extract_strided_slice %add3A_594 {offsets = [0, 0], sizes = [256, 128], strides = [1, 1]} : vector<256x384xf32> to vector<256x128xf32>
    %add3A_597 = arith.addf %slice3A_595, %slice3A_596 : vector<256x128xf32>
    %logistic3A_598 = arith.negf %add3A_597 : vector<256x128xf32>
    %logistic3A_599 = math.exp %logistic3A_598 : vector<256x128xf32>
    %logistic3A_600 = arith.constant 1.000000e+00 : f32
    %logistic3A_601 = vector.broadcast %logistic3A_600 : f32 to vector<256x128xf32>
    %logistic3A_602 = arith.addf %logistic3A_601, %logistic3A_599 : vector<256x128xf32>
    %logistic3A_603 = arith.divf %logistic3A_601, %logistic3A_602 : vector<256x128xf32>
    %slice3A_604 = vector.extract_strided_slice %add3A_584 {offsets = [0, 128], sizes = [256, 128], strides = [1, 1]} : vector<256x384xf32> to vector<256x128xf32>
    %slice3A_605 = vector.extract_strided_slice %add3A_594 {offsets = [0, 128], sizes = [256, 128], strides = [1, 1]} : vector<256x384xf32> to vector<256x128xf32>
    %add3A_606 = arith.addf %slice3A_604, %slice3A_605 : vector<256x128xf32>
    %logistic3A_607 = arith.negf %add3A_606 : vector<256x128xf32>
    %logistic3A_608 = math.exp %logistic3A_607 : vector<256x128xf32>
    %logistic3A_609 = arith.constant 1.000000e+00 : f32
    %logistic3A_610 = vector.broadcast %logistic3A_609 : f32 to vector<256x128xf32>
    %logistic3A_611 = arith.addf %logistic3A_610, %logistic3A_608 : vector<256x128xf32>
    %logistic3A_612 = arith.divf %logistic3A_610, %logistic3A_611 : vector<256x128xf32>
    %slice3A_613 = vector.extract_strided_slice %add3A_584 {offsets = [0, 256], sizes = [256, 128], strides = [1, 1]} : vector<256x384xf32> to vector<256x128xf32>
    %slice3A_614 = vector.extract_strided_slice %add3A_594 {offsets = [0, 256], sizes = [256, 128], strides = [1, 1]} : vector<256x384xf32> to vector<256x128xf32>
    %mul3A_615 = arith.mulf %logistic3A_603, %slice3A_614 : vector<256x128xf32>
    %add3A_616 = arith.addf %slice3A_613, %mul3A_615 : vector<256x128xf32>
    %tanh3A_617 = math.tanh %add3A_616 : vector<256x128xf32>
    %sub3A_618 = arith.subf %add3A_562, %tanh3A_617 : vector<256x128xf32>
    %mul3A_619 = arith.mulf %logistic3A_612, %sub3A_618 : vector<256x128xf32>
    %add3A_620 = arith.addf %tanh3A_617, %mul3A_619 : vector<256x128xf32>
    %transpose3A_621 = tpu.transpose %add3A_620, [1, 0] : vector<256x128xf32> -> vector<128x256xf32>
    %slice3A_622 = vector.extract_strided_slice %transpose3A_621 {offsets = [0, 0], sizes = [64, 256], strides = [1, 1]} : vector<128x256xf32> to vector<64x256xf32>
    %slice3A_623 = vector.extract_strided_slice %transpose3A_621 {offsets = [64, 0], sizes = [64, 256], strides = [1, 1]} : vector<128x256xf32> to vector<64x256xf32>
    %concatenate3A_624 = tpu.concatenate %slice3A_622, %slice3A_623 in 1 : vector<64x256xf32>, vector<64x256xf32> -> vector<64x512xf32>
    %swap3A_625 = arith.constant 640 : index
    %swap3A_626 = arith.constant 0 : index
    %swap3A_627 = vector.load %arg6[%swap3A_625, %swap3A_626] : memref<1280x512xf32, #tpu.memory_space<vmem>>, vector<64x512xf32>
    tpu.vector_store %arg6[%swap3A_625, %swap3A_626], %concatenate3A_624 {strides = array<i32>} : memref<1280x512xf32, #tpu.memory_space<vmem>>, vector<64x512xf32>,
    %get3A_628 = arith.constant 11 : index
    %get3A_629 = arith.constant 0 : index
    %get3A_630 = arith.constant 0 : index
    %get3A_631 = vector.load %arg1[%get3A_628, %get3A_629, %get3A_630] : memref<20x256x128xf32, #tpu.memory_space<vmem>>, vector<1x256x128xf32>
    %get3A_632 = vector.shape_cast %get3A_631 : vector<1x256x128xf32> to vector<256x128xf32>
    %get3A_633 = arith.constant 0 : index
    %get3A_634 = arith.constant 0 : index
    %get3A_635 = vector.load %arg2[%get3A_633, %get3A_634] : memref<128x384xf32, #tpu.memory_space<vmem>>, vector<128x384xf32>
    %dot_general3A_636 = arith.constant dense<0.000000e+00> : vector<256x384xf32>
    %dot_general3A_637 = tpu.matmul %get3A_632, %get3A_635, %dot_general3A_636 {dimension_numbers = #tpu.dot_dimension_numbers<[1], [0], [0], [1], [0, 0, 1, 1], [], []>, transpose_lhs_hint = false} : vector<256x128xf32>, vector<128x384xf32>, vector<256x384xf32> -> vector<256x384xf32>
    %get3A_638 = arith.constant 0 : index
    %get3A_639 = arith.constant 0 : index
    %get3A_640 = vector.load %arg4[%get3A_638, %get3A_639] : memref<1x384xf32, #tpu.memory_space<vmem>>, vector<1x384xf32>
    %add3A_641 = vector.broadcast %get3A_640 : vector<1x384xf32> to vector<256x384xf32>
    %add3A_642 = arith.addf %dot_general3A_637, %add3A_641 : vector<256x384xf32>
    %get3A_643 = arith.constant 0 : index
    %get3A_644 = arith.constant 0 : index
    %get3A_645 = vector.load %arg3[%get3A_643, %get3A_644] : memref<128x384xf32, #tpu.memory_space<vmem>>, vector<128x384xf32>
    %dot_general3A_646 = arith.constant dense<0.000000e+00> : vector<256x384xf32>
    %dot_general3A_647 = tpu.matmul %add3A_620, %get3A_645, %dot_general3A_646 {dimension_numbers = #tpu.dot_dimension_numbers<[1], [0], [0], [1], [0, 0, 1, 1], [], []>, transpose_lhs_hint = false} : vector<256x128xf32>, vector<128x384xf32>, vector<256x384xf32> -> vector<256x384xf32>
    %get3A_648 = arith.constant 0 : index
    %get3A_649 = arith.constant 0 : index
    %get3A_650 = vector.load %arg5[%get3A_648, %get3A_649] : memref<1x384xf32, #tpu.memory_space<vmem>>, vector<1x384xf32>
    %add3A_651 = vector.broadcast %get3A_650 : vector<1x384xf32> to vector<256x384xf32>
    %add3A_652 = arith.addf %dot_general3A_647, %add3A_651 : vector<256x384xf32>
    %slice3A_653 = vector.extract_strided_slice %add3A_642 {offsets = [0, 0], sizes = [256, 128], strides = [1, 1]} : vector<256x384xf32> to vector<256x128xf32>
    %slice3A_654 = vector.extract_strided_slice %add3A_652 {offsets = [0, 0], sizes = [256, 128], strides = [1, 1]} : vector<256x384xf32> to vector<256x128xf32>
    %add3A_655 = arith.addf %slice3A_653, %slice3A_654 : vector<256x128xf32>
    %logistic3A_656 = arith.negf %add3A_655 : vector<256x128xf32>
    %logistic3A_657 = math.exp %logistic3A_656 : vector<256x128xf32>
    %logistic3A_658 = arith.constant 1.000000e+00 : f32
    %logistic3A_659 = vector.broadcast %logistic3A_658 : f32 to vector<256x128xf32>
    %logistic3A_660 = arith.addf %logistic3A_659, %logistic3A_657 : vector<256x128xf32>
    %logistic3A_661 = arith.divf %logistic3A_659, %logistic3A_660 : vector<256x128xf32>
    %slice3A_662 = vector.extract_strided_slice %add3A_642 {offsets = [0, 128], sizes = [256, 128], strides = [1, 1]} : vector<256x384xf32> to vector<256x128xf32>
    %slice3A_663 = vector.extract_strided_slice %add3A_652 {offsets = [0, 128], sizes = [256, 128], strides = [1, 1]} : vector<256x384xf32> to vector<256x128xf32>
    %add3A_664 = arith.addf %slice3A_662, %slice3A_663 : vector<256x128xf32>
    %logistic3A_665 = arith.negf %add3A_664 : vector<256x128xf32>
    %logistic3A_666 = math.exp %logistic3A_665 : vector<256x128xf32>
    %logistic3A_667 = arith.constant 1.000000e+00 : f32
    %logistic3A_668 = vector.broadcast %logistic3A_667 : f32 to vector<256x128xf32>
    %logistic3A_669 = arith.addf %logistic3A_668, %logistic3A_666 : vector<256x128xf32>
    %logistic3A_670 = arith.divf %logistic3A_668, %logistic3A_669 : vector<256x128xf32>
    %slice3A_671 = vector.extract_strided_slice %add3A_642 {offsets = [0, 256], sizes = [256, 128], strides = [1, 1]} : vector<256x384xf32> to vector<256x128xf32>
    %slice3A_672 = vector.extract_strided_slice %add3A_652 {offsets = [0, 256], sizes = [256, 128], strides = [1, 1]} : vector<256x384xf32> to vector<256x128xf32>
    %mul3A_673 = arith.mulf %logistic3A_661, %slice3A_672 : vector<256x128xf32>
    %add3A_674 = arith.addf %slice3A_671, %mul3A_673 : vector<256x128xf32>
    %tanh3A_675 = math.tanh %add3A_674 : vector<256x128xf32>
    %sub3A_676 = arith.subf %add3A_620, %tanh3A_675 : vector<256x128xf32>
    %mul3A_677 = arith.mulf %logistic3A_670, %sub3A_676 : vector<256x128xf32>
    %add3A_678 = arith.addf %tanh3A_675, %mul3A_677 : vector<256x128xf32>
    %transpose3A_679 = tpu.transpose %add3A_678, [1, 0] : vector<256x128xf32> -> vector<128x256xf32>
    %slice3A_680 = vector.extract_strided_slice %transpose3A_679 {offsets = [0, 0], sizes = [64, 256], strides = [1, 1]} : vector<128x256xf32> to vector<64x256xf32>
    %slice3A_681 = vector.extract_strided_slice %transpose3A_679 {offsets = [64, 0], sizes = [64, 256], strides = [1, 1]} : vector<128x256xf32> to vector<64x256xf32>
    %concatenate3A_682 = tpu.concatenate %slice3A_680, %slice3A_681 in 1 : vector<64x256xf32>, vector<64x256xf32> -> vector<64x512xf32>
    %swap3A_683 = arith.constant 704 : index
    %swap3A_684 = arith.constant 0 : index
    %swap3A_685 = vector.load %arg6[%swap3A_683, %swap3A_684] : memref<1280x512xf32, #tpu.memory_space<vmem>>, vector<64x512xf32>
    tpu.vector_store %arg6[%swap3A_683, %swap3A_684], %concatenate3A_682 {strides = array<i32>} : memref<1280x512xf32, #tpu.memory_space<vmem>>, vector<64x512xf32>,
    %get3A_686 = arith.constant 12 : index
    %get3A_687 = arith.constant 0 : index
    %get3A_688 = arith.constant 0 : index
    %get3A_689 = vector.load %arg1[%get3A_686, %get3A_687, %get3A_688] : memref<20x256x128xf32, #tpu.memory_space<vmem>>, vector<1x256x128xf32>
    %get3A_690 = vector.shape_cast %get3A_689 : vector<1x256x128xf32> to vector<256x128xf32>
    %get3A_691 = arith.constant 0 : index
    %get3A_692 = arith.constant 0 : index
    %get3A_693 = vector.load %arg2[%get3A_691, %get3A_692] : memref<128x384xf32, #tpu.memory_space<vmem>>, vector<128x384xf32>
    %dot_general3A_694 = arith.constant dense<0.000000e+00> : vector<256x384xf32>
    %dot_general3A_695 = tpu.matmul %get3A_690, %get3A_693, %dot_general3A_694 {dimension_numbers = #tpu.dot_dimension_numbers<[1], [0], [0], [1], [0, 0, 1, 1], [], []>, transpose_lhs_hint = false} : vector<256x128xf32>, vector<128x384xf32>, vector<256x384xf32> -> vector<256x384xf32>
    %get3A_696 = arith.constant 0 : index
    %get3A_697 = arith.constant 0 : index
    %get3A_698 = vector.load %arg4[%get3A_696, %get3A_697] : memref<1x384xf32, #tpu.memory_space<vmem>>, vector<1x384xf32>
    %add3A_699 = vector.broadcast %get3A_698 : vector<1x384xf32> to vector<256x384xf32>
    %add3A_700 = arith.addf %dot_general3A_695, %add3A_699 : vector<256x384xf32>
    %get3A_701 = arith.constant 0 : index
    %get3A_702 = arith.constant 0 : index
    %get3A_703 = vector.load %arg3[%get3A_701, %get3A_702] : memref<128x384xf32, #tpu.memory_space<vmem>>, vector<128x384xf32>
    %dot_general3A_704 = arith.constant dense<0.000000e+00> : vector<256x384xf32>
    %dot_general3A_705 = tpu.matmul %add3A_678, %get3A_703, %dot_general3A_704 {dimension_numbers = #tpu.dot_dimension_numbers<[1], [0], [0], [1], [0, 0, 1, 1], [], []>, transpose_lhs_hint = false} : vector<256x128xf32>, vector<128x384xf32>, vector<256x384xf32> -> vector<256x384xf32>
    %get3A_706 = arith.constant 0 : index
    %get3A_707 = arith.constant 0 : index
    %get3A_708 = vector.load %arg5[%get3A_706, %get3A_707] : memref<1x384xf32, #tpu.memory_space<vmem>>, vector<1x384xf32>
    %add3A_709 = vector.broadcast %get3A_708 : vector<1x384xf32> to vector<256x384xf32>
    %add3A_710 = arith.addf %dot_general3A_705, %add3A_709 : vector<256x384xf32>
    %slice3A_711 = vector.extract_strided_slice %add3A_700 {offsets = [0, 0], sizes = [256, 128], strides = [1, 1]} : vector<256x384xf32> to vector<256x128xf32>
    %slice3A_712 = vector.extract_strided_slice %add3A_710 {offsets = [0, 0], sizes = [256, 128], strides = [1, 1]} : vector<256x384xf32> to vector<256x128xf32>
    %add3A_713 = arith.addf %slice3A_711, %slice3A_712 : vector<256x128xf32>
    %logistic3A_714 = arith.negf %add3A_713 : vector<256x128xf32>
    %logistic3A_715 = math.exp %logistic3A_714 : vector<256x128xf32>
    %logistic3A_716 = arith.constant 1.000000e+00 : f32
    %logistic3A_717 = vector.broadcast %logistic3A_716 : f32 to vector<256x128xf32>
    %logistic3A_718 = arith.addf %logistic3A_717, %logistic3A_715 : vector<256x128xf32>
    %logistic3A_719 = arith.divf %logistic3A_717, %logistic3A_718 : vector<256x128xf32>
    %slice3A_720 = vector.extract_strided_slice %add3A_700 {offsets = [0, 128], sizes = [256, 128], strides = [1, 1]} : vector<256x384xf32> to vector<256x128xf32>
    %slice3A_721 = vector.extract_strided_slice %add3A_710 {offsets = [0, 128], sizes = [256, 128], strides = [1, 1]} : vector<256x384xf32> to vector<256x128xf32>
    %add3A_722 = arith.addf %slice3A_720, %slice3A_721 : vector<256x128xf32>
    %logistic3A_723 = arith.negf %add3A_722 : vector<256x128xf32>
    %logistic3A_724 = math.exp %logistic3A_723 : vector<256x128xf32>
    %logistic3A_725 = arith.constant 1.000000e+00 : f32
    %logistic3A_726 = vector.broadcast %logistic3A_725 : f32 to vector<256x128xf32>
    %logistic3A_727 = arith.addf %logistic3A_726, %logistic3A_724 : vector<256x128xf32>
    %logistic3A_728 = arith.divf %logistic3A_726, %logistic3A_727 : vector<256x128xf32>
    %slice3A_729 = vector.extract_strided_slice %add3A_700 {offsets = [0, 256], sizes = [256, 128], strides = [1, 1]} : vector<256x384xf32> to vector<256x128xf32>
    %slice3A_730 = vector.extract_strided_slice %add3A_710 {offsets = [0, 256], sizes = [256, 128], strides = [1, 1]} : vector<256x384xf32> to vector<256x128xf32>
    %mul3A_731 = arith.mulf %logistic3A_719, %slice3A_730 : vector<256x128xf32>
    %add3A_732 = arith.addf %slice3A_729, %mul3A_731 : vector<256x128xf32>
    %tanh3A_733 = math.tanh %add3A_732 : vector<256x128xf32>
    %sub3A_734 = arith.subf %add3A_678, %tanh3A_733 : vector<256x128xf32>
    %mul3A_735 = arith.mulf %logistic3A_728, %sub3A_734 : vector<256x128xf32>
    %add3A_736 = arith.addf %tanh3A_733, %mul3A_735 : vector<256x128xf32>
    %transpose3A_737 = tpu.transpose %add3A_736, [1, 0] : vector<256x128xf32> -> vector<128x256xf32>
    %slice3A_738 = vector.extract_strided_slice %transpose3A_737 {offsets = [0, 0], sizes = [64, 256], strides = [1, 1]} : vector<128x256xf32> to vector<64x256xf32>
    %slice3A_739 = vector.extract_strided_slice %transpose3A_737 {offsets = [64, 0], sizes = [64, 256], strides = [1, 1]} : vector<128x256xf32> to vector<64x256xf32>
    %concatenate3A_740 = tpu.concatenate %slice3A_738, %slice3A_739 in 1 : vector<64x256xf32>, vector<64x256xf32> -> vector<64x512xf32>
    %swap3A_741 = arith.constant 768 : index
    %swap3A_742 = arith.constant 0 : index
    %swap3A_743 = vector.load %arg6[%swap3A_741, %swap3A_742] : memref<1280x512xf32, #tpu.memory_space<vmem>>, vector<64x512xf32>
    tpu.vector_store %arg6[%swap3A_741, %swap3A_742], %concatenate3A_740 {strides = array<i32>} : memref<1280x512xf32, #tpu.memory_space<vmem>>, vector<64x512xf32>,
    %get3A_744 = arith.constant 13 : index
    %get3A_745 = arith.constant 0 : index
    %get3A_746 = arith.constant 0 : index
    %get3A_747 = vector.load %arg1[%get3A_744, %get3A_745, %get3A_746] : memref<20x256x128xf32, #tpu.memory_space<vmem>>, vector<1x256x128xf32>
    %get3A_748 = vector.shape_cast %get3A_747 : vector<1x256x128xf32> to vector<256x128xf32>
    %get3A_749 = arith.constant 0 : index
    %get3A_750 = arith.constant 0 : index
    %get3A_751 = vector.load %arg2[%get3A_749, %get3A_750] : memref<128x384xf32, #tpu.memory_space<vmem>>, vector<128x384xf32>
    %dot_general3A_752 = arith.constant dense<0.000000e+00> : vector<256x384xf32>
    %dot_general3A_753 = tpu.matmul %get3A_748, %get3A_751, %dot_general3A_752 {dimension_numbers = #tpu.dot_dimension_numbers<[1], [0], [0], [1], [0, 0, 1, 1], [], []>, transpose_lhs_hint = false} : vector<256x128xf32>, vector<128x384xf32>, vector<256x384xf32> -> vector<256x384xf32>
    %get3A_754 = arith.constant 0 : index
    %get3A_755 = arith.constant 0 : index
    %get3A_756 = vector.load %arg4[%get3A_754, %get3A_755] : memref<1x384xf32, #tpu.memory_space<vmem>>, vector<1x384xf32>
    %add3A_757 = vector.broadcast %get3A_756 : vector<1x384xf32> to vector<256x384xf32>
    %add3A_758 = arith.addf %dot_general3A_753, %add3A_757 : vector<256x384xf32>
    %get3A_759 = arith.constant 0 : index
    %get3A_760 = arith.constant 0 : index
    %get3A_761 = vector.load %arg3[%get3A_759, %get3A_760] : memref<128x384xf32, #tpu.memory_space<vmem>>, vector<128x384xf32>
    %dot_general3A_762 = arith.constant dense<0.000000e+00> : vector<256x384xf32>
    %dot_general3A_763 = tpu.matmul %add3A_736, %get3A_761, %dot_general3A_762 {dimension_numbers = #tpu.dot_dimension_numbers<[1], [0], [0], [1], [0, 0, 1, 1], [], []>, transpose_lhs_hint = false} : vector<256x128xf32>, vector<128x384xf32>, vector<256x384xf32> -> vector<256x384xf32>
    %get3A_764 = arith.constant 0 : index
    %get3A_765 = arith.constant 0 : index
    %get3A_766 = vector.load %arg5[%get3A_764, %get3A_765] : memref<1x384xf32, #tpu.memory_space<vmem>>, vector<1x384xf32>
    %add3A_767 = vector.broadcast %get3A_766 : vector<1x384xf32> to vector<256x384xf32>
    %add3A_768 = arith.addf %dot_general3A_763, %add3A_767 : vector<256x384xf32>
    %slice3A_769 = vector.extract_strided_slice %add3A_758 {offsets = [0, 0], sizes = [256, 128], strides = [1, 1]} : vector<256x384xf32> to vector<256x128xf32>
    %slice3A_770 = vector.extract_strided_slice %add3A_768 {offsets = [0, 0], sizes = [256, 128], strides = [1, 1]} : vector<256x384xf32> to vector<256x128xf32>
    %add3A_771 = arith.addf %slice3A_769, %slice3A_770 : vector<256x128xf32>
    %logistic3A_772 = arith.negf %add3A_771 : vector<256x128xf32>
    %logistic3A_773 = math.exp %logistic3A_772 : vector<256x128xf32>
    %logistic3A_774 = arith.constant 1.000000e+00 : f32
    %logistic3A_775 = vector.broadcast %logistic3A_774 : f32 to vector<256x128xf32>
    %logistic3A_776 = arith.addf %logistic3A_775, %logistic3A_773 : vector<256x128xf32>
    %logistic3A_777 = arith.divf %logistic3A_775, %logistic3A_776 : vector<256x128xf32>
    %slice3A_778 = vector.extract_strided_slice %add3A_758 {offsets = [0, 128], sizes = [256, 128], strides = [1, 1]} : vector<256x384xf32> to vector<256x128xf32>
    %slice3A_779 = vector.extract_strided_slice %add3A_768 {offsets = [0, 128], sizes = [256, 128], strides = [1, 1]} : vector<256x384xf32> to vector<256x128xf32>
    %add3A_780 = arith.addf %slice3A_778, %slice3A_779 : vector<256x128xf32>
    %logistic3A_781 = arith.negf %add3A_780 : vector<256x128xf32>
    %logistic3A_782 = math.exp %logistic3A_781 : vector<256x128xf32>
    %logistic3A_783 = arith.constant 1.000000e+00 : f32
    %logistic3A_784 = vector.broadcast %logistic3A_783 : f32 to vector<256x128xf32>
    %logistic3A_785 = arith.addf %logistic3A_784, %logistic3A_782 : vector<256x128xf32>
    %logistic3A_786 = arith.divf %logistic3A_784, %logistic3A_785 : vector<256x128xf32>
    %slice3A_787 = vector.extract_strided_slice %add3A_758 {offsets = [0, 256], sizes = [256, 128], strides = [1, 1]} : vector<256x384xf32> to vector<256x128xf32>
    %slice3A_788 = vector.extract_strided_slice %add3A_768 {offsets = [0, 256], sizes = [256, 128], strides = [1, 1]} : vector<256x384xf32> to vector<256x128xf32>
    %mul3A_789 = arith.mulf %logistic3A_777, %slice3A_788 : vector<256x128xf32>
    %add3A_790 = arith.addf %slice3A_787, %mul3A_789 : vector<256x128xf32>
    %tanh3A_791 = math.tanh %add3A_790 : vector<256x128xf32>
    %sub3A_792 = arith.subf %add3A_736, %tanh3A_791 : vector<256x128xf32>
    %mul3A_793 = arith.mulf %logistic3A_786, %sub3A_792 : vector<256x128xf32>
    %add3A_794 = arith.addf %tanh3A_791, %mul3A_793 : vector<256x128xf32>
    %transpose3A_795 = tpu.transpose %add3A_794, [1, 0] : vector<256x128xf32> -> vector<128x256xf32>
    %slice3A_796 = vector.extract_strided_slice %transpose3A_795 {offsets = [0, 0], sizes = [64, 256], strides = [1, 1]} : vector<128x256xf32> to vector<64x256xf32>
    %slice3A_797 = vector.extract_strided_slice %transpose3A_795 {offsets = [64, 0], sizes = [64, 256], strides = [1, 1]} : vector<128x256xf32> to vector<64x256xf32>
    %concatenate3A_798 = tpu.concatenate %slice3A_796, %slice3A_797 in 1 : vector<64x256xf32>, vector<64x256xf32> -> vector<64x512xf32>
    %swap3A_799 = arith.constant 832 : index
    %swap3A_800 = arith.constant 0 : index
    %swap3A_801 = vector.load %arg6[%swap3A_799, %swap3A_800] : memref<1280x512xf32, #tpu.memory_space<vmem>>, vector<64x512xf32>
    tpu.vector_store %arg6[%swap3A_799, %swap3A_800], %concatenate3A_798 {strides = array<i32>} : memref<1280x512xf32, #tpu.memory_space<vmem>>, vector<64x512xf32>,
    %get3A_802 = arith.constant 14 : index
    %get3A_803 = arith.constant 0 : index
    %get3A_804 = arith.constant 0 : index
    %get3A_805 = vector.load %arg1[%get3A_802, %get3A_803, %get3A_804] : memref<20x256x128xf32, #tpu.memory_space<vmem>>, vector<1x256x128xf32>
    %get3A_806 = vector.shape_cast %get3A_805 : vector<1x256x128xf32> to vector<256x128xf32>
    %get3A_807 = arith.constant 0 : index
    %get3A_808 = arith.constant 0 : index
    %get3A_809 = vector.load %arg2[%get3A_807, %get3A_808] : memref<128x384xf32, #tpu.memory_space<vmem>>, vector<128x384xf32>
    %dot_general3A_810 = arith.constant dense<0.000000e+00> : vector<256x384xf32>
    %dot_general3A_811 = tpu.matmul %get3A_806, %get3A_809, %dot_general3A_810 {dimension_numbers = #tpu.dot_dimension_numbers<[1], [0], [0], [1], [0, 0, 1, 1], [], []>, transpose_lhs_hint = false} : vector<256x128xf32>, vector<128x384xf32>, vector<256x384xf32> -> vector<256x384xf32>
    %get3A_812 = arith.constant 0 : index
    %get3A_813 = arith.constant 0 : index
    %get3A_814 = vector.load %arg4[%get3A_812, %get3A_813] : memref<1x384xf32, #tpu.memory_space<vmem>>, vector<1x384xf32>
    %add3A_815 = vector.broadcast %get3A_814 : vector<1x384xf32> to vector<256x384xf32>
    %add3A_816 = arith.addf %dot_general3A_811, %add3A_815 : vector<256x384xf32>
    %get3A_817 = arith.constant 0 : index
    %get3A_818 = arith.constant 0 : index
    %get3A_819 = vector.load %arg3[%get3A_817, %get3A_818] : memref<128x384xf32, #tpu.memory_space<vmem>>, vector<128x384xf32>
    %dot_general3A_820 = arith.constant dense<0.000000e+00> : vector<256x384xf32>
    %dot_general3A_821 = tpu.matmul %add3A_794, %get3A_819, %dot_general3A_820 {dimension_numbers = #tpu.dot_dimension_numbers<[1], [0], [0], [1], [0, 0, 1, 1], [], []>, transpose_lhs_hint = false} : vector<256x128xf32>, vector<128x384xf32>, vector<256x384xf32> -> vector<256x384xf32>
    %get3A_822 = arith.constant 0 : index
    %get3A_823 = arith.constant 0 : index
    %get3A_824 = vector.load %arg5[%get3A_822, %get3A_823] : memref<1x384xf32, #tpu.memory_space<vmem>>, vector<1x384xf32>
    %add3A_825 = vector.broadcast %get3A_824 : vector<1x384xf32> to vector<256x384xf32>
    %add3A_826 = arith.addf %dot_general3A_821, %add3A_825 : vector<256x384xf32>
    %slice3A_827 = vector.extract_strided_slice %add3A_816 {offsets = [0, 0], sizes = [256, 128], strides = [1, 1]} : vector<256x384xf32> to vector<256x128xf32>
    %slice3A_828 = vector.extract_strided_slice %add3A_826 {offsets = [0, 0], sizes = [256, 128], strides = [1, 1]} : vector<256x384xf32> to vector<256x128xf32>
    %add3A_829 = arith.addf %slice3A_827, %slice3A_828 : vector<256x128xf32>
    %logistic3A_830 = arith.negf %add3A_829 : vector<256x128xf32>
    %logistic3A_831 = math.exp %logistic3A_830 : vector<256x128xf32>
    %logistic3A_832 = arith.constant 1.000000e+00 : f32
    %logistic3A_833 = vector.broadcast %logistic3A_832 : f32 to vector<256x128xf32>
    %logistic3A_834 = arith.addf %logistic3A_833, %logistic3A_831 : vector<256x128xf32>
    %logistic3A_835 = arith.divf %logistic3A_833, %logistic3A_834 : vector<256x128xf32>
    %slice3A_836 = vector.extract_strided_slice %add3A_816 {offsets = [0, 128], sizes = [256, 128], strides = [1, 1]} : vector<256x384xf32> to vector<256x128xf32>
    %slice3A_837 = vector.extract_strided_slice %add3A_826 {offsets = [0, 128], sizes = [256, 128], strides = [1, 1]} : vector<256x384xf32> to vector<256x128xf32>
    %add3A_838 = arith.addf %slice3A_836, %slice3A_837 : vector<256x128xf32>
    %logistic3A_839 = arith.negf %add3A_838 : vector<256x128xf32>
    %logistic3A_840 = math.exp %logistic3A_839 : vector<256x128xf32>
    %logistic3A_841 = arith.constant 1.000000e+00 : f32
    %logistic3A_842 = vector.broadcast %logistic3A_841 : f32 to vector<256x128xf32>
    %logistic3A_843 = arith.addf %logistic3A_842, %logistic3A_840 : vector<256x128xf32>
    %logistic3A_844 = arith.divf %logistic3A_842, %logistic3A_843 : vector<256x128xf32>
    %slice3A_845 = vector.extract_strided_slice %add3A_816 {offsets = [0, 256], sizes = [256, 128], strides = [1, 1]} : vector<256x384xf32> to vector<256x128xf32>
    %slice3A_846 = vector.extract_strided_slice %add3A_826 {offsets = [0, 256], sizes = [256, 128], strides = [1, 1]} : vector<256x384xf32> to vector<256x128xf32>
    %mul3A_847 = arith.mulf %logistic3A_835, %slice3A_846 : vector<256x128xf32>
    %add3A_848 = arith.addf %slice3A_845, %mul3A_847 : vector<256x128xf32>
    %tanh3A_849 = math.tanh %add3A_848 : vector<256x128xf32>
    %sub3A_850 = arith.subf %add3A_794, %tanh3A_849 : vector<256x128xf32>
    %mul3A_851 = arith.mulf %logistic3A_844, %sub3A_850 : vector<256x128xf32>
    %add3A_852 = arith.addf %tanh3A_849, %mul3A_851 : vector<256x128xf32>
    %transpose3A_853 = tpu.transpose %add3A_852, [1, 0] : vector<256x128xf32> -> vector<128x256xf32>
    %slice3A_854 = vector.extract_strided_slice %transpose3A_853 {offsets = [0, 0], sizes = [64, 256], strides = [1, 1]} : vector<128x256xf32> to vector<64x256xf32>
    %slice3A_855 = vector.extract_strided_slice %transpose3A_853 {offsets = [64, 0], sizes = [64, 256], strides = [1, 1]} : vector<128x256xf32> to vector<64x256xf32>
    %concatenate3A_856 = tpu.concatenate %slice3A_854, %slice3A_855 in 1 : vector<64x256xf32>, vector<64x256xf32> -> vector<64x512xf32>
    %swap3A_857 = arith.constant 896 : index
    %swap3A_858 = arith.constant 0 : index
    %swap3A_859 = vector.load %arg6[%swap3A_857, %swap3A_858] : memref<1280x512xf32, #tpu.memory_space<vmem>>, vector<64x512xf32>
    tpu.vector_store %arg6[%swap3A_857, %swap3A_858], %concatenate3A_856 {strides = array<i32>} : memref<1280x512xf32, #tpu.memory_space<vmem>>, vector<64x512xf32>,
    %get3A_860 = arith.constant 15 : index
    %get3A_861 = arith.constant 0 : index
    %get3A_862 = arith.constant 0 : index
    %get3A_863 = vector.load %arg1[%get3A_860, %get3A_861, %get3A_862] : memref<20x256x128xf32, #tpu.memory_space<vmem>>, vector<1x256x128xf32>
    %get3A_864 = vector.shape_cast %get3A_863 : vector<1x256x128xf32> to vector<256x128xf32>
    %get3A_865 = arith.constant 0 : index
    %get3A_866 = arith.constant 0 : index
    %get3A_867 = vector.load %arg2[%get3A_865, %get3A_866] : memref<128x384xf32, #tpu.memory_space<vmem>>, vector<128x384xf32>
    %dot_general3A_868 = arith.constant dense<0.000000e+00> : vector<256x384xf32>
    %dot_general3A_869 = tpu.matmul %get3A_864, %get3A_867, %dot_general3A_868 {dimension_numbers = #tpu.dot_dimension_numbers<[1], [0], [0], [1], [0, 0, 1, 1], [], []>, transpose_lhs_hint = false} : vector<256x128xf32>, vector<128x384xf32>, vector<256x384xf32> -> vector<256x384xf32>
    %get3A_870 = arith.constant 0 : index
    %get3A_871 = arith.constant 0 : index
    %get3A_872 = vector.load %arg4[%get3A_870, %get3A_871] : memref<1x384xf32, #tpu.memory_space<vmem>>, vector<1x384xf32>
    %add3A_873 = vector.broadcast %get3A_872 : vector<1x384xf32> to vector<256x384xf32>
    %add3A_874 = arith.addf %dot_general3A_869, %add3A_873 : vector<256x384xf32>
    %get3A_875 = arith.constant 0 : index
    %get3A_876 = arith.constant 0 : index
    %get3A_877 = vector.load %arg3[%get3A_875, %get3A_876] : memref<128x384xf32, #tpu.memory_space<vmem>>, vector<128x384xf32>
    %dot_general3A_878 = arith.constant dense<0.000000e+00> : vector<256x384xf32>
    %dot_general3A_879 = tpu.matmul %add3A_852, %get3A_877, %dot_general3A_878 {dimension_numbers = #tpu.dot_dimension_numbers<[1], [0], [0], [1], [0, 0, 1, 1], [], []>, transpose_lhs_hint = false} : vector<256x128xf32>, vector<128x384xf32>, vector<256x384xf32> -> vector<256x384xf32>
    %get3A_880 = arith.constant 0 : index
    %get3A_881 = arith.constant 0 : index
    %get3A_882 = vector.load %arg5[%get3A_880, %get3A_881] : memref<1x384xf32, #tpu.memory_space<vmem>>, vector<1x384xf32>
    %add3A_883 = vector.broadcast %get3A_882 : vector<1x384xf32> to vector<256x384xf32>
    %add3A_884 = arith.addf %dot_general3A_879, %add3A_883 : vector<256x384xf32>
    %slice3A_885 = vector.extract_strided_slice %add3A_874 {offsets = [0, 0], sizes = [256, 128], strides = [1, 1]} : vector<256x384xf32> to vector<256x128xf32>
    %slice3A_886 = vector.extract_strided_slice %add3A_884 {offsets = [0, 0], sizes = [256, 128], strides = [1, 1]} : vector<256x384xf32> to vector<256x128xf32>
    %add3A_887 = arith.addf %slice3A_885, %slice3A_886 : vector<256x128xf32>
    %logistic3A_888 = arith.negf %add3A_887 : vector<256x128xf32>
    %logistic3A_889 = math.exp %logistic3A_888 : vector<256x128xf32>
    %logistic3A_890 = arith.constant 1.000000e+00 : f32
    %logistic3A_891 = vector.broadcast %logistic3A_890 : f32 to vector<256x128xf32>
    %logistic3A_892 = arith.addf %logistic3A_891, %logistic3A_889 : vector<256x128xf32>
    %logistic3A_893 = arith.divf %logistic3A_891, %logistic3A_892 : vector<256x128xf32>
    %slice3A_894 = vector.extract_strided_slice %add3A_874 {offsets = [0, 128], sizes = [256, 128], strides = [1, 1]} : vector<256x384xf32> to vector<256x128xf32>
    %slice3A_895 = vector.extract_strided_slice %add3A_884 {offsets = [0, 128], sizes = [256, 128], strides = [1, 1]} : vector<256x384xf32> to vector<256x128xf32>
    %add3A_896 = arith.addf %slice3A_894, %slice3A_895 : vector<256x128xf32>
    %logistic3A_897 = arith.negf %add3A_896 : vector<256x128xf32>
    %logistic3A_898 = math.exp %logistic3A_897 : vector<256x128xf32>
    %logistic3A_899 = arith.constant 1.000000e+00 : f32
    %logistic3A_900 = vector.broadcast %logistic3A_899 : f32 to vector<256x128xf32>
    %logistic3A_901 = arith.addf %logistic3A_900, %logistic3A_898 : vector<256x128xf32>
    %logistic3A_902 = arith.divf %logistic3A_900, %logistic3A_901 : vector<256x128xf32>
    %slice3A_903 = vector.extract_strided_slice %add3A_874 {offsets = [0, 256], sizes = [256, 128], strides = [1, 1]} : vector<256x384xf32> to vector<256x128xf32>
    %slice3A_904 = vector.extract_strided_slice %add3A_884 {offsets = [0, 256], sizes = [256, 128], strides = [1, 1]} : vector<256x384xf32> to vector<256x128xf32>
    %mul3A_905 = arith.mulf %logistic3A_893, %slice3A_904 : vector<256x128xf32>
    %add3A_906 = arith.addf %slice3A_903, %mul3A_905 : vector<256x128xf32>
    %tanh3A_907 = math.tanh %add3A_906 : vector<256x128xf32>
    %sub3A_908 = arith.subf %add3A_852, %tanh3A_907 : vector<256x128xf32>
    %mul3A_909 = arith.mulf %logistic3A_902, %sub3A_908 : vector<256x128xf32>
    %add3A_910 = arith.addf %tanh3A_907, %mul3A_909 : vector<256x128xf32>
    %transpose3A_911 = tpu.transpose %add3A_910, [1, 0] : vector<256x128xf32> -> vector<128x256xf32>
    %slice3A_912 = vector.extract_strided_slice %transpose3A_911 {offsets = [0, 0], sizes = [64, 256], strides = [1, 1]} : vector<128x256xf32> to vector<64x256xf32>
    %slice3A_913 = vector.extract_strided_slice %transpose3A_911 {offsets = [64, 0], sizes = [64, 256], strides = [1, 1]} : vector<128x256xf32> to vector<64x256xf32>
    %concatenate3A_914 = tpu.concatenate %slice3A_912, %slice3A_913 in 1 : vector<64x256xf32>, vector<64x256xf32> -> vector<64x512xf32>
    %swap3A_915 = arith.constant 960 : index
    %swap3A_916 = arith.constant 0 : index
    %swap3A_917 = vector.load %arg6[%swap3A_915, %swap3A_916] : memref<1280x512xf32, #tpu.memory_space<vmem>>, vector<64x512xf32>
    tpu.vector_store %arg6[%swap3A_915, %swap3A_916], %concatenate3A_914 {strides = array<i32>} : memref<1280x512xf32, #tpu.memory_space<vmem>>, vector<64x512xf32>,
    %get3A_918 = arith.constant 16 : index
    %get3A_919 = arith.constant 0 : index
    %get3A_920 = arith.constant 0 : index
    %get3A_921 = vector.load %arg1[%get3A_918, %get3A_919, %get3A_920] : memref<20x256x128xf32, #tpu.memory_space<vmem>>, vector<1x256x128xf32>
    %get3A_922 = vector.shape_cast %get3A_921 : vector<1x256x128xf32> to vector<256x128xf32>
    %get3A_923 = arith.constant 0 : index
    %get3A_924 = arith.constant 0 : index
    %get3A_925 = vector.load %arg2[%get3A_923, %get3A_924] : memref<128x384xf32, #tpu.memory_space<vmem>>, vector<128x384xf32>
    %dot_general3A_926 = arith.constant dense<0.000000e+00> : vector<256x384xf32>
    %dot_general3A_927 = tpu.matmul %get3A_922, %get3A_925, %dot_general3A_926 {dimension_numbers = #tpu.dot_dimension_numbers<[1], [0], [0], [1], [0, 0, 1, 1], [], []>, transpose_lhs_hint = false} : vector<256x128xf32>, vector<128x384xf32>, vector<256x384xf32> -> vector<256x384xf32>
    %get3A_928 = arith.constant 0 : index
    %get3A_929 = arith.constant 0 : index
    %get3A_930 = vector.load %arg4[%get3A_928, %get3A_929] : memref<1x384xf32, #tpu.memory_space<vmem>>, vector<1x384xf32>
    %add3A_931 = vector.broadcast %get3A_930 : vector<1x384xf32> to vector<256x384xf32>
    %add3A_932 = arith.addf %dot_general3A_927, %add3A_931 : vector<256x384xf32>
    %get3A_933 = arith.constant 0 : index
    %get3A_934 = arith.constant 0 : index
    %get3A_935 = vector.load %arg3[%get3A_933, %get3A_934] : memref<128x384xf32, #tpu.memory_space<vmem>>, vector<128x384xf32>
    %dot_general3A_936 = arith.constant dense<0.000000e+00> : vector<256x384xf32>
    %dot_general3A_937 = tpu.matmul %add3A_910, %get3A_935, %dot_general3A_936 {dimension_numbers = #tpu.dot_dimension_numbers<[1], [0], [0], [1], [0, 0, 1, 1], [], []>, transpose_lhs_hint = false} : vector<256x128xf32>, vector<128x384xf32>, vector<256x384xf32> -> vector<256x384xf32>
    %get3A_938 = arith.constant 0 : index
    %get3A_939 = arith.constant 0 : index
    %get3A_940 = vector.load %arg5[%get3A_938, %get3A_939] : memref<1x384xf32, #tpu.memory_space<vmem>>, vector<1x384xf32>
    %add3A_941 = vector.broadcast %get3A_940 : vector<1x384xf32> to vector<256x384xf32>
    %add3A_942 = arith.addf %dot_general3A_937, %add3A_941 : vector<256x384xf32>
    %slice3A_943 = vector.extract_strided_slice %add3A_932 {offsets = [0, 0], sizes = [256, 128], strides = [1, 1]} : vector<256x384xf32> to vector<256x128xf32>
    %slice3A_944 = vector.extract_strided_slice %add3A_942 {offsets = [0, 0], sizes = [256, 128], strides = [1, 1]} : vector<256x384xf32> to vector<256x128xf32>
    %add3A_945 = arith.addf %slice3A_943, %slice3A_944 : vector<256x128xf32>
    %logistic3A_946 = arith.negf %add3A_945 : vector<256x128xf32>
    %logistic3A_947 = math.exp %logistic3A_946 : vector<256x128xf32>
    %logistic3A_948 = arith.constant 1.000000e+00 : f32
    %logistic3A_949 = vector.broadcast %logistic3A_948 : f32 to vector<256x128xf32>
    %logistic3A_950 = arith.addf %logistic3A_949, %logistic3A_947 : vector<256x128xf32>
    %logistic3A_951 = arith.divf %logistic3A_949, %logistic3A_950 : vector<256x128xf32>
    %slice3A_952 = vector.extract_strided_slice %add3A_932 {offsets = [0, 128], sizes = [256, 128], strides = [1, 1]} : vector<256x384xf32> to vector<256x128xf32>
    %slice3A_953 = vector.extract_strided_slice %add3A_942 {offsets = [0, 128], sizes = [256, 128], strides = [1, 1]} : vector<256x384xf32> to vector<256x128xf32>
    %add3A_954 = arith.addf %slice3A_952, %slice3A_953 : vector<256x128xf32>
    %logistic3A_955 = arith.negf %add3A_954 : vector<256x128xf32>
    %logistic3A_956 = math.exp %logistic3A_955 : vector<256x128xf32>
    %logistic3A_957 = arith.constant 1.000000e+00 : f32
    %logistic3A_958 = vector.broadcast %logistic3A_957 : f32 to vector<256x128xf32>
    %logistic3A_959 = arith.addf %logistic3A_958, %logistic3A_956 : vector<256x128xf32>
    %logistic3A_960 = arith.divf %logistic3A_958, %logistic3A_959 : vector<256x128xf32>
    %slice3A_961 = vector.extract_strided_slice %add3A_932 {offsets = [0, 256], sizes = [256, 128], strides = [1, 1]} : vector<256x384xf32> to vector<256x128xf32>
    %slice3A_962 = vector.extract_strided_slice %add3A_942 {offsets = [0, 256], sizes = [256, 128], strides = [1, 1]} : vector<256x384xf32> to vector<256x128xf32>
    %mul3A_963 = arith.mulf %logistic3A_951, %slice3A_962 : vector<256x128xf32>
    %add3A_964 = arith.addf %slice3A_961, %mul3A_963 : vector<256x128xf32>
    %tanh3A_965 = math.tanh %add3A_964 : vector<256x128xf32>
    %sub3A_966 = arith.subf %add3A_910, %tanh3A_965 : vector<256x128xf32>
    %mul3A_967 = arith.mulf %logistic3A_960, %sub3A_966 : vector<256x128xf32>
    %add3A_968 = arith.addf %tanh3A_965, %mul3A_967 : vector<256x128xf32>
    %transpose3A_969 = tpu.transpose %add3A_968, [1, 0] : vector<256x128xf32> -> vector<128x256xf32>
    %slice3A_970 = vector.extract_strided_slice %transpose3A_969 {offsets = [0, 0], sizes = [64, 256], strides = [1, 1]} : vector<128x256xf32> to vector<64x256xf32>
    %slice3A_971 = vector.extract_strided_slice %transpose3A_969 {offsets = [64, 0], sizes = [64, 256], strides = [1, 1]} : vector<128x256xf32> to vector<64x256xf32>
    %concatenate3A_972 = tpu.concatenate %slice3A_970, %slice3A_971 in 1 : vector<64x256xf32>, vector<64x256xf32> -> vector<64x512xf32>
    %swap3A_973 = arith.constant 1024 : index
    %swap3A_974 = arith.constant 0 : index
    %swap3A_975 = vector.load %arg6[%swap3A_973, %swap3A_974] : memref<1280x512xf32, #tpu.memory_space<vmem>>, vector<64x512xf32>
    tpu.vector_store %arg6[%swap3A_973, %swap3A_974], %concatenate3A_972 {strides = array<i32>} : memref<1280x512xf32, #tpu.memory_space<vmem>>, vector<64x512xf32>,
    %get3A_976 = arith.constant 17 : index
    %get3A_977 = arith.constant 0 : index
    %get3A_978 = arith.constant 0 : index
    %get3A_979 = vector.load %arg1[%get3A_976, %get3A_977, %get3A_978] : memref<20x256x128xf32, #tpu.memory_space<vmem>>, vector<1x256x128xf32>
    %get3A_980 = vector.shape_cast %get3A_979 : vector<1x256x128xf32> to vector<256x128xf32>
    %get3A_981 = arith.constant 0 : index
    %get3A_982 = arith.constant 0 : index
    %get3A_983 = vector.load %arg2[%get3A_981, %get3A_982] : memref<128x384xf32, #tpu.memory_space<vmem>>, vector<128x384xf32>
    %dot_general3A_984 = arith.constant dense<0.000000e+00> : vector<256x384xf32>
    %dot_general3A_985 = tpu.matmul %get3A_980, %get3A_983, %dot_general3A_984 {dimension_numbers = #tpu.dot_dimension_numbers<[1], [0], [0], [1], [0, 0, 1, 1], [], []>, transpose_lhs_hint = false} : vector<256x128xf32>, vector<128x384xf32>, vector<256x384xf32> -> vector<256x384xf32>
    %get3A_986 = arith.constant 0 : index
    %get3A_987 = arith.constant 0 : index
    %get3A_988 = vector.load %arg4[%get3A_986, %get3A_987] : memref<1x384xf32, #tpu.memory_space<vmem>>, vector<1x384xf32>
    %add3A_989 = vector.broadcast %get3A_988 : vector<1x384xf32> to vector<256x384xf32>
    %add3A_990 = arith.addf %dot_general3A_985, %add3A_989 : vector<256x384xf32>
    %get3A_991 = arith.constant 0 : index
    %get3A_992 = arith.constant 0 : index
    %get3A_993 = vector.load %arg3[%get3A_991, %get3A_992] : memref<128x384xf32, #tpu.memory_space<vmem>>, vector<128x384xf32>
    %dot_general3A_994 = arith.constant dense<0.000000e+00> : vector<256x384xf32>
    %dot_general3A_995 = tpu.matmul %add3A_968, %get3A_993, %dot_general3A_994 {dimension_numbers = #tpu.dot_dimension_numbers<[1], [0], [0], [1], [0, 0, 1, 1], [], []>, transpose_lhs_hint = false} : vector<256x128xf32>, vector<128x384xf32>, vector<256x384xf32> -> vector<256x384xf32>
    %get3A_996 = arith.constant 0 : index
    %get3A_997 = arith.constant 0 : index
    %get3A_998 = vector.load %arg5[%get3A_996, %get3A_997] : memref<1x384xf32, #tpu.memory_space<vmem>>, vector<1x384xf32>
    %add3A_999 = vector.broadcast %get3A_998 : vector<1x384xf32> to vector<256x384xf32>
    %add3A_1000 = arith.addf %dot_general3A_995, %add3A_999 : vector<256x384xf32>
    %slice3A_1001 = vector.extract_strided_slice %add3A_990 {offsets = [0, 0], sizes = [256, 128], strides = [1, 1]} : vector<256x384xf32> to vector<256x128xf32>
    %slice3A_1002 = vector.extract_strided_slice %add3A_1000 {offsets = [0, 0], sizes = [256, 128], strides = [1, 1]} : vector<256x384xf32> to vector<256x128xf32>
    %add3A_1003 = arith.addf %slice3A_1001, %slice3A_1002 : vector<256x128xf32>
    %logistic3A_1004 = arith.negf %add3A_1003 : vector<256x128xf32>
    %logistic3A_1005 = math.exp %logistic3A_1004 : vector<256x128xf32>
    %logistic3A_1006 = arith.constant 1.000000e+00 : f32
    %logistic3A_1007 = vector.broadcast %logistic3A_1006 : f32 to vector<256x128xf32>
    %logistic3A_1008 = arith.addf %logistic3A_1007, %logistic3A_1005 : vector<256x128xf32>
    %logistic3A_1009 = arith.divf %logistic3A_1007, %logistic3A_1008 : vector<256x128xf32>
    %slice3A_1010 = vector.extract_strided_slice %add3A_990 {offsets = [0, 128], sizes = [256, 128], strides = [1, 1]} : vector<256x384xf32> to vector<256x128xf32>
    %slice3A_1011 = vector.extract_strided_slice %add3A_1000 {offsets = [0, 128], sizes = [256, 128], strides = [1, 1]} : vector<256x384xf32> to vector<256x128xf32>
    %add3A_1012 = arith.addf %slice3A_1010, %slice3A_1011 : vector<256x128xf32>
    %logistic3A_1013 = arith.negf %add3A_1012 : vector<256x128xf32>
    %logistic3A_1014 = math.exp %logistic3A_1013 : vector<256x128xf32>
    %logistic3A_1015 = arith.constant 1.000000e+00 : f32
    %logistic3A_1016 = vector.broadcast %logistic3A_1015 : f32 to vector<256x128xf32>
    %logistic3A_1017 = arith.addf %logistic3A_1016, %logistic3A_1014 : vector<256x128xf32>
    %logistic3A_1018 = arith.divf %logistic3A_1016, %logistic3A_1017 : vector<256x128xf32>
    %slice3A_1019 = vector.extract_strided_slice %add3A_990 {offsets = [0, 256], sizes = [256, 128], strides = [1, 1]} : vector<256x384xf32> to vector<256x128xf32>
    %slice3A_1020 = vector.extract_strided_slice %add3A_1000 {offsets = [0, 256], sizes = [256, 128], strides = [1, 1]} : vector<256x384xf32> to vector<256x128xf32>
    %mul3A_1021 = arith.mulf %logistic3A_1009, %slice3A_1020 : vector<256x128xf32>
    %add3A_1022 = arith.addf %slice3A_1019, %mul3A_1021 : vector<256x128xf32>
    %tanh3A_1023 = math.tanh %add3A_1022 : vector<256x128xf32>
    %sub3A_1024 = arith.subf %add3A_968, %tanh3A_1023 : vector<256x128xf32>
    %mul3A_1025 = arith.mulf %logistic3A_1018, %sub3A_1024 : vector<256x128xf32>
    %add3A_1026 = arith.addf %tanh3A_1023, %mul3A_1025 : vector<256x128xf32>
    %transpose3A_1027 = tpu.transpose %add3A_1026, [1, 0] : vector<256x128xf32> -> vector<128x256xf32>
    %slice3A_1028 = vector.extract_strided_slice %transpose3A_1027 {offsets = [0, 0], sizes = [64, 256], strides = [1, 1]} : vector<128x256xf32> to vector<64x256xf32>
    %slice3A_1029 = vector.extract_strided_slice %transpose3A_1027 {offsets = [64, 0], sizes = [64, 256], strides = [1, 1]} : vector<128x256xf32> to vector<64x256xf32>
    %concatenate3A_1030 = tpu.concatenate %slice3A_1028, %slice3A_1029 in 1 : vector<64x256xf32>, vector<64x256xf32> -> vector<64x512xf32>
    %swap3A_1031 = arith.constant 1088 : index
    %swap3A_1032 = arith.constant 0 : index
    %swap3A_1033 = vector.load %arg6[%swap3A_1031, %swap3A_1032] : memref<1280x512xf32, #tpu.memory_space<vmem>>, vector<64x512xf32>
    tpu.vector_store %arg6[%swap3A_1031, %swap3A_1032], %concatenate3A_1030 {strides = array<i32>} : memref<1280x512xf32, #tpu.memory_space<vmem>>, vector<64x512xf32>,
    %get3A_1034 = arith.constant 18 : index
    %get3A_1035 = arith.constant 0 : index
    %get3A_1036 = arith.constant 0 : index
    %get3A_1037 = vector.load %arg1[%get3A_1034, %get3A_1035, %get3A_1036] : memref<20x256x128xf32, #tpu.memory_space<vmem>>, vector<1x256x128xf32>
    %get3A_1038 = vector.shape_cast %get3A_1037 : vector<1x256x128xf32> to vector<256x128xf32>
    %get3A_1039 = arith.constant 0 : index
    %get3A_1040 = arith.constant 0 : index
    %get3A_1041 = vector.load %arg2[%get3A_1039, %get3A_1040] : memref<128x384xf32, #tpu.memory_space<vmem>>, vector<128x384xf32>
    %dot_general3A_1042 = arith.constant dense<0.000000e+00> : vector<256x384xf32>
    %dot_general3A_1043 = tpu.matmul %get3A_1038, %get3A_1041, %dot_general3A_1042 {dimension_numbers = #tpu.dot_dimension_numbers<[1], [0], [0], [1], [0, 0, 1, 1], [], []>, transpose_lhs_hint = false} : vector<256x128xf32>, vector<128x384xf32>, vector<256x384xf32> -> vector<256x384xf32>
    %get3A_1044 = arith.constant 0 : index
    %get3A_1045 = arith.constant 0 : index
    %get3A_1046 = vector.load %arg4[%get3A_1044, %get3A_1045] : memref<1x384xf32, #tpu.memory_space<vmem>>, vector<1x384xf32>
    %add3A_1047 = vector.broadcast %get3A_1046 : vector<1x384xf32> to vector<256x384xf32>
    %add3A_1048 = arith.addf %dot_general3A_1043, %add3A_1047 : vector<256x384xf32>
    %get3A_1049 = arith.constant 0 : index
    %get3A_1050 = arith.constant 0 : index
    %get3A_1051 = vector.load %arg3[%get3A_1049, %get3A_1050] : memref<128x384xf32, #tpu.memory_space<vmem>>, vector<128x384xf32>
    %dot_general3A_1052 = arith.constant dense<0.000000e+00> : vector<256x384xf32>
    %dot_general3A_1053 = tpu.matmul %add3A_1026, %get3A_1051, %dot_general3A_1052 {dimension_numbers = #tpu.dot_dimension_numbers<[1], [0], [0], [1], [0, 0, 1, 1], [], []>, transpose_lhs_hint = false} : vector<256x128xf32>, vector<128x384xf32>, vector<256x384xf32> -> vector<256x384xf32>
    %get3A_1054 = arith.constant 0 : index
    %get3A_1055 = arith.constant 0 : index
    %get3A_1056 = vector.load %arg5[%get3A_1054, %get3A_1055] : memref<1x384xf32, #tpu.memory_space<vmem>>, vector<1x384xf32>
    %add3A_1057 = vector.broadcast %get3A_1056 : vector<1x384xf32> to vector<256x384xf32>
    %add3A_1058 = arith.addf %dot_general3A_1053, %add3A_1057 : vector<256x384xf32>
    %slice3A_1059 = vector.extract_strided_slice %add3A_1048 {offsets = [0, 0], sizes = [256, 128], strides = [1, 1]} : vector<256x384xf32> to vector<256x128xf32>
    %slice3A_1060 = vector.extract_strided_slice %add3A_1058 {offsets = [0, 0], sizes = [256, 128], strides = [1, 1]} : vector<256x384xf32> to vector<256x128xf32>
    %add3A_1061 = arith.addf %slice3A_1059, %slice3A_1060 : vector<256x128xf32>
    %logistic3A_1062 = arith.negf %add3A_1061 : vector<256x128xf32>
    %logistic3A_1063 = math.exp %logistic3A_1062 : vector<256x128xf32>
    %logistic3A_1064 = arith.constant 1.000000e+00 : f32
    %logistic3A_1065 = vector.broadcast %logistic3A_1064 : f32 to vector<256x128xf32>
    %logistic3A_1066 = arith.addf %logistic3A_1065, %logistic3A_1063 : vector<256x128xf32>
    %logistic3A_1067 = arith.divf %logistic3A_1065, %logistic3A_1066 : vector<256x128xf32>
    %slice3A_1068 = vector.extract_strided_slice %add3A_1048 {offsets = [0, 128], sizes = [256, 128], strides = [1, 1]} : vector<256x384xf32> to vector<256x128xf32>
    %slice3A_1069 = vector.extract_strided_slice %add3A_1058 {offsets = [0, 128], sizes = [256, 128], strides = [1, 1]} : vector<256x384xf32> to vector<256x128xf32>
    %add3A_1070 = arith.addf %slice3A_1068, %slice3A_1069 : vector<256x128xf32>
    %logistic3A_1071 = arith.negf %add3A_1070 : vector<256x128xf32>
    %logistic3A_1072 = math.exp %logistic3A_1071 : vector<256x128xf32>
    %logistic3A_1073 = arith.constant 1.000000e+00 : f32
    %logistic3A_1074 = vector.broadcast %logistic3A_1073 : f32 to vector<256x128xf32>
    %logistic3A_1075 = arith.addf %logistic3A_1074, %logistic3A_1072 : vector<256x128xf32>
    %logistic3A_1076 = arith.divf %logistic3A_1074, %logistic3A_1075 : vector<256x128xf32>
    %slice3A_1077 = vector.extract_strided_slice %add3A_1048 {offsets = [0, 256], sizes = [256, 128], strides = [1, 1]} : vector<256x384xf32> to vector<256x128xf32>
    %slice3A_1078 = vector.extract_strided_slice %add3A_1058 {offsets = [0, 256], sizes = [256, 128], strides = [1, 1]} : vector<256x384xf32> to vector<256x128xf32>
    %mul3A_1079 = arith.mulf %logistic3A_1067, %slice3A_1078 : vector<256x128xf32>
    %add3A_1080 = arith.addf %slice3A_1077, %mul3A_1079 : vector<256x128xf32>
    %tanh3A_1081 = math.tanh %add3A_1080 : vector<256x128xf32>
    %sub3A_1082 = arith.subf %add3A_1026, %tanh3A_1081 : vector<256x128xf32>
    %mul3A_1083 = arith.mulf %logistic3A_1076, %sub3A_1082 : vector<256x128xf32>
    %add3A_1084 = arith.addf %tanh3A_1081, %mul3A_1083 : vector<256x128xf32>
    %transpose3A_1085 = tpu.transpose %add3A_1084, [1, 0] : vector<256x128xf32> -> vector<128x256xf32>
    %slice3A_1086 = vector.extract_strided_slice %transpose3A_1085 {offsets = [0, 0], sizes = [64, 256], strides = [1, 1]} : vector<128x256xf32> to vector<64x256xf32>
    %slice3A_1087 = vector.extract_strided_slice %transpose3A_1085 {offsets = [64, 0], sizes = [64, 256], strides = [1, 1]} : vector<128x256xf32> to vector<64x256xf32>
    %concatenate3A_1088 = tpu.concatenate %slice3A_1086, %slice3A_1087 in 1 : vector<64x256xf32>, vector<64x256xf32> -> vector<64x512xf32>
    %swap3A_1089 = arith.constant 1152 : index
    %swap3A_1090 = arith.constant 0 : index
    %swap3A_1091 = vector.load %arg6[%swap3A_1089, %swap3A_1090] : memref<1280x512xf32, #tpu.memory_space<vmem>>, vector<64x512xf32>
    tpu.vector_store %arg6[%swap3A_1089, %swap3A_1090], %concatenate3A_1088 {strides = array<i32>} : memref<1280x512xf32, #tpu.memory_space<vmem>>, vector<64x512xf32>,
    %get3A_1092 = arith.constant 19 : index
    %get3A_1093 = arith.constant 0 : index
    %get3A_1094 = arith.constant 0 : index
    %get3A_1095 = vector.load %arg1[%get3A_1092, %get3A_1093, %get3A_1094] : memref<20x256x128xf32, #tpu.memory_space<vmem>>, vector<1x256x128xf32>
    %get3A_1096 = vector.shape_cast %get3A_1095 : vector<1x256x128xf32> to vector<256x128xf32>
    %get3A_1097 = arith.constant 0 : index
    %get3A_1098 = arith.constant 0 : index
    %get3A_1099 = vector.load %arg2[%get3A_1097, %get3A_1098] : memref<128x384xf32, #tpu.memory_space<vmem>>, vector<128x384xf32>
    %dot_general3A_1100 = arith.constant dense<0.000000e+00> : vector<256x384xf32>
    %dot_general3A_1101 = tpu.matmul %get3A_1096, %get3A_1099, %dot_general3A_1100 {dimension_numbers = #tpu.dot_dimension_numbers<[1], [0], [0], [1], [0, 0, 1, 1], [], []>, transpose_lhs_hint = false} : vector<256x128xf32>, vector<128x384xf32>, vector<256x384xf32> -> vector<256x384xf32>
    %get3A_1102 = arith.constant 0 : index
    %get3A_1103 = arith.constant 0 : index
    %get3A_1104 = vector.load %arg4[%get3A_1102, %get3A_1103] : memref<1x384xf32, #tpu.memory_space<vmem>>, vector<1x384xf32>
    %add3A_1105 = vector.broadcast %get3A_1104 : vector<1x384xf32> to vector<256x384xf32>
    %add3A_1106 = arith.addf %dot_general3A_1101, %add3A_1105 : vector<256x384xf32>
    %get3A_1107 = arith.constant 0 : index
    %get3A_1108 = arith.constant 0 : index
    %get3A_1109 = vector.load %arg3[%get3A_1107, %get3A_1108] : memref<128x384xf32, #tpu.memory_space<vmem>>, vector<128x384xf32>
    %dot_general3A_1110 = arith.constant dense<0.000000e+00> : vector<256x384xf32>
    %dot_general3A_1111 = tpu.matmul %add3A_1084, %get3A_1109, %dot_general3A_1110 {dimension_numbers = #tpu.dot_dimension_numbers<[1], [0], [0], [1], [0, 0, 1, 1], [], []>, transpose_lhs_hint = false} : vector<256x128xf32>, vector<128x384xf32>, vector<256x384xf32> -> vector<256x384xf32>
    %get3A_1112 = arith.constant 0 : index
    %get3A_1113 = arith.constant 0 : index
    %get3A_1114 = vector.load %arg5[%get3A_1112, %get3A_1113] : memref<1x384xf32, #tpu.memory_space<vmem>>, vector<1x384xf32>
    %add3A_1115 = vector.broadcast %get3A_1114 : vector<1x384xf32> to vector<256x384xf32>
    %add3A_1116 = arith.addf %dot_general3A_1111, %add3A_1115 : vector<256x384xf32>
    %slice3A_1117 = vector.extract_strided_slice %add3A_1106 {offsets = [0, 0], sizes = [256, 128], strides = [1, 1]} : vector<256x384xf32> to vector<256x128xf32>
    %slice3A_1118 = vector.extract_strided_slice %add3A_1116 {offsets = [0, 0], sizes = [256, 128], strides = [1, 1]} : vector<256x384xf32> to vector<256x128xf32>
    %add3A_1119 = arith.addf %slice3A_1117, %slice3A_1118 : vector<256x128xf32>
    %logistic3A_1120 = arith.negf %add3A_1119 : vector<256x128xf32>
    %logistic3A_1121 = math.exp %logistic3A_1120 : vector<256x128xf32>
    %logistic3A_1122 = arith.constant 1.000000e+00 : f32
    %logistic3A_1123 = vector.broadcast %logistic3A_1122 : f32 to vector<256x128xf32>
    %logistic3A_1124 = arith.addf %logistic3A_1123, %logistic3A_1121 : vector<256x128xf32>
    %logistic3A_1125 = arith.divf %logistic3A_1123, %logistic3A_1124 : vector<256x128xf32>
    %slice3A_1126 = vector.extract_strided_slice %add3A_1106 {offsets = [0, 128], sizes = [256, 128], strides = [1, 1]} : vector<256x384xf32> to vector<256x128xf32>
    %slice3A_1127 = vector.extract_strided_slice %add3A_1116 {offsets = [0, 128], sizes = [256, 128], strides = [1, 1]} : vector<256x384xf32> to vector<256x128xf32>
    %add3A_1128 = arith.addf %slice3A_1126, %slice3A_1127 : vector<256x128xf32>
    %logistic3A_1129 = arith.negf %add3A_1128 : vector<256x128xf32>
    %logistic3A_1130 = math.exp %logistic3A_1129 : vector<256x128xf32>
    %logistic3A_1131 = arith.constant 1.000000e+00 : f32
    %logistic3A_1132 = vector.broadcast %logistic3A_1131 : f32 to vector<256x128xf32>
    %logistic3A_1133 = arith.addf %logistic3A_1132, %logistic3A_1130 : vector<256x128xf32>
    %logistic3A_1134 = arith.divf %logistic3A_1132, %logistic3A_1133 : vector<256x128xf32>
    %slice3A_1135 = vector.extract_strided_slice %add3A_1106 {offsets = [0, 256], sizes = [256, 128], strides = [1, 1]} : vector<256x384xf32> to vector<256x128xf32>
    %slice3A_1136 = vector.extract_strided_slice %add3A_1116 {offsets = [0, 256], sizes = [256, 128], strides = [1, 1]} : vector<256x384xf32> to vector<256x128xf32>
    %mul3A_1137 = arith.mulf %logistic3A_1125, %slice3A_1136 : vector<256x128xf32>
    %add3A_1138 = arith.addf %slice3A_1135, %mul3A_1137 : vector<256x128xf32>
    %tanh3A_1139 = math.tanh %add3A_1138 : vector<256x128xf32>
    %sub3A_1140 = arith.subf %add3A_1084, %tanh3A_1139 : vector<256x128xf32>
    %mul3A_1141 = arith.mulf %logistic3A_1134, %sub3A_1140 : vector<256x128xf32>
    %add3A_1142 = arith.addf %tanh3A_1139, %mul3A_1141 : vector<256x128xf32>
    %transpose3A_1143 = tpu.transpose %add3A_1142, [1, 0] : vector<256x128xf32> -> vector<128x256xf32>
    %slice3A_1144 = vector.extract_strided_slice %transpose3A_1143 {offsets = [0, 0], sizes = [64, 256], strides = [1, 1]} : vector<128x256xf32> to vector<64x256xf32>
    %slice3A_1145 = vector.extract_strided_slice %transpose3A_1143 {offsets = [64, 0], sizes = [64, 256], strides = [1, 1]} : vector<128x256xf32> to vector<64x256xf32>
    %concatenate3A_1146 = tpu.concatenate %slice3A_1144, %slice3A_1145 in 1 : vector<64x256xf32>, vector<64x256xf32> -> vector<64x512xf32>
    %swap3A_1147 = arith.constant 1216 : index
    %swap3A_1148 = arith.constant 0 : index
    %swap3A_1149 = vector.load %arg6[%swap3A_1147, %swap3A_1148] : memref<1280x512xf32, #tpu.memory_space<vmem>>, vector<64x512xf32>
    tpu.vector_store %arg6[%swap3A_1147, %swap3A_1148], %concatenate3A_1146 {strides = array<i32>} : memref<1280x512xf32, #tpu.memory_space<vmem>>, vector<64x512xf32>,
    %transpose3A_1150 = tpu.transpose %add3A_1142, [1, 0] : vector<256x128xf32> -> vector<128x256xf32>
    %slice3A_1151 = vector.extract_strided_slice %transpose3A_1150 {offsets = [0, 0], sizes = [64, 256], strides = [1, 1]} : vector<128x256xf32> to vector<64x256xf32>
    %slice3A_1152 = vector.extract_strided_slice %transpose3A_1150 {offsets = [64, 0], sizes = [64, 256], strides = [1, 1]} : vector<128x256xf32> to vector<64x256xf32>
    %concatenate3A_1153 = tpu.concatenate %slice3A_1151, %slice3A_1152 in 1 : vector<64x256xf32>, vector<64x256xf32> -> vector<64x512xf32>
    %swap3A_1154 = arith.constant 0 : index
    %swap3A_1155 = arith.constant 0 : index
    %swap3A_1156 = vector.load %arg7[%swap3A_1154, %swap3A_1155] : memref<64x512xf32, #tpu.memory_space<vmem>>, vector<64x512xf32>
    tpu.vector_store %arg7[%swap3A_1154, %swap3A_1155], %concatenate3A_1153 {strides = array<i32>} : memref<64x512xf32, #tpu.memory_space<vmem>>, vector<64x512xf32>,
    return
  }
  func.func @transform_0(%arg0: i32) -> (i32, i32, i32) {
    %c0_i32 = arith.constant 0 : i32
    %c0_i32_0 = arith.constant 0 : i32
    %c0_i32_1 = arith.constant 0 : i32
    return %c0_i32, %arg0, %c0_i32_0 : i32, i32, i32
  }
  func.func @transform_1(%arg0: i32) -> (i32, i32) {
    %c0_i32 = arith.constant 0 : i32
    %c0_i32_0 = arith.constant 0 : i32
    %c0_i32_1 = arith.constant 0 : i32
    return %c0_i32, %c0_i32_0 : i32, i32
  }
  func.func @transform_2(%arg0: i32) -> (i32, i32) {
    %c0_i32 = arith.constant 0 : i32
    %c0_i32_0 = arith.constant 0 : i32
    %c0_i32_1 = arith.constant 0 : i32
    return %c0_i32, %c0_i32_0 : i32, i32
  }
  func.func @transform_3(%arg0: i32) -> (i32, i32) {
    %c0_i32 = arith.constant 0 : i32
    %c0_i32_0 = arith.constant 0 : i32
    %c0_i32_1 = arith.constant 0 : i32
    return %c0_i32, %c0_i32_0 : i32, i32
  }
  func.func @transform_4(%arg0: i32) -> (i32, i32) {
    %c0_i32 = arith.constant 0 : i32
    %c0_i32_0 = arith.constant 0 : i32
    %c0_i32_1 = arith.constant 0 : i32
    return %c0_i32, %c0_i32_0 : i32, i32
  }
  func.func @transform_5(%arg0: i32) -> (i32, i32) {
    %c0_i32 = arith.constant 0 : i32
    %c0_i32_0 = arith.constant 0 : i32
    return %c0_i32, %arg0 : i32, i32
  }
  func.func @transform_6(%arg0: i32) -> (i32, i32) {
    %c0_i32 = arith.constant 0 : i32
    %c0_i32_0 = arith.constant 0 : i32
    return %c0_i32, %arg0 : i32, i32
  }
}

</mosaic_0001>

<sc_bundles>
// kernel: kernel.4.cloned.1.call-start
scs
__scs_entry_jumppad:
0x0: {  	(pc) =	sbr.rel $0x88, $3  }
0x1: {  	(tag) =	ssettag $0x0;
	lr =	simm.s32 $0x1  }
0x2: {  	[smem:$0x3F9B] =	sst lr;
	_ =	strace $0xD0000000  }
0x3: {  	_ = 	snop  }
0x4: {  	_ = 	snop  }
0x5: {  	_ = 	snop  }
0x6: {  	_ = 	snop  }
0x7: {  	_ = 	snop  }
__scs_overlays_trampoline_lowered:
0x8: {  	[smem:$0x3FAA] =	sst s0  }
0x9: {  	[smem:$0x3FAB] =	sst s1  }
0xa: {  	[smem:$0x3FAC] =	sst s2  }
0xb: {  	[smem:$0x3FAD] =	sst s3  }
0xc: {  	[smem:$0x3FAE] =	sst s4  }
0xd: {  	[smem:$0x3FAF] =	sst s5  }
0xe: {  	[smem:$0x3FB0] =	sst s6  }
0xf: {  	[smem:$0x3FB1] =	sst s7  }
0x10: {  	[smem:$0x3FB2] =	sst s8  }
0x11: {  	[smem:$0x3FB3] =	sst s9;
	s0 =	simm.s32 @!p0 $0x0  }
0x12: {  	s1 =	sld [smem:$0x3F99];
	s0 =	simm.s32 @p0 $0x1  }
0x13: {  	[smem:$0x3FB4] =	sst s0;
	s0 =	simm.s32 @!p1 $0x0  }
0x14: {  	s2 =	sld [smem:$0x3F98];
	s0 =	simm.s32 @p1 $0x1  }
0x15: {  	[smem:$0x3FB5] =	sst s0;
	s0 =	simm.s32 @!p2 $0x0  }
0x16: {  	s3 =	sld [smem:$0x3FDB];
	s0 =	simm.s32 @p2 $0x1  }
0x17: {  	s4 =	simm.s32 $0x1BF5;
	[smem:$0x3FB7] =	sst s0  }
0x18: {  	s0 =	sld [smem:$0x3F9A];
	_ =	swait.ge [sflag:s4], $0x0  }
0x19: {  	s7 =	sld [smem:$0x3F9B]  }
0x1a: {  	s8 =	sadd.s32 $0xFFFFE003, lr  }
0x1b: {  	s9 =	sadd.s32 $0xFFFFFEF7, lr;
	s5 =	simm.s32 $0xFFFFFFFF;
	p2 =	slt.u32 s8, $0xFFFFF086  }
0x1c: {  	p1 =	slt.u32 s9, $0xF7A;
	s5 =	simm.s32 @!p2 $0x0  }
0x1d: {  	s5 =	simm.s32 @p1 $0x1;
	p0 =	seq.s32 s7, s2  }
0x1e: {  	s7 =	smul.u32 @!p0 $0xF7A, s2;
	p2 =	seq.s32 @!p0 s5, $0x0  }
0x1f: {  	s9 =	smul.u32 $0xF7A, s1;
	s8 =	simm.s32 @!p0 $0x1BF5;
	p2 =	por !p2, p0  }
0x20: {  	[sflag:s8] =	ssyncset.s32 @!p0 $0xFFFFF086;
	s6 =	sadd.s32 @!p0 s3, s7;
	s7 =	simm.s32 @!p0 $0x108  }
0x21: {  	s3 =	sadd.s32 s3, s9;
	s6 =	sadd.s32 @!p0 $0x88, s6;
	s7 =	simm.s32 @p2 $0x1082  }
0x22: {  	[simem:s7], [sflag:s8] =	dma.local @!p0 [hbm:s6], $0xF7A  }
0x23: {  	s9 =	sor.u32 $0xD0000000, s2;
	s6 =	simm.s32 $0x108;
	_ =	swait.ge @!p0 [sflag:s8], $0x0  }
0x24: {  	s3 =	sadd.s32 $0x88, s3;
	s6 =	simm.s32 @!p1 $0x1082;
	[sflag:s4] =	ssyncset.s32 $0xFFFFF086  }
0x25: {  	[simem:s6], [sflag:s4] =	dma.local [hbm:s3], $0xF7A  }
0x26: {  	[smem:$0x3F9B] =	sst s1;
	(tag) =	ssettag s2;
	_ =	strace s9  }
0x27: {  	s1 =	sld [smem:$0x3FAB]  }
0x28: {  	s2 =	sld [smem:$0x3FAC]  }
0x29: {  	s4 =	sld [smem:$0x3FAE]  }
0x2a: {  	p0 =	seq.s32 s5, $0x0;
	s5 =	sld [smem:$0x3FAF]  }
0x2b: {  	s6 =	sld [smem:$0x3FB0]  }
0x2c: {  	s7 =	sld [smem:$0x3FB1]  }
0x2d: {  	s3 =	simm.s32 $0x108;
	s8 =	sld [smem:$0x3FB2]  }
0x2e: {  	s3 =	simm.s32 @!p0 $0x1082;
	s9 =	sld [smem:$0x3FB3]  }
0x2f: {  	lr =	sadd.s32 s0, s3;
	s0 =	sld [smem:$0x3FAA]  }
0x30: {  	s3 =	sld [smem:$0x3FAD]  }
0x31: {  	[smem:$0x3FB6] =	sst s10  }
0x32: {  	s10 =	sld [smem:$0x3FB4];
	_ =	sdelay $0x3  }
0x33: {  	p0 =	seq.s32 s10, $0x1;
	s10 =	sld [smem:$0x3FB6];
	_ =	sdelay $0x3  }
0x34: {  	[smem:$0x3FB6] =	sst s10  }
0x35: {  	s10 =	sld [smem:$0x3FB5];
	_ =	sdelay $0x3  }
0x36: {  	p1 =	seq.s32 s10, $0x1;
	s10 =	sld [smem:$0x3FB6];
	_ =	sdelay $0x3  }
0x37: {  	[smem:$0x3FB6] =	sst s10  }
0x38: {  	s10 =	sld [smem:$0x3FB7]  }
0x39: {  	_ = 	snop;
	(pc) =	sbr.ind lr, $3  }
0x3a: {  	_ = 	snop  }
0x3b: {  	_ = 	snop  }
0x3c: {  	p2 =	seq.s32 s10, $0x1;
	s10 =	sld [smem:$0x3FB6]  }
0x3d: {  	_ =	shalt  }
0x3e: {  	_ =	shalt  }
0x3f: {  	_ =	shalt  }
0x40: {  	_ =	shalt  }
0x41: {  	_ =	shalt  }
0x42: {  	_ =	shalt  }
0x43: {  	_ =	shalt  }
0x44: {  	_ =	shalt  }
0x45: {  	_ =	shalt  }
0x46: {  	_ =	shalt  }
0x47: {  	_ =	shalt  }
0x48: {  	_ =	shalt  }
0x49: {  	_ =	shalt  }
0x4a: {  	_ =	shalt  }
0x4b: {  	_ =	shalt  }
0x4c: {  	_ =	shalt  }
0x4d: {  	_ =	shalt  }
0x4e: {  	_ =	shalt  }
0x4f: {  	_ =	shalt  }
0x50: {  	_ =	shalt  }
0x51: {  	_ =	shalt  }
0x52: {  	_ =	shalt  }
0x53: {  	_ =	shalt  }
0x54: {  	_ =	shalt  }
0x55: {  	_ =	shalt  }
0x56: {  	_ =	shalt  }
0x57: {  	_ =	shalt  }
0x58: {  	_ =	shalt  }
0x59: {  	_ =	shalt  }
0x5a: {  	_ =	shalt  }
0x5b: {  	_ =	shalt  }
0x5c: {  	_ =	shalt  }
0x5d: {  	_ =	shalt  }
0x5e: {  	_ =	shalt  }
0x5f: {  	_ =	shalt  }
0x60: {  	_ =	shalt  }
0x61: {  	_ =	shalt  }
0x62: {  	_ =	shalt  }
0x63: {  	_ =	shalt  }
0x64: {  	_ =	shalt  }
0x65: {  	_ =	shalt  }
0x66: {  	_ =	shalt  }
0x67: {  	_ =	shalt  }
0x68: {  	_ =	shalt  }
0x69: {  	_ =	shalt  }
0x6a: {  	_ =	shalt  }
0x6b: {  	_ =	shalt  }
0x6c: {  	_ =	shalt  }
0x6d: {  	_ =	shalt  }
0x6e: {  	_ =	shalt  }
0x6f: {  	_ =	shalt  }
0x70: {  	_ =	shalt  }
0x71: {  	_ =	shalt  }
0x72: {  	_ =	shalt  }
0x73: {  	_ =	shalt  }
0x74: {  	_ =	shalt  }
0x75: {  	_ =	shalt  }
0x76: {  	_ =	shalt  }
0x77: {  	_ =	shalt  }
0x78: {  	_ =	shalt  }
0x79: {  	_ =	shalt  }
0x7a: {  	_ =	shalt  }
0x7b: {  	_ =	shalt  }
0x7c: {  	_ =	shalt  }
0x7d: {  	_ =	shalt  }
0x7e: {  	_ =	shalt  }
0x7f: {  	_ =	shalt  }
0x80: {  	_ =	shalt  }
0x81: {  	_ =	shalt  }
0x82: {  	_ =	shalt  }
0x83: {  	_ =	shalt  }
0x84: {  	_ =	shalt  }
0x85: {  	_ =	shalt  }
0x86: {  	_ =	shalt  }
0x87: {  	_ =	shalt  }
.Lfunc_end0:
.L_simem_size_0:
called_computation_lowered:
.L_overlay_start_0:
0x88: {  	s2 =	sld [smem:$0x3FD9]  }
0x89: {  	s3 =	sld [smem:$0x3FFE];
	_ =	sdelay $0x1  }
0x8a: {  	s1 =	srdreg.scid  }
0x8b: {  	s0 =	sand.u32 $0x1, s1  }
0x8c: {  	s15 =	sshll.u32 s0, $0xA;
	s2 =	sadd.s32 s3, s2  }
0x8d: {  	s2 =	sadd.s32 s2, s15  }
0x8e: {  	[smem:$0x3FC2] =	sst s2  }
0x8f: {  	_ = 	snop  }
0x90: {  	s2 =	sld [smem:$0x3FD0];
	_ =	sdelay $0x2  }
0x91: {  	s4 =	simm.s32 $0xA;
	s5 =	simm.s32 $0x10;
	s16 =	sld [smem:$0x3FC8]  }
0x92: {  	[smem:s5], [sflag:s4] =	dma.local [hbm:s2], $0x1  }
0x93: {  	_ =	swait.eq [sflag:s4], $0x1  }
0x94: {  	[sflag:s4] =	ssyncset.done $0x0  }
0x95: {  	s17 =	sld [smem:$0x10];
	[sflag:s4] =	ssyncadd.s32 $0xFFFFFFFF  }
0x96: {  	s18 =	sld [smem:$0x11];
	(tm) =	ssettm $0x1  }
0x97: {  	s19 =	sld [smem:$0x3FFB];
	_ =	sdelay $0x3  }
0x98: {  	_ =	strace s19  }
0x99: {  	s5 =	sld [smem:$0x3FFC];
	_ =	sdelay $0x3  }
0x9a: {  	_ =	strace s5  }
0x9b: {  	s5 =	sld [smem:$0x3FFD];
	_ =	sdelay $0x3  }
0x9c: {  	_ =	strace s5  }
0x9d: {  	_ =	strace $0x8FFFFFFF  }
0x9e: {  	s20 =	sld [smem:$0x3FDB];
	_ =	sdelay $0x1  }
0x9f: {  	s6 =	simm.s32 $_scs_section_size  }
0xa0: {  	s7 =	simm.s32 $_size__tile_overlayer_lowered;
	s8 =	simm.s32 $_tile_overlayer_lowered  }
0xa1: {  	s23 =	simm.s32 $0x1BFF;
	s22 =	sshll.u32 s8, $0x1;
	s5 =	sadd.s32 s6, s20  }
0xa2: {  	s9 =	simm.s32 $0x0;
	s21 =	sshll.u32 s7, $0x1;
	s7 =	sadd.s32 s22, s5  }
0xa3: {  	[timem:s9], [sflag:s23] =	dma.local [hbm:s7], s21  }
0xa4: {  	_ =	swait.ge [sflag:s23], s21  }
0xa5: {  	s6 =	ssub.s32 $0x0, s21;
	[sflag:s23] =	ssyncset.done $0x0  }
0xa6: {  	[sflag:s23] =	ssyncadd.s32 s6;
	_ =	sdelay $0x1  }
0xa7: {  	s24 =	simm.s32 $0x1B8B  }
0xa8: {  	_ =	swait.ge [sflag:s24], $0x1  }
0xa9: {  	[sflag:s24] =	ssyncset.done $0x0  }
0xaa: {  	s25 =	simm.s32 $0x1B8E;
	[sflag:s24] =	ssyncadd.s32 $0xFFFFFFFF  }
0xab: {  	s26 =	simm.s32 $execute0_lowered;
	[smem:$0x3FD2] =	sst s25  }
0xac: {  	s6 =	sshll.u32 s26, $0x1;
	_ =	strace $0x80000046;
	[dreg:$0x1] =	wrdreg $0xFFFFFFFF  }
0xad: {  	s28 =	simm.s32 $_size_execute0_lowered;
	s5 =	sadd.s32 s5, s6;
	[dreg:$0x0] =	wrdreg $0x0  }
0xae: {  	s6 =	sshll.u32 s28, $0x1;
	[dreg:$0x2] =	wrdreg s5  }
0xaf: {  	[dreg:$0x3] =	wrdreg s6  }
0xb0: {  	[dreg:$0x4] =	wrdreg $0xC0  }
0xb1: {  	_ =	task [dreg:s9], $0x5FFFF  }
0xb2: {  	[dreg:$0x1] =	wrdreg $0xFFFFFFFF  }
0xb3: {  	[dreg:$0x0] =	wrdreg $0x60  }
0xb4: {  	[dreg:$0x2] =	wrdreg s16  }
0xb5: {  	[dreg:$0x3] =	wrdreg s18  }
0xb6: {  	[dreg:$0x4] =	wrdreg s17  }
0xb7: {  	[dreg:$0x5] =	wrdreg $0x9  }
0xb8: {  	_ =	task.clear_ibuf [dreg:s9], $0x6FFFF;
	_ =	strace $0x90000046  }
0xb9: {  	s29 =	simm.s32 $0x9;
	_ =	strace $0x80000048  }
0xba: {  	_ =	swait.ge [sflag:s29], $0x1  }
0xbb: {  	[sflag:s29] =	ssyncadd.s32 $0xFFFFFFFF  }
0xbc: {  	_ =	strace $0x90000048  }
0xbd: {  	_ =	sfence  }
0xbe: {  	s30 =	sld [smem:$0x0];
	_ =	sdelay $0x2  }
0xbf: {  	s31 =	sshll.u32 s1, $0xD;
	s1 =	sshrl.u32 s1, $0x2  }
0xc0: {  	s3 =	sand.u32 $0x4000, s31;
	s1 =	sadd.s32 s1, s30  }
0xc1: {  	s0 =	sor.u32 s3, s0;
	s1 =	sshll.u32 s1, $0x11  }
0xc2: {  	s0 =	sor.u32 s1, s0  }
0xc3: {  	s0 =	sadd.s32 $0x8F2B, s0  }
0xc4: {  	[sflag:s0] =	ssyncadd.remote.s32 $0x1  }
0xc5: {  	_ =	sfence.sel $0xFFFF  }
0xc6: {  	[dreg:$0x0] =	wrdreg $0xFFFFFFFF;
	(pc) =	sbr.abs _section_cstart, $3  }
0xc7: {  	[dreg:$0x1] =	wrdreg $0xFFFFFFFF  }
0xc8: {  	_ =	task.clear_ibuf [dreg:s9], $0x2FFFF;
	_ =	strace $0x9FFFFFFF  }
0xc9: {  	(tm) =	ssettm $0x7FFFFFFF  }
tec
execute0_lowered:
.L_overlay_start_1:
0x0: {  	(tag) =	ssettag $0x1  }
0x1: {  	v0 =	vimm.s32 $0x1380;
	vm14 =	vcmask $0x300;
	vm13 =	vcmask $0x704  }
0x2: {  	vm12 =	vcmask $0xB08;
	vm11 =	vcmask $0xF0C;
	vm10 =	vcmask $0x1310  }
0x3: {  	vm9 =	vcmask $0x1714;
	vm8 =	vcmask $0x1B18;
	vm7 =	vcmask $0x1F1C  }
0x4: {  	vm6 =	vcmask $0x2320;
	vm5 =	vcmask $0x2724;
	vm4 =	vcmask $0x2B28  }
0x5: {  	vm3 =	vcmask $0x2F2C;
	vm2 =	vcmask $0x3330;
	vm1 =	vcmask $0x3734  }
0x6: {  	vm0 =	vcmask $0x3B38;
	v5 =	vimm.s32 $0x3380;
	v6 =	vimm.s32 $0x5380  }
0x7: {  	v7 =	vimm.s32 $0x7380;
	v0 =	vsel vm14, $0x0, v0;
	v5 =	vsel vm14, $0x2000, v5  }
0x8: {  	v6 =	vsel vm14, $0x4000, v6;
	v7 =	vsel vm14, $0x6000, v7;
	v0 =	vsel vm13, $0x80, v0  }
0x9: {  	v5 =	vsel vm13, $0x2080, v5;
	v6 =	vsel vm13, $0x4080, v6;
	v7 =	vsel vm13, $0x6080, v7  }
0xa: {  	v0 =	vsel vm12, $0x100, v0;
	v5 =	vsel vm12, $0x2100, v5;
	v6 =	vsel vm12, $0x4100, v6  }
0xb: {  	v7 =	vsel vm12, $0x6100, v7;
	v0 =	vsel vm11, $0x180, v0;
	v5 =	vsel vm11, $0x2180, v5  }
0xc: {  	v6 =	vsel vm11, $0x4180, v6;
	v7 =	vsel vm11, $0x6180, v7;
	v0 =	vsel vm10, $0x200, v0  }
0xd: {  	v5 =	vsel vm10, $0x2200, v5;
	v6 =	vsel vm10, $0x4200, v6;
	v7 =	vsel vm10, $0x6200, v7  }
0xe: {  	v0 =	vsel vm9, $0x280, v0;
	v5 =	vsel vm9, $0x2280, v5;
	v6 =	vsel vm9, $0x4280, v6  }
0xf: {  	s0 =	srdreg.scid;
	s1 =	stileid.u32;
	v7 =	vsel vm9, $0x6280, v7;
	v0 =	vsel vm8, $0x300, v0;
	v5 =	vsel vm8, $0x2300, v5  }
0x10: {  	s0 =	sand.u32 $0x1, s0;
	s1 =	sshll.u32 s1, $0x1;
	v6 =	vsel vm8, $0x4300, v6;
	v7 =	vsel vm8, $0x6300, v7;
	v0 =	vsel vm7, $0x380, v0  }
0x11: {  	s1 =	sor.u32 s0, s1;
	v5 =	vsel vm7, $0x2380, v5;
	v6 =	vsel vm7, $0x4380, v6;
	v7 =	vsel vm7, $0x6380, v7  }
0x12: {  	s3 =	rddreg [dreg:$0x1];
	s1 =	smul.u32 $0x7A00, s1;
	v0 =	vsel vm6, $0x1000, v0;
	v5 =	vsel vm6, $0x3000, v5;
	v6 =	vsel vm6, $0x5000, v6  }
0x13: {  	s5 =	rddreg [dreg:$0x2];
	s16 =	simm.s32 $0x1000;
	v7 =	vsel vm6, $0x7000, v7;
	v0 =	vsel vm5, $0x1080, v0;
	v5 =	vsel vm5, $0x3080, v5  }
0x14: {  	s6 =	simm.s32 $0x0;
	s17 =	simm.s32 $0x7A1400;
	s2 =	smin.u32 s1, $0xEC440;
	v6 =	vsel vm5, $0x5080, v6;
	v7 =	vsel vm5, $0x7080, v7;
	v1 =	vsel vm4, $0x1100, v0  }
0x15: {  	s22 =	simm.s32 $0x3;
	s23 =	simm.s32 $0x1;
	s2 =	sadd.s32 $0x7E00, s2;
	v0 =	vmov s1;
	v5 =	vsel vm4, $0x3100, v5;
	v6 =	vsel vm4, $0x5100, v6  }
0x16: {  	s24 =	simm.s32 $0x7200;
	s25 =	simm.s32 $0x7300;
	s29 =	simm.s32 $0x17400;
	v7 =	vsel vm4, $0x7100, v7;
	v2 =	vsel vm3, $0x1180, v1;
	v1 =	vmov s2  }
0x17: {  	s30 =	simm.s32 $0x0;
	[smem:$0x7FF] =	sst s6;
	s0 =	ssub.s32 $0x2, s0;
	v5 =	vsel vm3, $0x3180, v5;
	v6 =	vsel vm3, $0x5180, v6;
	v7 =	vsel vm3, $0x7180, v7  }
0x18: {  	s4 =	sshrl.u32 s0, $0x1;
	s2 =	rddreg [dreg:$0x0];
	_ =	strace $0x80000047;
	v3 =	vsel vm2, $0x1200, v2;
	v2 =	vlaneseq.u32;
	v5 =	vsel vm2, $0x3200, v5  }
.Ltmp0:
0x19: {  	s0 =	ssub.s32 s0, s4;
	s7 =	sadd.s32 $0x1E8500, s2;
	v4 =	vsel vm1, $0x1280, v3;
	v3 =	vimm.s32 $0x0;
	v8 =	vsel vm1, $0x3280, v5;
	(pc) =	sbr.rel .LBB2_1-.Ltmp0, $4  }
0x1a: {  	s15 =	smax.u32 s0, $0x1;
	s8 =	sadd.s32 $0x3D0A00, s2;
	s26 =	sadd.s32 s2, s1;
	v5 =	vsel vm2, $0x5200, v6;
	v6 =	vsel vm2, $0x7200, v7;
	v4 =	vsel vm0, $0x1300, v4  }
0x1b: {  	s11 =	sadd.s32 $0x5B8F00, s2;
	[dreg:$0x4] =	wrdreg s26;
	s28 =	sadd.s32 s1, s7;
	v7 =	vsel vm1, $0x5280, v5;
	v9 =	vsel vm1, $0x7280, v6;
	v5 =	vmul.u32 $0x80, v2  }
0x1c: {  	s14 =	sadd.s32 $0xF4200, s2;
	s31 =	sadd.s32 s1, s8;
	[dreg:$0x5] =	wrdreg s28;
	v6 =	vsel vm0, $0x3300, v8;
	v7 =	vsel vm0, $0x5300, v7;
	v8 =	vsel vm0, $0x7300, v9  }
0x1d: {  	s13 =	sadd.s32 s1, s11;
	s26 =	simm.s32 $0x2;
	[dreg:$0x6] =	wrdreg s31;
	v9 =	vor.u32 $0x800, v5;
	v10 =	vor.u32 $0x1000, v5;
	v11 =	vor.u32 $0x1800, v5  }
.LBB2_31:
0x1e: {  	s18 =	simm.s32 $0x0  }
.LBB2_35:
0x1f: {  	_ =	sdelay $0x2  }
0x20: {  	[sflag:s22] =	ssyncadd.s32 @p0 $0xFFFFFFC0  }
0x21: {  	v13 =	vld.idx.msk [tilespmem:v12+s24+$0x0], $0xffff;
	_ =	sdelay $0x1  }
0x22: {  	v60 =	vld.idx.msk [tilespmem:v12+s25+$0x0], $0xffff;
	_ =	sdelay $0x2  }
0x23: {  	v14 =	vadd.s32 v5, v13;
	_ =	sdelay $0x1  }
0x24: {  	v12 =	vxor.u32 $0x80000000, v60  }
0x25: {  	(xrf0) =	vmax.scan.msk.u32 $0xffff, v12;
	_ =	sdelay $0x1  }
0x26: {  	v61 =	vld.idx.msk [tilespmem:v14+s29+$0x0], $0xffff  }
0x27: {  	v62 =	vadd.s32 v9, v13  }
0x28: {  	s4 =	sadd.s32 @p0 $0x80, s18  }
0x29: {  	s0 =	smov.u32 @p0 s4  }
0x2a: {  	s0 =	sand.u32 $0x80, s0;
	v15, _, _ =	vpop (xrf0)  }
0x2b: {  	(v2sf) =	vpush v15, $0xF;
	[tilespmem:s0+$0x19400] =	vst v61  }
0x2c: {  	v12 =	vld.idx.msk [tilespmem:v62+s29+$0x0], $0xffff  }
0x2d: {  	v63 =	vadd.s32 v10, v13;
	_ =	sdelay $0x3  }
0x2e: {  	[tilespmem:s0+$0x19410] =	vst v12  }
0x2f: {  	v12 =	vld.idx.msk [tilespmem:v63+s29+$0x0], $0xffff  }
0x30: {  	v13 =	vadd.s32 v11, v13;
	_ =	sdelay $0x3  }
0x31: {  	[tilespmem:s0+$0x19420] =	vst v12  }
0x32: {  	v12 =	vld.idx.msk [tilespmem:v13+s29+$0x0], $0xffff;
	_ =	sdelay $0x1  }
0x33: {  	s28 =	spop (v2sf)  }
0x34: {  	s4 =	sshll.u32 s28, $0x3  }
0x35: {  	s4 =	sand.u32 $0x1FFFFFF8, s4  }
0x36: {  	s9 =	sor.u32 $0x19400, s0;
	s31 =	sadd.s32 s5, s4;
	[tilespmem:s0+$0x19430] =	vst v12  }
0x37: {  	[hbm4b:s31+s6] =	stream.linear.scatter [tilespmem:s9], [sflag:$0x3], $0x40, $0x38;
	[tilespmem:$0x19C00] =	vst v63  }
0x38: {  	_ =	swait.ge [sflag:s22], $0x40  }
0x39: {  	[sflag:s22] =	ssyncset.done $0x0  }
0x3a: {  	[sflag:s22] =	ssyncadd.s32 $0xFFFFFFC0  }
.LBB2_36:
0x3b: {  	s30 =	sadd.s32 $0x1, s30  }
0x3c: {  	p0 =	sne.s32 s30, s15  }
.Ltmp1:
0x3d: {  	_ = 	snop;
	(pc) =	sbr.rel @!p0 .LBB2_37-.Ltmp1, $1  }
0x3e: {  	_ =	sdelay $0x3  }
.LBB2_1:
0x3f: {  	s0 =	rddreg [dreg:$0x4];
	s4 =	simm.s32 $0x7400  }
0x40: {  	[tilespmem:s4], [sflag:$0x1] =	stream.strided.gather [hbm4b:s0+s16], $0x2000, s17, s16, $0x38;
	[tilespmem:$0x19C00] =	vst v63  }
0x41: {  	s19 =	rddreg [dreg:$0x5];
	s20 =	simm.s32 $0x9400  }
0x42: {  	[tilespmem:s20], [sflag:$0x1] =	stream.strided.gather [hbm4b:s19+s16], $0x2000, s17, s16, $0x38;
	[tilespmem:$0x19C00] =	vst v63  }
0x43: {  	s21 =	rddreg [dreg:$0x6];
	s28 =	simm.s32 $0xB400;
	s31 =	simm.s32 $0xD400  }
0x44: {  	[tilespmem:s28], [sflag:$0x1] =	stream.strided.gather [hbm4b:s21+s16], $0x2000, s17, s16, $0x38;
	[tilespmem:$0x19C00] =	vst v63  }
0x45: {  	s18 =	simm.s32 $0x0;
	s4 =	simm.s32 $0x0;
	s0 =	simm.s32 $0x0  }
0x46: {  	[tilespmem:s31], [sflag:$0x1] =	stream.strided.gather [hbm4b:s13+s16], $0x2000, s17, s16, $0x38;
	[tilespmem:$0x19C00] =	vst v63  }
.LBB2_2:
0x47: {  	s9 =	smul.u32 $0x5000, s18;
	_ =	sdelay $0x1  }
0x48: {  	s9 =	sshrl.u32 s9, $0x3  }
0x49: {  	s10 =	simm.s32 $0x0;
	s9 =	sadd.s32 s3, s9  }
0x4a: {  	[tilespmem:s10], [sflag:$0x3] =	stream.linear.gather [hbm4b:s9+s10], $0x5000, $0x38;
	[tilespmem:$0x19C00] =	vst v63  }
0x4b: {  	_ =	swait.ge [sflag:s22], $0x5000  }
0x4c: {  	[sflag:s22] =	ssyncset.done $0x0  }
0x4d: {  	s31 =	simm.s32 $0x0;
	[sflag:s22] =	ssyncadd.s32 $0xFFFFB000  }
0x4e: {  	v12 =	vld [tilespmem:s31+$0x0];
	_ =	sdelay $0x4  }
0x4f: {  	vm0 =	vge.s32 v12, v0;
	vm1 =	vlt.s32 v12, v1  }
0x50: {  	vm0 =	vmand vm0, vm1  }
0x51: {  	v13 =	vsel vm0, $0x1, v3  }
0x52: {  	(xrf0) =	vadd.scan.msk.s32 $0xffff, v13;
	_ =	sdelay $0x5  }
0x53: {  	v13, _, _ =	vpop (xrf0)  }
0x54: {  	v14 =	vor.u32 s4, v2;
	[tilespmem:s0+$0x5000] =	vst.msk vm0, v12;
	(v2sf) =	vpush v13, $0xF  }
0x55: {  	s12 =	simm.s32 $0x10;
	s10 =	simm.s32 $0x80;
	s9 =	smov.u32 s4;
	[tilespmem:s0+$0x6100] =	vst.msk vm0, v14  }
.LBB2_3:
0x56: {  	p0 =	sne.s32 s10, $0x13FC0;
	v12 =	vld [tilespmem:s12+$0x0];
	_ =	sdelay $0x4  }
0x57: {  	vm0 =	vge.s32 v12, v0;
	vm1 =	vlt.s32 v12, v1  }
0x58: {  	vm0 =	vmand vm0, vm1  }
0x59: {  	v13 =	vsel vm0, $0x1, v3  }
0x5a: {  	(xrf0) =	vadd.scan.msk.s32 $0xffff, v13;
	_ =	sdelay $0x3  }
.Ltmp2:
0x5b: {  	(pc) =	sbr.rel @p0 .LBB2_3-.Ltmp2, $4  }
0x5c: {  	s12 =	spop (v2sf)  }
0x5d: {  	s9 =	sadd.s32 $0x10, s9;
	v13, _, _ =	vpop (xrf0);
	s0 =	sadd.s32 s0, s12  }
0x5e: {  	v14 =	vor.u32 s9, v2;
	[tilespmem:s0+$0x5000] =	vst.msk vm0, v12;
	(v2sf) =	vpush v13, $0xF  }
0x5f: {  	s12 =	sshra.s32 s10, $0x2;
	s10 =	sadd.s32 $0x40, s10;
	[tilespmem:s0+$0x6100] =	vst.msk vm0, v14  }
0x60: {  	v12 =	vld [tilespmem:s12+$0x0];
	_ =	sdelay $0x4  }
0x61: {  	vm0 =	vge.s32 v12, v0;
	vm1 =	vlt.s32 v12, v1  }
0x62: {  	vm0 =	vmand vm0, vm1  }
0x63: {  	v13 =	vsel vm0, $0x1, v3  }
0x64: {  	(xrf0) =	vadd.scan.msk.s32 $0xffff, v13;
	_ =	sdelay $0x5  }
0x65: {  	v13, _, _ =	vpop (xrf0)  }
0x66: {  	(v2sf) =	vpush v13, $0xF;
	_ =	sdelay $0x9  }
0x67: {  	s18 =	sadd.s32 $0x1, s18  }
0x68: {  	p0 =	seq.s32 s18, $0x4  }
.Ltmp3:
0x69: {  	_ = 	snop;
	(pc) =	sbr.rel @!p0 .LBB2_2-.Ltmp3, $4  }
0x6a: {  	s10 =	spop (v2sf)  }
0x6b: {  	s9 =	sadd.s32 $0x10, s9;
	s0 =	sadd.s32 s0, s10  }
0x6c: {  	v63 =	vor.u32 s9, v2;
	[tilespmem:s0+$0x5000] =	vst.msk vm0, v12;
	s31 =	spop (v2sf)  }
0x6d: {  	s4 =	sadd.s32 $0x5000, s4;
	[tilespmem:s0+$0x6100] =	vst.msk vm0, v63;
	s0 =	sadd.s32 s0, s31  }
0x6e: {  	s4 =	sadd.s32 $0xF, s0  }
0x6f: {  	s9 =	sand.u32 $0xF, s4  }
0x70: {  	s28 =	sshra.s32 s4, $0x1F;
	p1 =	slt.s32 s4, $0x1;
	p0 =	sne.s32 s9, $0x0  }
.Ltmp4:
0x71: {  	s9 =	sshrl.u32 s28, $0x1C;
	p0 =	por !p1, !p0;
	(pc) =	sbr.rel .LBB2_7-.Ltmp4, $4  }
0x72: {  	s4 =	sadd.s32 s9, s4;
	s9 =	simm.s32 $0x1;
	p0 =	por !p0, !p0  }
0x73: {  	s4 =	sshra.s32 s4, $0x4;
	s9 =	simm.s32 @!p0 $0x0  }
0x74: {  	s31 =	ssub.s32 s4, s9  }
0x75: {  	v12 =	vmov s0;
	s4 =	simm.s32 $0x0;
	p0 =	slt.s32 s31, $0x1  }
.LBB2_22:
0x76: {  	[sflag:s26] =	ssyncadd.s32 $0xFFFFFFC0  }
.LBB2_6:
0x77: {  	p1 =	seq.s32 s4, $0x3F  }
.Ltmp5:
0x78: {  	_ = 	snop;
	(pc) =	sbr.rel @p1 .LBB2_23-.Ltmp5, $1  }
0x79: {  	_ =	sdelay $0x3  }
.LBB2_7:
0x7a: {  	_ =	swait.ge [sflag:s23], $0x2000  }
0x7b: {  	[sflag:s23] =	ssyncset.done $0x0  }
0x7c: {  	[sflag:s23] =	ssyncadd.s32 $0xFFFFE000  }
0x7d: {  	_ =	swait.ge [sflag:s23], $0x2000  }
0x7e: {  	[sflag:s23] =	ssyncset.done $0x0  }
0x7f: {  	s18 =	smov.u32 s4;
	[sflag:s23] =	ssyncadd.s32 $0xFFFFE000  }
0x80: {  	s4 =	sadd.s32 $0x1, s4;
	p1 =	seq.s32 s18, $0x3E;
	_ =	swait.ge [sflag:s23], $0x2000  }
0x81: {  	s0 =	sshll.u32 @!p1 s4, $0x9;
	[sflag:s23] =	ssyncset.done $0x0  }
0x82: {  	s9 =	sshll.u32 @!p1 s4, $0xF;
	s19 =	simm.s32 @!p1 $0x1000;
	[sflag:s23] =	ssyncadd.s32 $0xFFFFE000  }
0x83: {  	s20 =	simm.s32 @!p1 $0x7A1400;
	s0 =	sadd.s32 @!p1 s1, s0;
	_ =	swait.ge [sflag:s23], $0x2000  }
0x84: {  	s9 =	sand.u32 @!p1 $0x8000, s9;
	s0 =	smin.u32 @!p1 s0, $0xF4000;
	[sflag:s23] =	ssyncset.done $0x0  }
0x85: {  	s10 =	sor.u32 @!p1 $0x7400, s9;
	s12 =	sadd.s32 @!p1 s2, s0;
	[sflag:s23] =	ssyncadd.s32 $0xFFFFE000  }
0x86: {  	[tilespmem:s10], [sflag:$0x1] =	stream.strided.gather @!p1 [hbm4b:s12+s19], $0x2000, s20, s19, $0x38;
	[tilespmem:$0x19C00] =	vst v63  }
0x87: {  	s10 =	sadd.s32 @!p1 $0x9400, s9;
	s12 =	sadd.s32 @!p1 s0, s7  }
0x88: {  	[tilespmem:s10], [sflag:$0x1] =	stream.strided.gather @!p1 [hbm4b:s12+s19], $0x2000, s20, s19, $0x38;
	[tilespmem:$0x19C00] =	vst v63  }
.Ltmp6:
0x89: {  	_ = 	snop;
	(pc) =	sbr.rel @p0 .LBB2_6-.Ltmp6, $4  }
0x8a: {  	s10 =	sadd.s32 @!p1 $0xB400, s9;
	s12 =	sadd.s32 @!p1 s0, s8  }
0x8b: {  	[tilespmem:s10], [sflag:$0x1] =	stream.strided.gather @!p1 [hbm4b:s12+s19], $0x2000, s20, s19, $0x38;
	[tilespmem:$0x19C00] =	vst v63  }
0x8c: {  	s9 =	sadd.s32 @!p1 $0xD400, s9;
	s0 =	sadd.s32 @!p1 s0, s11  }
0x8d: {  	[tilespmem:s9], [sflag:$0x1] =	stream.strided.gather @!p1 [hbm4b:s0+s19], $0x2000, s20, s19, $0x38;
	[tilespmem:$0x19C00] =	vst v63  }
0x8e: {  	p2 =	sne.s32 s31, $0x1  }
.Ltmp7:
0x8f: {  	s0 =	sshll.u32 s18, $0x9;
	(pc) =	sbr.rel @!p2 .LBB2_9-.Ltmp7, $4  }
0x90: {  	s0 =	sadd.s32 s1, s0  }
0x91: {  	s0 =	smin.u32 s0, $0xF4000  }
0x92: {  	s10 =	simm.s32 $0x5000;
	s19 =	simm.s32 $0x6100;
	s9 =	sadd.s32 $0x200, s0  }
0x93: {  	p1 =	por $0x0, $0x0;
	v15 =	vld [tilespmem:s10+$0x0];
	s10 =	sadd.s32 $0xFFFFFFFF, s31;
	v13 =	vmov s0;
	s0 =	simm.s32 $0x0;
	v14 =	vmov s9  }
0x94: {  	_ =	sdelay $0x2  }
0x95: {  	v16 =	vor.u32 s0, v2  }
0x96: {  	vm1 =	vlt.s32 v16, v12;
	vm0 =	vlt.s32 v15, v14  }
0x97: {  	vm2 =	vge.s32 v15, v13;
	vm0 =	vmand vm0, vm1  }
0x98: {  	vm0 =	vmand vm0, vm2  }
0x99: {  	v16 =	vsel vm0, $0x1, v3  }
0x9a: {  	(xrf0) =	vadd.scan.msk.s32 $0xffff, v16;
	_ =	sdelay $0x2  }
0x9b: {  	v15 =	vsub.s32 v15, v13;
	v16 =	vld [tilespmem:s19+$0x0]  }
0x9c: {  	p2 =	sne.s32 s10, $0x1  }
.Ltmp8:
0x9d: {  	_ = 	snop;
	(pc) =	sbr.rel @!p2 .LBB2_11-.Ltmp8, $4  }
0x9e: {  	[tilespmem:s0+$0x7200] =	vst.msk vm0, v15;
	v15, _, _ =	vpop (xrf0)  }
0x9f: {  	(v2sf) =	vpush v15, $0xF  }
0xa0: {  	s9 =	simm.s32 $0x5010;
	s10 =	sadd.s32 $0xFFFFFFFF, s10;
	p1 =	por $0x1, $0x1;
	[tilespmem:s0+$0x7300] =	vst.msk vm0, v16  }
0xa1: {  	s28 =	simm.s32 $0x0;
	s20 =	simm.s32 $0x6100;
	s21 =	simm.s32 $0x0;
	v15 =	vld [tilespmem:s9+$0x0]  }
.LBB2_12:
0xa2: {  	p2 =	sne.s32 s10, $0x1;
	_ =	sdelay $0x1  }
0xa3: {  	s28 =	sadd.s32 $0x10, s28  }
0xa4: {  	v16 =	vor.u32 s28, v2  }
0xa5: {  	vm1 =	vlt.s32 v16, v12;
	vm0 =	vlt.s32 v15, v14;
	v16 =	vsub.s32 v15, v13  }
0xa6: {  	vm2 =	vge.s32 v15, v13;
	vm0 =	vmand vm0, vm1  }
0xa7: {  	vm0 =	vmand vm0, vm2  }
0xa8: {  	v15 =	vsel vm0, $0x1, v3  }
0xa9: {  	(xrf0) =	vadd.scan.msk.s32 $0xffff, v15  }
0xaa: {  	s20 =	sadd.s32 $0x10, s20  }
0xab: {  	v15 =	vld [tilespmem:s20+$0x0];
	_ =	sdelay $0x1  }
0xac: {  	s12 =	spop (v2sf)  }
.Ltmp9:
0xad: {  	s21 =	sadd.s32 s21, s12;
	(pc) =	sbr.rel @p2 .LBB2_12-.Ltmp9, $4  }
0xae: {  	[tilespmem:s21+$0x7200] =	vst.msk vm0, v16;
	v16, _, _ =	vpop (xrf0)  }
0xaf: {  	[tilespmem:s21+$0x7300] =	vst.msk vm0, v15;
	(v2sf) =	vpush v16, $0xF  }
0xb0: {  	s9 =	sadd.s32 $0x10, s9  }
0xb1: {  	s10 =	sadd.s32 $0xFFFFFFFF, s10;
	v15 =	vld [tilespmem:s9+$0x0]  }
.LBB2_13:
0xb2: {  	_ = 	snop  }
0xb3: {  	s9 =	sadd.s32 @p1 $0x10, s28;
	s10 =	simm.s32 $0x0  }
0xb4: {  	s10 =	smov.u32 @p1 s9  }
0xb5: {  	v16 =	vor.u32 s10, v2  }
0xb6: {  	vm1 =	vlt.s32 v16, v12;
	vm0 =	vlt.s32 v15, v14  }
0xb7: {  	vm2 =	vge.s32 v15, v13;
	vm0 =	vmand vm0, vm1  }
0xb8: {  	vm0 =	vmand vm0, vm2  }
0xb9: {  	v14 =	vsel vm0, $0x1, v3  }
0xba: {  	(xrf0) =	vadd.scan.msk.s32 $0xffff, v14;
	_ =	sdelay $0x5  }
0xbb: {  	v14, _, _ =	vpop (xrf0)  }
0xbc: {  	(v2sf) =	vpush v14, $0xF;
	_ =	sdelay $0xb  }
0xbd: {  	s9 =	sadd.s32 @p1 $0x10, s20  }
0xbe: {  	s19 =	smov.u32 @p1 s9;
	s9 =	spop @p1 (v2sf)  }
0xbf: {  	s9 =	sadd.s32 @p1 s21, s9  }
0xc0: {  	s0 =	smov.u32 @p1 s9;
	s28 =	spop (v2sf)  }
0xc1: {  	v14 =	vld [tilespmem:s19+$0x0];
	s19 =	sadd.s32 s0, s28  }
0xc2: {  	p1 =	slt.s32 s19, $0x1  }
.Ltmp10:
0xc3: {  	_ = 	snop;
	(pc) =	sbr.rel @p1 .LBB2_6-.Ltmp10, $4  }
0xc4: {  	_ = 	snop  }
0xc5: {  	v13 =	vsub.s32 v15, v13  }
0xc6: {  	[tilespmem:s0+$0x7200] =	vst.msk vm0, v13  }
0xc7: {  	[tilespmem:s0+$0x7300] =	vst.msk vm0, v14  }
0xc8: {  	p1 =	slt.s32 s19, $0xC0;
	s0 =	smov.u32 s19  }
0xc9: {  	s0 =	simm.s32 @!p1 $0xC0  }
0xca: {  	p2 =	sne.s32 s0, $0x1  }
.Ltmp11:
0xcb: {  	_ = 	snop;
	(pc) =	sbr.rel @!p2 .LBB2_15-.Ltmp11, $4  }
0xcc: {  	_ = 	snop  }
0xcd: {  	s9 =	sshll.u32 s18, $0xF  }
0xce: {  	s10 =	sand.u32 $0x8000, s9;
	s9 =	simm.s32 $0x0  }
0xcf: {  	s20 =	simm.s32 $0x1;
	p1 =	por $0x0, $0x0;
	s18 =	sor.u32 $0x7400, s10;
	v13 =	vmov s9  }
0xd0: {  	_ =	sdelay $0x3  }
0xd1: {  	v14 =	vld.idx.msk [tilespmem:v13+s24+$0x0], $0xffff;
	_ =	sdelay $0x2  }
0xd2: {  	v13 =	vld.idx.msk [tilespmem:v13+s25+$0x0], $0xffff;
	_ =	sdelay $0x1  }
0xd3: {  	v15 =	vshll.u32 v14, $0x3  }
0xd4: {  	v14 =	vand.u32 $0x7F, v14;
	v15 =	vand.u32 $0xFFFFFC00, v15  }
0xd5: {  	v14 =	vor.u32 v14, v15  }
0xd6: {  	p1 =	por $0x1, $0x1;
	v13 =	vxor.u32 $0x80000000, v13;
	v15 =	vadd.s32 v4, v14  }
0xd7: {  	s10 =	simm.s32 @!p1 $0x2;
	(xrf0) =	vmax.scan.msk.u32 $0xffff, v13  }
0xd8: {  	_ =	swait.ge @!p1 [sflag:s10], $0x40  }
0xd9: {  	[sflag:s10] =	ssyncset.done @!p1 $0x0  }
0xda: {  	[sflag:s10] =	ssyncadd.s32 @!p1 $0xFFFFFFC0  }
0xdb: {  	v13 =	vld.idx.msk [tilespmem:v15+s18+$0x0], $0xffff  }
0xdc: {  	v15 =	vadd.s32 v6, v14;
	_ =	sdelay $0x2  }
0xdd: {  	s9 =	sand.u32 $0x780, s9;
	v16, _, _ =	vpop (xrf0)  }
0xde: {  	(v2sf) =	vpush v16, $0xF;
	[tilespmem:s9+$0x19400] =	vst v13  }
0xdf: {  	v13 =	vld.idx.msk [tilespmem:v15+s18+$0x0], $0xffff  }
0xe0: {  	v15 =	vadd.s32 v7, v14;
	_ =	sdelay $0x3  }
0xe1: {  	[tilespmem:s9+$0x19410] =	vst v13  }
0xe2: {  	v13 =	vld.idx.msk [tilespmem:v15+s18+$0x0], $0xffff  }
0xe3: {  	v14 =	vadd.s32 v8, v14;
	_ =	sdelay $0x3  }
0xe4: {  	[tilespmem:s9+$0x19420] =	vst v13  }
0xe5: {  	p2 =	sne.s32 s0, $0x2;
	v14 =	vld.idx.msk [tilespmem:v14+s18+$0x0], $0xffff  }
.Ltmp12:
0xe6: {  	_ = 	snop;
	(pc) =	sbr.rel @!p2 .LBB2_17-.Ltmp12, $4  }
0xe7: {  	s21 =	spop (v2sf);
	v13 =	vmov s20  }
0xe8: {  	s10 =	sshll.u32 s21, $0x3  }
0xe9: {  	s28 =	simm.s32 $0x2;
	p1 =	por $0x1, $0x1;
	s12 =	sand.u32 $0x1FFFFFF8, s10  }
0xea: {  	s21 =	simm.s32 $0x80;
	s10 =	sadd.s32 $0x19400, s9;
	s12 =	sadd.s32 s5, s12;
	[tilespmem:s9+$0x19430] =	vst v14  }
.LBB2_18:
0xeb: {  	[hbm4b:s12+s6] =	stream.linear.scatter [tilespmem:s10], [sflag:$0x2], $0x40, $0x38;
	[tilespmem:$0x19C00] =	vst v63  }
0xec: {  	s9 =	smov.u32 s28;
	s28 =	sadd.s32 $0x1, s28;
	v14 =	vld.idx.msk [tilespmem:v13+s24+$0x0], $0xffff  }
0xed: {  	p2 =	sne.s32 s0, s28;
	v13 =	vld.idx.msk [tilespmem:v13+s25+$0x0], $0xffff;
	_ =	sdelay $0x4  }
0xee: {  	v15 =	vshll.u32 v14, $0x3  }
0xef: {  	v14 =	vand.u32 $0x7F, v14;
	v13 =	vxor.u32 $0x80000000, v13;
	v15 =	vand.u32 $0xFFFFFC00, v15  }
0xf0: {  	v14 =	vor.u32 v14, v15;
	(xrf0) =	vmax.scan.msk.u32 $0xffff, v13  }
0xf1: {  	p3 =	slt.u32 s20, $0x10;
	s20 =	smov.u32 s9;
	v13 =	vadd.s32 v4, v14  }
0xf2: {  	s9 =	simm.s32 @!p3 $0x2  }
0xf3: {  	_ =	swait.ge @!p3 [sflag:s9], $0x40  }
0xf4: {  	[sflag:s9] =	ssyncset.done @!p3 $0x0  }
0xf5: {  	[sflag:s9] =	ssyncadd.s32 @!p3 $0xFFFFFFC0  }
0xf6: {  	v13 =	vld.idx.msk [tilespmem:v13+s18+$0x0], $0xffff;
	v15, _, _ =	vpop (xrf0)  }
0xf7: {  	(v2sf) =	vpush v15, $0xF  }
0xf8: {  	v15 =	vadd.s32 v6, v14;
	_ =	sdelay $0x2  }
0xf9: {  	s9 =	sand.u32 $0x780, s21  }
0xfa: {  	[tilespmem:s9+$0x19400] =	vst v13  }
0xfb: {  	v13 =	vld.idx.msk [tilespmem:v15+s18+$0x0], $0xffff;
	_ =	sdelay $0x1  }
0xfc: {  	v15 =	vadd.s32 v7, v14;
	_ =	sdelay $0x3  }
0xfd: {  	[tilespmem:s9+$0x19410] =	vst v13  }
0xfe: {  	v13 =	vld.idx.msk [tilespmem:v15+s18+$0x0], $0xffff;
	_ =	sdelay $0x1  }
0xff: {  	v14 =	vadd.s32 v8, v14;
	s10 =	spop (v2sf)  }
0x100: {  	s10 =	sshll.u32 s10, $0x3  }
0x101: {  	s12 =	sand.u32 $0x1FFFFFF8, s10;
	_ =	sdelay $0x1  }
0x102: {  	[tilespmem:s9+$0x19420] =	vst v13  }
0x103: {  	v14 =	vld.idx.msk [tilespmem:v14+s18+$0x0], $0xffff;
	_ =	sdelay $0x1  }
.Ltmp13:
0x104: {  	(pc) =	sbr.rel @p2 .LBB2_18-.Ltmp13, $2  }
0x105: {  	v13 =	vmov s20;
	_ =	sdelay $0x2  }
0x106: {  	s21 =	sadd.s32 $0x80, s21;
	s10 =	sadd.s32 $0x19400, s9;
	s12 =	sadd.s32 s5, s12;
	[tilespmem:s9+$0x19430] =	vst v14  }
0x107: {  	s9 =	smov.u32 s20  }
.LBB2_20:
0x108: {  	_ =	sdelay $0x2  }
0x109: {  	[hbm4b:s12+s6] =	stream.linear.scatter @p1 [tilespmem:s10], [sflag:$0x2], $0x40, $0x38;
	[tilespmem:$0x19C00] =	vst v63  }
0x10a: {  	v14 =	vld.idx.msk [tilespmem:v13+s24+$0x0], $0xffff;
	_ =	sdelay $0x2  }
0x10b: {  	v13 =	vld.idx.msk [tilespmem:v13+s25+$0x0], $0xffff;
	_ =	sdelay $0x1  }
0x10c: {  	v15 =	vshll.u32 v14, $0x3  }
0x10d: {  	v14 =	vand.u32 $0x7F, v14;
	v15 =	vand.u32 $0xFFFFFC00, v15  }
0x10e: {  	v14 =	vor.u32 v14, v15  }
0x10f: {  	p1 =	slt.u32 s9, $0x10;
	v13 =	vxor.u32 $0x80000000, v13;
	v15 =	vadd.s32 v4, v14  }
0x110: {  	s0 =	simm.s32 @!p1 $0x2;
	(xrf0) =	vmax.scan.msk.u32 $0xffff, v13  }
0x111: {  	_ =	swait.ge @!p1 [sflag:s0], $0x40  }
0x112: {  	[sflag:s0] =	ssyncset.done @!p1 $0x0  }
0x113: {  	[sflag:s0] =	ssyncadd.s32 @!p1 $0xFFFFFFC0  }
0x114: {  	v13 =	vld.idx.msk [tilespmem:v15+s18+$0x0], $0xffff  }
0x115: {  	v15 =	vadd.s32 v6, v14;
	_ =	sdelay $0x2  }
0x116: {  	s12 =	sand.u32 $0x780, s21;
	v16, _, _ =	vpop (xrf0)  }
0x117: {  	(v2sf) =	vpush v16, $0xF;
	[tilespmem:s12+$0x19400] =	vst v13  }
0x118: {  	v13 =	vld.idx.msk [tilespmem:v15+s18+$0x0], $0xffff  }
0x119: {  	v15 =	vadd.s32 v7, v14;
	_ =	sdelay $0x3  }
0x11a: {  	[tilespmem:s12+$0x19410] =	vst v13  }
0x11b: {  	v13 =	vld.idx.msk [tilespmem:v15+s18+$0x0], $0xffff  }
0x11c: {  	v14 =	vadd.s32 v8, v14;
	_ =	sdelay $0x3  }
0x11d: {  	[tilespmem:s12+$0x19420] =	vst v13  }
0x11e: {  	v13 =	vld.idx.msk [tilespmem:v14+s18+$0x0], $0xffff  }
0x11f: {  	p1 =	slt.s32 s19, $0x10  }
0x120: {  	s19 =	simm.s32 @!p1 $0x10;
	s20 =	spop (v2sf)  }
0x121: {  	p1 =	seq.s32 s19, $0x1;
	s9 =	sshll.u32 s20, $0x3  }
.Ltmp14:
0x122: {  	s9 =	sand.u32 $0x1FFFFFF8, s9;
	(pc) =	sbr.rel @p1 .LBB2_22-.Ltmp14, $4  }
0x123: {  	s21 =	sadd.s32 $0x19400, s12;
	s28 =	sadd.s32 s5, s9;
	[tilespmem:s12+$0x19430] =	vst v13  }
0x124: {  	[hbm4b:s28+s6] =	stream.linear.scatter [tilespmem:s21], [sflag:$0x2], $0x40, $0x38;
	[tilespmem:$0x19C00] =	vst v63  }
0x125: {  	_ =	swait.ge [sflag:s26], $0x40  }
0x126: {  	s0 =	sadd.s32 $0xFFFFFFFF, s19;
	[sflag:s26] =	ssyncset.done $0x0  }
.LBB2_21:
0x127: {  	p1 =	seq.s32 s0, $0x1;
	s0 =	sadd.s32 $0xFFFFFFFF, s0;
	[sflag:s26] =	ssyncadd.s32 $0xFFFFFFC0  }
.Ltmp15:
0x128: {  	(pc) =	sbr.rel @!p1 .LBB2_21-.Ltmp15, $3  }
0x129: {  	_ =	sdelay $0x1  }
0x12a: {  	_ =	swait.ge [sflag:s26], $0x40  }
0x12b: {  	[sflag:s26] =	ssyncset.done $0x0  }
.Ltmp16:
0x12c: {  	_ = 	snop;
	(pc) =	sbr.rel .LBB2_22-.Ltmp16, $1  }
0x12d: {  	_ =	sdelay $0x3  }
.LBB2_9:
.Ltmp17:
0x12e: {  	(pc) =	sbr.rel .LBB2_13-.Ltmp17, $2  }
0x12f: {  	_ =	sdelay $0x2  }
0x130: {  	s28 =	simm.s32 $0x0;
	s20 =	simm.s32 $0x6100;
	s21 =	simm.s32 $0x0  }
.LBB2_11:
.Ltmp18:
0x131: {  	(pc) =	sbr.rel .LBB2_13-.Ltmp18, $2  }
0x132: {  	_ =	sdelay $0x2  }
0x133: {  	s28 =	simm.s32 $0x0;
	s20 =	simm.s32 $0x6100;
	s21 =	simm.s32 $0x0  }
.LBB2_15:
.Ltmp19:
0x134: {  	(pc) =	sbr.rel .LBB2_20-.Ltmp19, $2  }
0x135: {  	_ =	sdelay $0x2  }
0x136: {  	s21 =	simm.s32 $0x0  }
.LBB2_17:
.Ltmp20:
0x137: {  	(pc) =	sbr.rel .LBB2_20-.Ltmp20, $2  }
0x138: {  	_ =	sdelay $0x2  }
0x139: {  	s9 =	simm.s32 $0x1  }
.LBB2_23:
.Ltmp21:
0x13a: {  	s0 =	simm.s32 $0x400;
	(pc) =	sbr.rel @p0 .LBB2_36-.Ltmp21, $4  }
0x13b: {  	[tilespmem:s29], [sflag:$0x1] =	stream.strided.gather [hbm4b:s14+s0], $0x2000, s17, s0, $0x38;
	[tilespmem:$0x19C00] =	vst v63  }
0x13c: {  	_ =	swait.ge [sflag:s23], $0x2000  }
0x13d: {  	[sflag:s23] =	ssyncset.done $0x0  }
0x13e: {  	[sflag:s23] =	ssyncadd.s32 $0xFFFFE000  }
0x13f: {  	p1 =	sne.s32 s31, $0x1  }
.Ltmp22:
0x140: {  	_ = 	snop;
	(pc) =	sbr.rel @!p1 .LBB2_25-.Ltmp22, $3  }
0x141: {  	_ =	sdelay $0x1  }
0x142: {  	s9 =	simm.s32 $0x5000;
	s4 =	simm.s32 $0x6100  }
0x143: {  	s0 =	simm.s32 $0x0;
	s10 =	sadd.s32 $0xFFFFFFFF, s31;
	p0 =	por $0x0, $0x0;
	v13 =	vld [tilespmem:s9+$0x0]  }
0x144: {  	_ =	sdelay $0x2  }
0x145: {  	v14 =	vor.u32 s0, v2  }
0x146: {  	vm1 =	vlt.s32 v14, v12;
	vm0 =	vgt.s32 v13, $0xF41FF  }
0x147: {  	vm0 =	vmand vm1, vm0  }
0x148: {  	v14 =	vsel vm0, $0x1, v3  }
0x149: {  	(xrf0) =	vadd.scan.msk.s32 $0xffff, v14;
	_ =	sdelay $0x2  }
0x14a: {  	v13 =	vadd.s32 $0xFFF0BE00, v13;
	v14 =	vld [tilespmem:s4+$0x0]  }
0x14b: {  	p1 =	sne.s32 s10, $0x1  }
.Ltmp23:
0x14c: {  	_ = 	snop;
	(pc) =	sbr.rel @!p1 .LBB2_27-.Ltmp23, $4  }
0x14d: {  	[tilespmem:s0+$0x7200] =	vst.msk vm0, v13;
	v13, _, _ =	vpop (xrf0)  }
0x14e: {  	(v2sf) =	vpush v13, $0xF  }
0x14f: {  	s9 =	simm.s32 $0x5010;
	s10 =	sadd.s32 $0xFFFFFFFF, s10;
	p0 =	por $0x1, $0x1;
	[tilespmem:s0+$0x7300] =	vst.msk vm0, v14  }
0x150: {  	s20 =	simm.s32 $0x0;
	s18 =	simm.s32 $0x6100;
	s19 =	simm.s32 $0x0;
	v13 =	vld [tilespmem:s9+$0x0]  }
.LBB2_28:
0x151: {  	p1 =	sne.s32 s10, $0x1;
	_ =	sdelay $0x1  }
0x152: {  	s20 =	sadd.s32 $0x10, s20  }
0x153: {  	v14 =	vor.u32 s20, v2  }
0x154: {  	vm1 =	vlt.s32 v14, v12;
	vm0 =	vgt.s32 v13, $0xF41FF;
	v13 =	vadd.s32 $0xFFF0BE00, v13  }
0x155: {  	vm0 =	vmand vm1, vm0  }
0x156: {  	v14 =	vsel vm0, $0x1, v3  }
0x157: {  	(xrf0) =	vadd.scan.msk.s32 $0xffff, v14;
	_ =	sdelay $0x1  }
0x158: {  	s18 =	sadd.s32 $0x10, s18  }
0x159: {  	v14 =	vld [tilespmem:s18+$0x0];
	_ =	sdelay $0x1  }
.Ltmp24:
0x15a: {  	s12 =	spop (v2sf);
	(pc) =	sbr.rel @p1 .LBB2_28-.Ltmp24, $4  }
0x15b: {  	v15, _, _ =	vpop (xrf0);
	s19 =	sadd.s32 s19, s12  }
0x15c: {  	[tilespmem:s19+$0x7200] =	vst.msk vm0, v13;
	(v2sf) =	vpush v15, $0xF  }
0x15d: {  	s9 =	sadd.s32 $0x10, s9;
	[tilespmem:s19+$0x7300] =	vst.msk vm0, v14  }
0x15e: {  	s10 =	sadd.s32 $0xFFFFFFFF, s10;
	v13 =	vld [tilespmem:s9+$0x0]  }
.LBB2_29:
0x15f: {  	_ = 	snop  }
0x160: {  	s9 =	sadd.s32 @p0 $0x10, s20;
	s10 =	simm.s32 $0x0  }
0x161: {  	s10 =	smov.u32 @p0 s9  }
0x162: {  	v14 =	vor.u32 s10, v2  }
0x163: {  	vm1 =	vlt.s32 v14, v12;
	vm0 =	vgt.s32 v13, $0xF41FF  }
0x164: {  	vm0 =	vmand vm1, vm0  }
0x165: {  	v61 =	vsel vm0, $0x1, v3  }
0x166: {  	(xrf0) =	vadd.scan.msk.s32 $0xffff, v61;
	_ =	sdelay $0x5  }
0x167: {  	v12, _, _ =	vpop (xrf0)  }
0x168: {  	(v2sf) =	vpush v12, $0xF;
	_ =	sdelay $0xb  }
0x169: {  	s9 =	sadd.s32 @p0 $0x10, s18  }
0x16a: {  	s4 =	smov.u32 @p0 s9;
	s9 =	spop @p0 (v2sf)  }
0x16b: {  	v62 =	vld [tilespmem:s4+$0x0];
	s4 =	sadd.s32 @p0 s19, s9  }
0x16c: {  	s0 =	smov.u32 @p0 s4;
	s31 =	spop (v2sf)  }
0x16d: {  	s4 =	sadd.s32 s0, s31  }
0x16e: {  	p0 =	slt.s32 s4, $0x1  }
.Ltmp25:
0x16f: {  	_ = 	snop;
	(pc) =	sbr.rel @p0 .LBB2_36-.Ltmp25, $4  }
0x170: {  	_ = 	snop  }
0x171: {  	v63 =	vadd.s32 $0xFFF0BE00, v13  }
0x172: {  	[tilespmem:s0+$0x7200] =	vst.msk vm0, v63  }
0x173: {  	[tilespmem:s0+$0x7300] =	vst.msk vm0, v62  }
0x174: {  	p0 =	slt.s32 s4, $0xC0  }
0x175: {  	s4 =	simm.s32 @!p0 $0xC0  }
0x176: {  	p1 =	sne.s32 s4, $0x1  }
.Ltmp26:
0x177: {  	_ = 	snop;
	(pc) =	sbr.rel @!p1 .LBB2_31-.Ltmp26, $3  }
0x178: {  	_ =	sdelay $0x1  }
0x179: {  	s0 =	simm.s32 $0x0  }
0x17a: {  	s9 =	simm.s32 $0x1;
	v12 =	vmov s0;
	p0 =	por $0x0, $0x0  }
0x17b: {  	_ =	sdelay $0x3  }
0x17c: {  	v13 =	vld.idx.msk [tilespmem:v12+s24+$0x0], $0xffff;
	_ =	sdelay $0x1  }
0x17d: {  	v12 =	vld.idx.msk [tilespmem:v12+s25+$0x0], $0xffff;
	_ =	sdelay $0x2  }
0x17e: {  	v14 =	vadd.s32 v5, v13;
	_ =	sdelay $0x1  }
0x17f: {  	v12 =	vxor.u32 $0x80000000, v12  }
0x180: {  	(xrf0) =	vmax.scan.msk.u32 $0xffff, v12;
	_ =	sdelay $0x1  }
0x181: {  	v12 =	vld.idx.msk [tilespmem:v14+s29+$0x0], $0xffff  }
0x182: {  	v14 =	vadd.s32 v9, v13;
	_ =	sdelay $0x2  }
0x183: {  	s10 =	sand.u32 $0x80, s0;
	v15, _, _ =	vpop (xrf0)  }
0x184: {  	(v2sf) =	vpush v15, $0xF;
	[tilespmem:s10+$0x19400] =	vst v12  }
0x185: {  	v12 =	vld.idx.msk [tilespmem:v14+s29+$0x0], $0xffff  }
0x186: {  	v14 =	vadd.s32 v10, v13;
	_ =	sdelay $0x3  }
0x187: {  	[tilespmem:s10+$0x19410] =	vst v12  }
0x188: {  	v12 =	vld.idx.msk [tilespmem:v14+s29+$0x0], $0xffff  }
0x189: {  	v13 =	vadd.s32 v11, v13;
	_ =	sdelay $0x3  }
0x18a: {  	[tilespmem:s10+$0x19420] =	vst v12  }
0x18b: {  	v12 =	vld.idx.msk [tilespmem:v13+s29+$0x0], $0xffff;
	_ =	sdelay $0x1  }
0x18c: {  	s12 =	spop (v2sf)  }
0x18d: {  	p1 =	sne.s32 s4, $0x2;
	s12 =	sshll.u32 s12, $0x3  }
.Ltmp27:
0x18e: {  	s12 =	sand.u32 $0x1FFFFFF8, s12;
	(pc) =	sbr.rel @!p1 .LBB2_33-.Ltmp27, $4  }
0x18f: {  	s18 =	sor.u32 $0x19400, s10;
	s31 =	sadd.s32 s5, s12;
	[tilespmem:s10+$0x19430] =	vst v12  }
0x190: {  	v12 =	vmov s9;
	[hbm4b:s31+s6] =	stream.linear.scatter [tilespmem:s18], [sflag:$0x3], $0x40, $0x38;
	[tilespmem:$0x19C00] =	vst v63  }
0x191: {  	s19 =	simm.s32 $0x2;
	_ =	swait.ge [sflag:s22], $0x40  }
0x192: {  	p0 =	por $0x1, $0x1;
	s18 =	simm.s32 $0x0;
	[sflag:s22] =	ssyncset.done $0x0  }
.LBB2_34:
0x193: {  	[sflag:s22] =	ssyncadd.s32 $0xFFFFFFC0  }
0x194: {  	s18 =	sadd.s32 $0x80, s18;
	s20 =	smov.u32 s19;
	s19 =	sadd.s32 $0x1, s19  }
0x195: {  	p1 =	sne.s32 s4, s19;
	v13 =	vld.idx.msk [tilespmem:v12+s24+$0x0], $0xffff;
	_ =	sdelay $0x5  }
0x196: {  	v14 =	vadd.s32 v5, v13;
	v12 =	vld.idx.msk [tilespmem:v12+s25+$0x0], $0xffff;
	_ =	sdelay $0x4  }
0x197: {  	v14 =	vld.idx.msk [tilespmem:v14+s29+$0x0], $0xffff  }
0x198: {  	v12 =	vxor.u32 $0x80000000, v12  }
0x199: {  	v15 =	vadd.s32 v9, v13;
	(xrf0) =	vmax.scan.msk.u32 $0xffff, v12;
	_ =	sdelay $0x2  }
0x19a: {  	s9 =	sand.u32 $0x80, s18  }
0x19b: {  	[tilespmem:s9+$0x19400] =	vst v14  }
0x19c: {  	v12 =	vld.idx.msk [tilespmem:v15+s29+$0x0], $0xffff  }
0x19d: {  	v14, _, _ =	vpop (xrf0)  }
0x19e: {  	v15 =	vadd.s32 v10, v13;
	(v2sf) =	vpush v14, $0xF;
	_ =	sdelay $0x3  }
0x19f: {  	[tilespmem:s9+$0x19410] =	vst v12  }
0x1a0: {  	v12 =	vld.idx.msk [tilespmem:v15+s29+$0x0], $0xffff;
	_ =	sdelay $0x1  }
0x1a1: {  	v13 =	vadd.s32 v11, v13;
	_ =	sdelay $0x3  }
0x1a2: {  	[tilespmem:s9+$0x19420] =	vst v12  }
0x1a3: {  	v13 =	vld.idx.msk [tilespmem:v13+s29+$0x0], $0xffff;
	_ =	sdelay $0x2  }
0x1a4: {  	s10 =	spop (v2sf)  }
0x1a5: {  	s10 =	sshll.u32 s10, $0x3  }
.Ltmp28:
0x1a6: {  	s10 =	sand.u32 $0x1FFFFFF8, s10;
	(pc) =	sbr.rel @p1 .LBB2_34-.Ltmp28, $4  }
0x1a7: {  	s12 =	sor.u32 $0x19400, s9;
	v12 =	vmov s20;
	[tilespmem:s9+$0x19430] =	vst v13;
	s9 =	sadd.s32 s5, s10  }
0x1a8: {  	[hbm4b:s9+s6] =	stream.linear.scatter [tilespmem:s12], [sflag:$0x3], $0x40, $0x38;
	[tilespmem:$0x19C00] =	vst v63  }
0x1a9: {  	_ =	swait.ge [sflag:s22], $0x40  }
0x1aa: {  	[sflag:s22] =	ssyncset.done $0x0  }
.Ltmp29:
0x1ab: {  	_ = 	snop;
	(pc) =	sbr.rel .LBB2_35-.Ltmp29, $1  }
0x1ac: {  	_ =	sdelay $0x3  }
.LBB2_25:
.Ltmp30:
0x1ad: {  	(pc) =	sbr.rel .LBB2_29-.Ltmp30, $2  }
0x1ae: {  	_ =	sdelay $0x2  }
0x1af: {  	s20 =	simm.s32 $0x0;
	s18 =	simm.s32 $0x6100;
	s19 =	simm.s32 $0x0  }
.LBB2_27:
.Ltmp31:
0x1b0: {  	(pc) =	sbr.rel .LBB2_29-.Ltmp31, $2  }
0x1b1: {  	_ =	sdelay $0x2  }
0x1b2: {  	s20 =	simm.s32 $0x0;
	s18 =	simm.s32 $0x6100;
	s19 =	simm.s32 $0x0  }
.LBB2_33:
.Ltmp32:
0x1b3: {  	(pc) =	sbr.rel .LBB2_35-.Ltmp32, $2  }
0x1b4: {  	_ =	sdelay $0x2  }
0x1b5: {  	s18 =	simm.s32 $0x0  }
.LBB2_37:
0x1b6: {  	_ =	sfence.sel $0x180000  }
0x1b7: {  	[bflag:$0x0] =	sbarrier.arrive $0xFFFF  }
0x1b8: {  	_ =	strace $0x90000047  }
0x1b9: {  	s0 =	stileid.u32;
	[bflag:$0x2] =	sbarrier.arrive $0xFFFF  }
0x1ba: {  	p0 =	sne.s32 s0, $0x0;
	s0 =	rddreg [dreg:$0x3]  }
0x1bb: {  	s0 =	sadd.s32 @!p0 $0x100000, s0  }
0x1bc: {  	[sflag:s0] =	ssyncadd.tile.s32 @!p0 $0x1;
	_ =	shalt  }
.Lfunc_end2:
_tile_overlayer_lowered:
.L_overlay_start_2:
0x1bd: {  	(tag) =	ssettag $0x2  }
0x1be: {  	s0 =	rddreg [dreg:$0x0];
	s2 =	stileid.u32  }
0x1bf: {  	s1 =	rddreg [dreg:$0x1];
	p0 =	sne.s32 s2, $0x0  }
0x1c0: {  	s3 =	rddreg [dreg:$0x2];
	[bflag:$0x3] =	sbarrier.arrive $0xFFFF;
	s2 =	simm.s32 @!p0 $0x1C03  }
0x1c1: {  	[timem:s3], [sflag:s2] =	dma.local @!p0 [hbm:s0], s1  }
0x1c2: {  	s0 =	simm.s32 @!p0 $0x3  }
0x1c3: {  	_ =	swait.ge @!p0 [sflag:s0], s1  }
0x1c4: {  	s1 =	ssub.s32 @!p0 $0x0, s1;
	[sflag:s0] =	ssyncset.done @!p0 $0x0  }
0x1c5: {  	[sflag:s0] =	ssyncadd.s32 @!p0 s1  }
0x1c6: {  	[bflag:$0x3] =	sbarrier.arrive $0xFFFF  }
0x1c7: {  	_ =	shalt  }

</sc_bundles>
